<compile_context>
chip_gen: v7x
topology: tpu7x:2x2x1
jax: 0.10.2.dev20260603
libtpu: 0.0.44.dev20260713+nightly
codegen_flags: <defaults>
</compile_context>

<pallas_src>
import functools

import jax
import jax.numpy as jnp
import numpy as np
from jax import lax
from jax.experimental import pallas as pl
from jax.experimental.pallas import tpu as pltpu
from jax.experimental.pallas import tpu_sc as plsc

N_NODES = 10000
N_PAD = 10240
N_TILES = 16
ROWS_PER_TILE = N_PAD // N_TILES
N_EDGES = 160000
E_PER_TILE = N_EDGES // N_TILES


def _make_seg_sum(d_feat, chunk, with_counts):
  steps = E_PER_TILE // chunk
  assert steps * chunk == E_PER_TILE and chunk % 8 == 0
  mesh = plsc.VectorSubcoreMesh(core_axis_name="c", subcore_axis_name="s",
                                num_cores=2, num_subcores=N_TILES)
  out_type = [jax.ShapeDtypeStruct((N_PAD, d_feat), jnp.float32),
              jax.ShapeDtypeStruct((N_PAD, d_feat), jnp.float32)]
  if with_counts:
    out_type += [jax.ShapeDtypeStruct((N_PAD,), jnp.float32),
                 jax.ShapeDtypeStruct((N_PAD,), jnp.float32)]

  scratch = [
      pltpu.VMEM((chunk,), jnp.int32),
      pltpu.VMEM((chunk,), jnp.int32),
      pltpu.VMEM((chunk,), jnp.int32),
      pltpu.VMEM((chunk,), jnp.int32),
      pltpu.VMEM((chunk, d_feat), jnp.float32),
      pltpu.VMEM((chunk, d_feat), jnp.float32),
  ]
  if with_counts:
    scratch.append(pltpu.VMEM((chunk,), jnp.float32))
  scratch.append(pltpu.VMEM_SHARED((N_PAD, d_feat), jnp.float32))
  if with_counts:
    scratch.append(pltpu.VMEM_SHARED((N_PAD,), jnp.float32))
  n_sem = 10 if with_counts else 8
  scratch += [pltpu.SemaphoreType.DMA] * n_sem

  def body(*args):
    if with_counts:
      (featp, featn, z2, z1, ones_hbm, pe, ne,
       sum_p, sum_n, cnt_p, cnt_n,
       is0, is1, id0, id1, rw0, rw1, ones, acc, cacc,
       sem_is0, sem_is1, sem_id0, sem_id1,
       sem_g0, sem_g1, sem_s0, sem_s1, sem_c0, sem_c1) = args
      sem_c = (sem_c0, sem_c1)
    else:
      (featp, featn, z2, pe, ne,
       sum_p, sum_n,
       is0, is1, id0, id1, rw0, rw1, acc,
       sem_is0, sem_is1, sem_id0, sem_id1,
       sem_g0, sem_g1, sem_s0, sem_s1) = args
    idx_s = (is0, is1)
    idx_d = (id0, id1)
    rows = (rw0, rw1)
    sem_is = (sem_is0, sem_is1)
    sem_id = (sem_id0, sem_id1)
    sem_g = (sem_g0, sem_g1)
    sem_s = (sem_s0, sem_s1)

    c = lax.axis_index("c")
    s = lax.axis_index("s")
    r0 = s * ROWS_PER_TILE

    pltpu.sync_copy(z2.at[pl.ds(r0, ROWS_PER_TILE)],
                    acc.at[pl.ds(r0, ROWS_PER_TILE)])
    if with_counts:
      pltpu.sync_copy(z1.at[pl.ds(r0, ROWS_PER_TILE)],
                      cacc.at[pl.ds(r0, ROWS_PER_TILE)])
      pltpu.sync_copy(ones_hbm, ones)

    plsc.subcore_barrier()

    def run(feat, edges):
      base0 = s * E_PER_TILE

      def s_slice(j):
        return edges.at[0, pl.ds(base0 + j * chunk, chunk)]

      def d_slice(j):
        return edges.at[1, pl.ds(base0 + j * chunk, chunk)]

      def fire_is(j, b):
        pltpu.async_copy(s_slice(j), idx_s[b], sem_is[b])

      def wait_is(j, b):
        pltpu.make_async_copy(s_slice(j), idx_s[b], sem_is[b]).wait()

      def fire_id(j, b):
        pltpu.async_copy(d_slice(j), idx_d[b], sem_id[b])

      def wait_id(j, b):
        pltpu.make_async_copy(d_slice(j), idx_d[b], sem_id[b]).wait()

      def fire_g(b):
        pltpu.async_copy(feat.at[idx_s[b]], rows[b], sem_g[b])

      def wait_g(b):
        pltpu.make_async_copy(feat.at[idx_s[b]], rows[b], sem_g[b]).wait()

      def fire_sc(b):
        pltpu.async_copy(rows[b], acc.at[idx_d[b]], sem_s[b], add=True)
        if with_counts:
          pltpu.async_copy(ones, cacc.at[idx_d[b]], sem_c[b], add=True)

      def wait_sc(b):
        pltpu.make_async_copy(rows[b], acc.at[idx_d[b]], sem_s[b]).wait()
        if with_counts:
          pltpu.make_async_copy(ones, cacc.at[idx_d[b]], sem_c[b]).wait()

      def half(j, b, prefetch):
        wait_is(j, b)
        fire_g(b)
        if prefetch is not None:
          prefetch()
        fire_id(j, b)
        wait_g(b)
        wait_id(j, b)
        fire_sc(b)

      fire_is(0, 0)

      def pair(i, carry):
        c0 = 2 * i

        @pl.when(i > 0)
        def _():
          wait_sc(0)
        half(c0, 0, lambda: fire_is(c0 + 1, 1))

        @pl.when(i > 0)
        def _():
          wait_sc(1)

        def prefetch_next():
          @pl.when(c0 + 2 < steps)
          def _():
            fire_is(c0 + 2, 0)
        half(c0 + 1, 1, prefetch_next)
        return carry

      lax.fori_loop(0, steps // 2, pair, 0)

      if steps % 2:
        j = steps - 1
        wait_sc(0)
        half(j, 0, None)
        wait_sc(0)
        wait_sc(1)
      else:
        wait_sc(0)
        wait_sc(1)

    @pl.when(c == 0)
    def _():
      run(featp, pe)

    @pl.when(c == 1)
    def _():
      run(featn, ne)

    plsc.subcore_barrier()

    @pl.when(c == 0)
    def _():
      pltpu.sync_copy(acc.at[pl.ds(r0, ROWS_PER_TILE)],
                      sum_p.at[pl.ds(r0, ROWS_PER_TILE)])
      if with_counts:
        pltpu.sync_copy(cacc.at[pl.ds(r0, ROWS_PER_TILE)],
                        cnt_p.at[pl.ds(r0, ROWS_PER_TILE)])

    @pl.when(c == 1)
    def _():
      pltpu.sync_copy(acc.at[pl.ds(r0, ROWS_PER_TILE)],
                      sum_n.at[pl.ds(r0, ROWS_PER_TILE)])
      if with_counts:
        pltpu.sync_copy(cacc.at[pl.ds(r0, ROWS_PER_TILE)],
                        cnt_n.at[pl.ds(r0, ROWS_PER_TILE)])

  return pl.kernel(body, out_type=out_type, mesh=mesh, scratch_types=scratch,
                   compiler_params=pltpu.CompilerParams(
                       use_tc_tiling_on_sc=False))


CHUNK_32 = 1000
CHUNK_64 = 400


@functools.lru_cache(maxsize=None)
def _get_seg_sum(d_feat, chunk, with_counts):
  return _make_seg_sum(d_feat, chunk, with_counts)


def _proj1_body(x, wproj, wc, b, xp_out, xn_out, self_out):
  proj = jnp.dot(x[...], wproj[...], preferred_element_type=jnp.float32)
  xp_out[...] = proj[:, :32]
  xn_out[...] = proj[:, 32:]
  self_out[...] = (
      jnp.dot(x[...], wc[...], preferred_element_type=jnp.float32) + b[...])


def _make_proj1(rows_blk):
  grid = (N_NODES // rows_blk,)
  return pl.pallas_call(
      _proj1_body,
      grid=grid,
      in_specs=[pl.BlockSpec((rows_blk, 128), lambda i: (i, 0)),
                pl.BlockSpec((128, 64), lambda i: (0, 0)),
                pl.BlockSpec((128, 64), lambda i: (0, 0)),
                pl.BlockSpec((1, 64), lambda i: (0, 0))],
      out_specs=[pl.BlockSpec((rows_blk, 32), lambda i: (i, 0)),
                 pl.BlockSpec((rows_blk, 32), lambda i: (i, 0)),
                 pl.BlockSpec((rows_blk, 64), lambda i: (i, 0))],
      out_shape=[jax.ShapeDtypeStruct((N_NODES, 32), jnp.float32),
                 jax.ShapeDtypeStruct((N_NODES, 32), jnp.float32),
                 jax.ShapeDtypeStruct((N_NODES, 64), jnp.float32)],
  )


def _dense1_body(sp, sn, cp, cn, self1, wc, b2, z_out, self2_out):
  a = sp[...] * (1.0 / jnp.maximum(cp[...], 1.0))
  b = sn[...] * (1.0 / jnp.maximum(cn[...], 1.0))
  z = jnp.tanh(jnp.concatenate([a, b], axis=1) + self1[...])
  z_out[...] = z
  self2_out[...] = (
      jnp.dot(z, wc[...], preferred_element_type=jnp.float32) + b2[...])


def _make_dense1(rows_blk):
  grid = (N_NODES // rows_blk,)
  half = pl.BlockSpec((rows_blk, 32), lambda i: (i, 0))
  vec = pl.BlockSpec((rows_blk, 1), lambda i: (i, 0))
  full = pl.BlockSpec((rows_blk, 64), lambda i: (i, 0))
  return pl.pallas_call(
      _dense1_body,
      grid=grid,
      in_specs=[half, half, vec, vec, full,
                pl.BlockSpec((64, 64), lambda i: (0, 0)),
                pl.BlockSpec((1, 64), lambda i: (0, 0))],
      out_specs=[full, full],
      out_shape=[jax.ShapeDtypeStruct((N_NODES, 64), jnp.float32),
                 jax.ShapeDtypeStruct((N_NODES, 64), jnp.float32)],
  )


def _dense2_body(sp, sn, cp, cn, self2, wa, wb, out):
  a = sp[...] * (1.0 / jnp.maximum(cp[...], 1.0))
  b = sn[...] * (1.0 / jnp.maximum(cn[...], 1.0))
  acc = (jnp.dot(a, wa[...], preferred_element_type=jnp.float32)
         + jnp.dot(b, wb[...], preferred_element_type=jnp.float32)
         + self2[...])
  out[...] = jnp.tanh(acc)


def _make_dense2(rows_blk):
  grid = (N_NODES // rows_blk,)
  full = pl.BlockSpec((rows_blk, 64), lambda i: (i, 0))
  vec = pl.BlockSpec((rows_blk, 1), lambda i: (i, 0))
  w = pl.BlockSpec((64, 64), lambda i: (0, 0))
  return pl.pallas_call(
      _dense2_body,
      grid=grid,
      in_specs=[full, full, vec, vec, full, w, w],
      out_specs=full,
      out_shape=jax.ShapeDtypeStruct((N_NODES, 64), jnp.float32),
  )


_proj1 = _make_proj1(2000)
_dense1 = _make_dense1(2000)
_dense2 = _make_dense2(2000)

_Z2_32 = np.zeros((N_PAD, 32), np.float32)
_Z1 = np.zeros((N_PAD,), np.float32)
_Z2_64 = np.zeros((N_PAD, 64), np.float32)
_ONES_C = np.ones((CHUNK_32,), np.float32)


def kernel(x, pos_edge_index, neg_edge_index,
           W_pos1, b_pos1, W_neg1, b_neg1,
           W_pos2, b_pos2, W_neg2, b_neg2):
  pe = jnp.asarray(pos_edge_index, jnp.int32)
  ne = jnp.asarray(neg_edge_index, jnp.int32)

  h = W_pos1.shape[1]

  wproj = jnp.concatenate([W_pos1[:128], W_neg1[:128]], axis=1)
  w1c = jnp.concatenate([W_pos1[128:], W_neg1[128:]], axis=1)
  b1 = jnp.concatenate([b_pos1, b_neg1]).reshape(1, 2 * h)
  xp, xn, self1 = _proj1(x, wproj, w1c, b1)

  sum_p, sum_n, cnt_p, cnt_n = _get_seg_sum(32, CHUNK_32, True)(
      xp, xn, _Z2_32, _Z1, _ONES_C, pe, ne)
  cp = cnt_p.reshape(N_PAD, 1)
  cn = cnt_n.reshape(N_PAD, 1)

  zh = jnp.zeros((h, h), jnp.float32)
  w2c = jnp.concatenate(
      [jnp.concatenate([W_pos2[2 * h:], zh], axis=1),
       jnp.concatenate([zh, W_neg2[2 * h:]], axis=1)], axis=0)
  b2 = jnp.concatenate([b_pos2, b_neg2]).reshape(1, 2 * h)
  z, self2 = _dense1(sum_p, sum_n, cp, cn, self1, w2c, b2)

  sum_zp, sum_zn = _get_seg_sum(64, CHUNK_64, False)(
      z, z, _Z2_64, pe, ne)

  w2a = jnp.concatenate(
      [jnp.concatenate([W_pos2[:h], zh], axis=1),
       jnp.concatenate([zh, W_neg2[:h]], axis=1)], axis=0)
  w2b = jnp.concatenate(
      [jnp.concatenate([zh, W_neg2[h:2 * h]], axis=1),
       jnp.concatenate([W_pos2[h:2 * h], zh], axis=1)], axis=0)

  out = _dense2(sum_zp, sum_zn, cp, cn, self2, w2a, w2b)
  return out

# --- scband reference (transcript-rebuilt; emitter-appended) ---
"""Pipeline reference for scband-signed-gcn-18837726560927 (READ-ONLY COPY).

The authoritative reference and input builder live on the scoring server;
editing this copy changes nothing except your own understanding.
"""

import jax, jax.numpy as jnp
import numpy as np

N_NODES = 10000
IN_CH = 128
HID = 64  # hidden_channels; each SignedConv half is HID//2 = 32


def _glorot(key, shape):
    fan_in, fan_out = shape[0], shape[1]
    lim = np.sqrt(6.0 / (fan_in + fan_out))
    return jax.random.uniform(key, shape, dtype=jnp.float32, minval=-lim, maxval=lim)


def setup_inputs(seed: int = 0) -> dict:
    key = jax.random.key(seed)
    ks = jax.random.split(key, 12)
    x = jax.random.normal(ks[0], (N_NODES, IN_CH), dtype=jnp.float32)
    pos_edge_index = jax.random.randint(ks[1], (2, 160000), 0, N_NODES, dtype=jnp.int64)
    neg_edge_index = jax.random.randint(ks[2], (2, 160000), 0, N_NODES, dtype=jnp.int64)
    h = HID // 2
    # conv1 (first_aggr=True): out = Linear(2*in, h)([mean_agg, x]) per sign
    W_pos1 = _glorot(ks[3], (2 * IN_CH, h)); b_pos1 = jnp.zeros((h,), jnp.float32)
    W_neg1 = _glorot(ks[4], (2 * IN_CH, h)); b_neg1 = jnp.zeros((h,), jnp.float32)
    # conv2 (first_aggr=False): out = Linear(3*h, h)([agg1, agg2, x_half]) per sign
    W_pos2 = _glorot(ks[5], (3 * h, h)); b_pos2 = jnp.zeros((h,), jnp.float32)
    W_neg2 = _glorot(ks[6], (3 * h, h)); b_neg2 = jnp.zeros((h,), jnp.float32)
    return {
        "x": x, "pos_edge_index": pos_edge_index, "neg_edge_index": neg_edge_index,
        "W_pos1": W_pos1, "b_pos1": b_pos1, "W_neg1": W_neg1, "b_neg1": b_neg1,
        "W_pos2": W_pos2, "b_pos2": b_pos2, "W_neg2": W_neg2, "b_neg2": b_neg2,
    }


def _mean_agg(feat, edge_index, num_nodes):
    src = edge_index[0]
    dst = edge_index[1]
    msg = jnp.take(feat, src, axis=0)
    summed = jax.ops.segment_sum(msg, dst, num_segments=num_nodes)
    cnt = jax.ops.segment_sum(jnp.ones((src.shape[0],), jnp.float32), dst, num_segments=num_nodes)
    return summed / jnp.clip(cnt, 1.0, None)[:, None]


def reference(x, pos_edge_index, neg_edge_index,
              W_pos1, b_pos1, W_neg1, b_neg1,
              W_pos2, b_pos2, W_neg2, b_neg2):
    n = x.shape[0]
    # --- SignedConv layer 1 (first_aggr=True) ---
    agg_p = _mean_agg(x, pos_edge_index, n)
    agg_n = _mean_agg(x, neg_edge_index, n)
    out_pos = jnp.concatenate([agg_p, x], axis=1) @ W_pos1 + b_pos1
    out_neg = jnp.concatenate([agg_n, x], axis=1) @ W_neg1 + b_neg1
    z = jnp.tanh(jnp.concatenate([out_pos, out_neg], axis=1))
    # --- SignedConv layer 2 (first_aggr=False) ---
    h = z.shape[1] // 2
    z_pos = z[:, :h]
    z_neg = z[:, h:]
    op1 = _mean_agg(z_pos, pos_edge_index, n)
    op2 = _mean_agg(z_neg, neg_edge_index, n)
    out_p = jnp.concatenate([op1, op2, z_pos], axis=1) @ W_pos2 + b_pos2
    on1 = _mean_agg(z_neg, pos_edge_index, n)
    on2 = _mean_agg(z_pos, neg_edge_index, n)
    out_n = jnp.concatenate([on1, on2, z_neg], axis=1) @ W_neg2 + b_neg2
    z = jnp.tanh(jnp.concatenate([out_p, out_n], axis=1))
    return z

if __name__ == "__main__":
    import jax
    _d = setup_inputs()
    print(jax.jit(kernel)(*tuple(_d.values())))

</pallas_src>

<mosaic_0001>
#map = affine_map<(d0, d1) -> (0, 0)>
module attributes {stable_mosaic.version = 14 : i64} {
  func.func @body(%arg0: i32, %arg1: i32, %arg2: memref<10000x64xf32, #tpu.memory_space<hbm>>, %arg3: memref<10000x64xf32, #tpu.memory_space<hbm>>, %arg4: memref<10240x64xf32, #tpu.memory_space<hbm>>, %arg5: memref<2x160000xi32, #tpu.memory_space<hbm>>, %arg6: memref<2x160000xi32, #tpu.memory_space<hbm>>, %arg7: memref<10240x64xf32, #tpu.memory_space<hbm>>, %arg8: memref<10240x64xf32, #tpu.memory_space<hbm>>, %arg9: memref<400xi32, #tpu.memory_space<vmem>>, %arg10: memref<400xi32, #tpu.memory_space<vmem>>, %arg11: memref<400xi32, #tpu.memory_space<vmem>>, %arg12: memref<400xi32, #tpu.memory_space<vmem>>, %arg13: memref<400x64xf32, #tpu.memory_space<vmem>>, %arg14: memref<400x64xf32, #tpu.memory_space<vmem>>, %arg15: memref<10240x64xf32, #tpu.memory_space<vmem_shared>>, %arg16: memref<!tpu.dma_semaphore, #tpu.memory_space<semaphore_mem>>, %arg17: memref<!tpu.dma_semaphore, #tpu.memory_space<semaphore_mem>>, %arg18: memref<!tpu.dma_semaphore, #tpu.memory_space<semaphore_mem>>, %arg19: memref<!tpu.dma_semaphore, #tpu.memory_space<semaphore_mem>>, %arg20: memref<!tpu.dma_semaphore, #tpu.memory_space<semaphore_mem>>, %arg21: memref<!tpu.dma_semaphore, #tpu.memory_space<semaphore_mem>>, %arg22: memref<!tpu.dma_semaphore, #tpu.memory_space<semaphore_mem>>, %arg23: memref<!tpu.dma_semaphore, #tpu.memory_space<semaphore_mem>>) attributes {dimension_semantics = [#tpu.dimension_semantics<core_parallel>, #tpu.dimension_semantics<subcore_parallel>], iteration_bounds = array<i64: 2, 16>, scalar_prefetch = 0 : i64, scratch_operands = 15 : i64, tpu.core_type = #tpu.core_type<sc_vector_subcore>, window_params = [{transform_indices = #map}, {transform_indices = #map}, {transform_indices = #map}, {transform_indices = #map}, {transform_indices = #map}, {transform_indices = #map}, {transform_indices = #map}]} {
    %mul3A = arith.constant 640 : i32
    %mul3A_0 = arith.muli %arg1, %mul3A : i32
    "tpu.region"() ({
      %run_scoped3A = tpu.sem_alloc : memref<!tpu.dma_semaphore, #tpu.memory_space<semaphore_mem>>
      %dma_start3A = arith.constant 0 : i32
      %dma_start3A_19 = tpu.memref_slice %arg15[%mul3A_0, %dma_start3A] : memref<10240x64xf32, #tpu.memory_space<vmem_shared>> -> memref<640x64xf32, #tpu.memory_space<vmem_shared>>
      %dma_start3A_20 = arith.constant 0 : i32
      %dma_start3A_21 = tpu.memref_slice %arg4[%mul3A_0, %dma_start3A_20] : memref<10240x64xf32, #tpu.memory_space<hbm>> -> memref<640x64xf32, #tpu.memory_space<hbm>>
      tpu.enqueue_dma source(%dma_start3A_21 : memref<640x64xf32, #tpu.memory_space<hbm>>) target(%dma_start3A_19 : memref<640x64xf32, #tpu.memory_space<vmem_shared>>) target_semaphore(%run_scoped3A : memref<!tpu.dma_semaphore, #tpu.memory_space<semaphore_mem>>)
      %dma_wait3A = arith.constant 0 : i32
      %dma_wait3A_22 = tpu.memref_slice %arg15[%mul3A_0, %dma_wait3A] : memref<10240x64xf32, #tpu.memory_space<vmem_shared>> -> memref<640x64xf32, #tpu.memory_space<vmem_shared>>
      %dma_wait3A_23 = arith.constant 0 : i32
      %dma_wait3A_24 = tpu.memref_slice %arg4[%mul3A_0, %dma_wait3A_23] : memref<10240x64xf32, #tpu.memory_space<hbm>> -> memref<640x64xf32, #tpu.memory_space<hbm>>
      tpu.wait_dma2 semaphore(%run_scoped3A : memref<!tpu.dma_semaphore, #tpu.memory_space<semaphore_mem>>) src(%dma_wait3A_24 : memref<640x64xf32, #tpu.memory_space<hbm>>) dst(%dma_wait3A_22 : memref<640x64xf32, #tpu.memory_space<vmem_shared>>)
      tpu.yield
    }) : () -> ()
    %barrier3A = arith.constant 0 : index
    tpu.barrier barrier_id(%barrier3A)
    %eq3A = arith.constant 0 : i32
    %eq3A_1 = arith.cmpi eq, %arg0, %eq3A : i32
    %convert_element_type3A = arith.extui %eq3A_1 : i1 to i32
    %cond3A = arith.constant 0 : i32
    %cond3A_2 = arith.cmpi ne, %convert_element_type3A, %cond3A : i32
    scf.if %cond3A_2 {
      %mul3A_19 = arith.constant 10000 : i32
      %mul3A_20 = arith.muli %arg1, %mul3A_19 : i32
      %add3A = arith.constant 0 : i32
      %add3A_21 = arith.addi %mul3A_20, %add3A : i32
      %dma_start3A = arith.constant 0 : i32
      %dma_start3A_22 = tpu.memref_slice %arg5[%dma_start3A, %add3A_21] : memref<2x160000xi32, #tpu.memory_space<hbm>> -> memref<1x400xi32, #tpu.memory_space<hbm>>
      %dma_start3A_23 = tpu.memref_squeeze %dma_start3A_22 : memref<1x400xi32, #tpu.memory_space<hbm>> -> memref<400xi32, #tpu.memory_space<hbm>>
      %dma_start3A_24 = tpu.memref_slice %arg5[%dma_start3A, %add3A_21] : memref<2x160000xi32, #tpu.memory_space<hbm>> -> memref<1x400xi32, #tpu.memory_space<hbm>>
      %dma_start3A_25 = tpu.memref_squeeze %dma_start3A_24 : memref<1x400xi32, #tpu.memory_space<hbm>> -> memref<400xi32, #tpu.memory_space<hbm>>
      tpu.enqueue_dma source(%dma_start3A_25 : memref<400xi32, #tpu.memory_space<hbm>>) target(%arg9 : memref<400xi32, #tpu.memory_space<vmem>>) target_semaphore(%arg16 : memref<!tpu.dma_semaphore, #tpu.memory_space<semaphore_mem>>)
      %scan3A = arith.constant 0 : i32
      %scan3A_26 = arith.constant 0 : i32
      %scan3A_27 = arith.constant 12 : i32
      %scan3A_28 = arith.addi %scan3A_26, %scan3A_27 : i32
      %scan3A_29 = arith.constant 1 : i32
      scf.for %scan3A_69 = %scan3A_26 to %scan3A_28 step %scan3A_29  : i32 {
        %mul3A_70 = arith.constant 2 : i32
        %mul3A_71 = arith.muli %mul3A_70, %scan3A_69 : i32
        %gt3A = arith.constant 0 : i32
        %gt3A_72 = arith.cmpi sgt, %scan3A_69, %gt3A : i32
        %convert_element_type3A_73 = arith.extui %gt3A_72 : i1 to i32
        %cond3A_74 = arith.constant 0 : i32
        %cond3A_75 = arith.cmpi ne, %convert_element_type3A_73, %cond3A_74 : i32
        scf.if %cond3A_75 {
          %dma_wait3A_165 = arith.constant 0 : i32
          %dma_wait3A_166 = arith.constant 0 : i32
          %dma_wait3A_167 = tpu.memref_slice %arg15[%dma_wait3A_165, %dma_wait3A_166] : memref<10240x64xf32, #tpu.memory_space<vmem_shared>> -> memref<10240x64xf32, #tpu.memory_space<vmem_shared>>
          tpu.wait_indirect_dma semaphore(%arg22 : memref<!tpu.dma_semaphore, #tpu.memory_space<semaphore_mem>>) src(%arg13 : memref<400x64xf32, #tpu.memory_space<vmem>>) dst(%dma_wait3A_167 : memref<10240x64xf32, #tpu.memory_space<vmem_shared>>)
        } else {
        }
        %mul3A_76 = arith.constant 400 : i32
        %mul3A_77 = arith.muli %mul3A_71, %mul3A_76 : i32
        %add3A_78 = arith.addi %mul3A_20, %mul3A_77 : i32
        %dma_wait3A_79 = arith.constant 0 : i32
        %dma_wait3A_80 = tpu.memref_slice %arg5[%dma_wait3A_79, %add3A_78] : memref<2x160000xi32, #tpu.memory_space<hbm>> -> memref<1x400xi32, #tpu.memory_space<hbm>>
        %dma_wait3A_81 = tpu.memref_squeeze %dma_wait3A_80 : memref<1x400xi32, #tpu.memory_space<hbm>> -> memref<400xi32, #tpu.memory_space<hbm>>
        %dma_wait3A_82 = tpu.memref_slice %arg5[%dma_wait3A_79, %add3A_78] : memref<2x160000xi32, #tpu.memory_space<hbm>> -> memref<1x400xi32, #tpu.memory_space<hbm>>
        %dma_wait3A_83 = tpu.memref_squeeze %dma_wait3A_82 : memref<1x400xi32, #tpu.memory_space<hbm>> -> memref<400xi32, #tpu.memory_space<hbm>>
        tpu.wait_dma2 semaphore(%arg16 : memref<!tpu.dma_semaphore, #tpu.memory_space<semaphore_mem>>) src(%dma_wait3A_83 : memref<400xi32, #tpu.memory_space<hbm>>) dst(%arg9 : memref<400xi32, #tpu.memory_space<vmem>>)
        %dma_start3A_84 = arith.constant 0 : i32
        %dma_start3A_85 = arith.constant 0 : i32
        %dma_start3A_86 = tpu.memref_slice %arg2[%dma_start3A_84, %dma_start3A_85] : memref<10000x64xf32, #tpu.memory_space<hbm>> -> memref<10000x64xf32, #tpu.memory_space<hbm>>
        tpu.enqueue_indirect_dma source(%dma_start3A_86 : memref<10000x64xf32, #tpu.memory_space<hbm>>) target(%arg13 : memref<400x64xf32, #tpu.memory_space<vmem>>) offsets(%arg9 : memref<400xi32, #tpu.memory_space<vmem>>) semaphore(%arg20 : memref<!tpu.dma_semaphore, #tpu.memory_space<semaphore_mem>>)
        %add3A_87 = arith.constant 1 : i32
        %add3A_88 = arith.addi %mul3A_71, %add3A_87 : i32
        %mul3A_89 = arith.constant 400 : i32
        %mul3A_90 = arith.muli %add3A_88, %mul3A_89 : i32
        %add3A_91 = arith.addi %mul3A_20, %mul3A_90 : i32
        %dma_start3A_92 = arith.constant 0 : i32
        %dma_start3A_93 = tpu.memref_slice %arg5[%dma_start3A_92, %add3A_91] : memref<2x160000xi32, #tpu.memory_space<hbm>> -> memref<1x400xi32, #tpu.memory_space<hbm>>
        %dma_start3A_94 = tpu.memref_squeeze %dma_start3A_93 : memref<1x400xi32, #tpu.memory_space<hbm>> -> memref<400xi32, #tpu.memory_space<hbm>>
        %dma_start3A_95 = tpu.memref_slice %arg5[%dma_start3A_92, %add3A_91] : memref<2x160000xi32, #tpu.memory_space<hbm>> -> memref<1x400xi32, #tpu.memory_space<hbm>>
        %dma_start3A_96 = tpu.memref_squeeze %dma_start3A_95 : memref<1x400xi32, #tpu.memory_space<hbm>> -> memref<400xi32, #tpu.memory_space<hbm>>
        tpu.enqueue_dma source(%dma_start3A_96 : memref<400xi32, #tpu.memory_space<hbm>>) target(%arg10 : memref<400xi32, #tpu.memory_space<vmem>>) target_semaphore(%arg17 : memref<!tpu.dma_semaphore, #tpu.memory_space<semaphore_mem>>)
        %mul3A_97 = arith.constant 400 : i32
        %mul3A_98 = arith.muli %mul3A_71, %mul3A_97 : i32
        %add3A_99 = arith.addi %mul3A_20, %mul3A_98 : i32
        %dma_start3A_100 = arith.constant 1 : i32
        %dma_start3A_101 = tpu.memref_slice %arg5[%dma_start3A_100, %add3A_99] : memref<2x160000xi32, #tpu.memory_space<hbm>> -> memref<1x400xi32, #tpu.memory_space<hbm>>
        %dma_start3A_102 = tpu.memref_squeeze %dma_start3A_101 : memref<1x400xi32, #tpu.memory_space<hbm>> -> memref<400xi32, #tpu.memory_space<hbm>>
        %dma_start3A_103 = tpu.memref_slice %arg5[%dma_start3A_100, %add3A_99] : memref<2x160000xi32, #tpu.memory_space<hbm>> -> memref<1x400xi32, #tpu.memory_space<hbm>>
        %dma_start3A_104 = tpu.memref_squeeze %dma_start3A_103 : memref<1x400xi32, #tpu.memory_space<hbm>> -> memref<400xi32, #tpu.memory_space<hbm>>
        tpu.enqueue_dma source(%dma_start3A_104 : memref<400xi32, #tpu.memory_space<hbm>>) target(%arg11 : memref<400xi32, #tpu.memory_space<vmem>>) target_semaphore(%arg18 : memref<!tpu.dma_semaphore, #tpu.memory_space<semaphore_mem>>)
        %dma_wait3A_105 = arith.constant 0 : i32
        %dma_wait3A_106 = arith.constant 0 : i32
        %dma_wait3A_107 = tpu.memref_slice %arg2[%dma_wait3A_105, %dma_wait3A_106] : memref<10000x64xf32, #tpu.memory_space<hbm>> -> memref<10000x64xf32, #tpu.memory_space<hbm>>
        tpu.wait_indirect_dma semaphore(%arg20 : memref<!tpu.dma_semaphore, #tpu.memory_space<semaphore_mem>>) src(%dma_wait3A_107 : memref<10000x64xf32, #tpu.memory_space<hbm>>) dst(%arg13 : memref<400x64xf32, #tpu.memory_space<vmem>>)
        %mul3A_108 = arith.constant 400 : i32
        %mul3A_109 = arith.muli %mul3A_71, %mul3A_108 : i32
        %add3A_110 = arith.addi %mul3A_20, %mul3A_109 : i32
        %dma_wait3A_111 = arith.constant 1 : i32
        %dma_wait3A_112 = tpu.memref_slice %arg5[%dma_wait3A_111, %add3A_110] : memref<2x160000xi32, #tpu.memory_space<hbm>> -> memref<1x400xi32, #tpu.memory_space<hbm>>
        %dma_wait3A_113 = tpu.memref_squeeze %dma_wait3A_112 : memref<1x400xi32, #tpu.memory_space<hbm>> -> memref<400xi32, #tpu.memory_space<hbm>>
        %dma_wait3A_114 = tpu.memref_slice %arg5[%dma_wait3A_111, %add3A_110] : memref<2x160000xi32, #tpu.memory_space<hbm>> -> memref<1x400xi32, #tpu.memory_space<hbm>>
        %dma_wait3A_115 = tpu.memref_squeeze %dma_wait3A_114 : memref<1x400xi32, #tpu.memory_space<hbm>> -> memref<400xi32, #tpu.memory_space<hbm>>
        tpu.wait_dma2 semaphore(%arg18 : memref<!tpu.dma_semaphore, #tpu.memory_space<semaphore_mem>>) src(%dma_wait3A_115 : memref<400xi32, #tpu.memory_space<hbm>>) dst(%arg11 : memref<400xi32, #tpu.memory_space<vmem>>)
        %dma_start3A_116 = arith.constant 0 : i32
        %dma_start3A_117 = arith.constant 0 : i32
        %dma_start3A_118 = tpu.memref_slice %arg15[%dma_start3A_116, %dma_start3A_117] : memref<10240x64xf32, #tpu.memory_space<vmem_shared>> -> memref<10240x64xf32, #tpu.memory_space<vmem_shared>>
        tpu.enqueue_indirect_dma source(%arg13 : memref<400x64xf32, #tpu.memory_space<vmem>>) target(%dma_start3A_118 : memref<10240x64xf32, #tpu.memory_space<vmem_shared>>) offsets(%arg11 : memref<400xi32, #tpu.memory_space<vmem>>) semaphore(%arg22 : memref<!tpu.dma_semaphore, #tpu.memory_space<semaphore_mem>>) {add = true}
        %gt3A_119 = arith.constant 0 : i32
        %gt3A_120 = arith.cmpi sgt, %scan3A_69, %gt3A_119 : i32
        %convert_element_type3A_121 = arith.extui %gt3A_120 : i1 to i32
        %cond3A_122 = arith.constant 0 : i32
        %cond3A_123 = arith.cmpi ne, %convert_element_type3A_121, %cond3A_122 : i32
        scf.if %cond3A_123 {
          %dma_wait3A_165 = arith.constant 0 : i32
          %dma_wait3A_166 = arith.constant 0 : i32
          %dma_wait3A_167 = tpu.memref_slice %arg15[%dma_wait3A_165, %dma_wait3A_166] : memref<10240x64xf32, #tpu.memory_space<vmem_shared>> -> memref<10240x64xf32, #tpu.memory_space<vmem_shared>>
          tpu.wait_indirect_dma semaphore(%arg23 : memref<!tpu.dma_semaphore, #tpu.memory_space<semaphore_mem>>) src(%arg14 : memref<400x64xf32, #tpu.memory_space<vmem>>) dst(%dma_wait3A_167 : memref<10240x64xf32, #tpu.memory_space<vmem_shared>>)
        } else {
        }
        %add3A_124 = arith.constant 1 : i32
        %add3A_125 = arith.addi %mul3A_71, %add3A_124 : i32
        %mul3A_126 = arith.constant 400 : i32
        %mul3A_127 = arith.muli %add3A_125, %mul3A_126 : i32
        %add3A_128 = arith.addi %mul3A_20, %mul3A_127 : i32
        %dma_wait3A_129 = arith.constant 0 : i32
        %dma_wait3A_130 = tpu.memref_slice %arg5[%dma_wait3A_129, %add3A_128] : memref<2x160000xi32, #tpu.memory_space<hbm>> -> memref<1x400xi32, #tpu.memory_space<hbm>>
        %dma_wait3A_131 = tpu.memref_squeeze %dma_wait3A_130 : memref<1x400xi32, #tpu.memory_space<hbm>> -> memref<400xi32, #tpu.memory_space<hbm>>
        %dma_wait3A_132 = tpu.memref_slice %arg5[%dma_wait3A_129, %add3A_128] : memref<2x160000xi32, #tpu.memory_space<hbm>> -> memref<1x400xi32, #tpu.memory_space<hbm>>
        %dma_wait3A_133 = tpu.memref_squeeze %dma_wait3A_132 : memref<1x400xi32, #tpu.memory_space<hbm>> -> memref<400xi32, #tpu.memory_space<hbm>>
        tpu.wait_dma2 semaphore(%arg17 : memref<!tpu.dma_semaphore, #tpu.memory_space<semaphore_mem>>) src(%dma_wait3A_133 : memref<400xi32, #tpu.memory_space<hbm>>) dst(%arg10 : memref<400xi32, #tpu.memory_space<vmem>>)
        %dma_start3A_134 = arith.constant 0 : i32
        %dma_start3A_135 = arith.constant 0 : i32
        %dma_start3A_136 = tpu.memref_slice %arg2[%dma_start3A_134, %dma_start3A_135] : memref<10000x64xf32, #tpu.memory_space<hbm>> -> memref<10000x64xf32, #tpu.memory_space<hbm>>
        tpu.enqueue_indirect_dma source(%dma_start3A_136 : memref<10000x64xf32, #tpu.memory_space<hbm>>) target(%arg14 : memref<400x64xf32, #tpu.memory_space<vmem>>) offsets(%arg10 : memref<400xi32, #tpu.memory_space<vmem>>) semaphore(%arg21 : memref<!tpu.dma_semaphore, #tpu.memory_space<semaphore_mem>>)
        %add3A_137 = arith.constant 2 : i32
        %add3A_138 = arith.addi %mul3A_71, %add3A_137 : i32
        %lt3A = arith.constant 25 : i32
        %lt3A_139 = arith.cmpi slt, %add3A_138, %lt3A : i32
        %convert_element_type3A_140 = arith.extui %lt3A_139 : i1 to i32
        %cond3A_141 = arith.constant 0 : i32
        %cond3A_142 = arith.cmpi ne, %convert_element_type3A_140, %cond3A_141 : i32
        scf.if %cond3A_142 {
          %add3A_165 = arith.constant 2 : i32
          %add3A_166 = arith.addi %mul3A_71, %add3A_165 : i32
          %mul3A_167 = arith.constant 400 : i32
          %mul3A_168 = arith.muli %add3A_166, %mul3A_167 : i32
          %add3A_169 = arith.addi %mul3A_20, %mul3A_168 : i32
          %dma_start3A_170 = arith.constant 0 : i32
          %dma_start3A_171 = tpu.memref_slice %arg5[%dma_start3A_170, %add3A_169] : memref<2x160000xi32, #tpu.memory_space<hbm>> -> memref<1x400xi32, #tpu.memory_space<hbm>>
          %dma_start3A_172 = tpu.memref_squeeze %dma_start3A_171 : memref<1x400xi32, #tpu.memory_space<hbm>> -> memref<400xi32, #tpu.memory_space<hbm>>
          %dma_start3A_173 = tpu.memref_slice %arg5[%dma_start3A_170, %add3A_169] : memref<2x160000xi32, #tpu.memory_space<hbm>> -> memref<1x400xi32, #tpu.memory_space<hbm>>
          %dma_start3A_174 = tpu.memref_squeeze %dma_start3A_173 : memref<1x400xi32, #tpu.memory_space<hbm>> -> memref<400xi32, #tpu.memory_space<hbm>>
          tpu.enqueue_dma source(%dma_start3A_174 : memref<400xi32, #tpu.memory_space<hbm>>) target(%arg9 : memref<400xi32, #tpu.memory_space<vmem>>) target_semaphore(%arg16 : memref<!tpu.dma_semaphore, #tpu.memory_space<semaphore_mem>>)
        } else {
        }
        %mul3A_143 = arith.constant 400 : i32
        %mul3A_144 = arith.muli %add3A_125, %mul3A_143 : i32
        %add3A_145 = arith.addi %mul3A_20, %mul3A_144 : i32
        %dma_start3A_146 = arith.constant 1 : i32
        %dma_start3A_147 = tpu.memref_slice %arg5[%dma_start3A_146, %add3A_145] : memref<2x160000xi32, #tpu.memory_space<hbm>> -> memref<1x400xi32, #tpu.memory_space<hbm>>
        %dma_start3A_148 = tpu.memref_squeeze %dma_start3A_147 : memref<1x400xi32, #tpu.memory_space<hbm>> -> memref<400xi32, #tpu.memory_space<hbm>>
        %dma_start3A_149 = tpu.memref_slice %arg5[%dma_start3A_146, %add3A_145] : memref<2x160000xi32, #tpu.memory_space<hbm>> -> memref<1x400xi32, #tpu.memory_space<hbm>>
        %dma_start3A_150 = tpu.memref_squeeze %dma_start3A_149 : memref<1x400xi32, #tpu.memory_space<hbm>> -> memref<400xi32, #tpu.memory_space<hbm>>
        tpu.enqueue_dma source(%dma_start3A_150 : memref<400xi32, #tpu.memory_space<hbm>>) target(%arg12 : memref<400xi32, #tpu.memory_space<vmem>>) target_semaphore(%arg19 : memref<!tpu.dma_semaphore, #tpu.memory_space<semaphore_mem>>)
        %dma_wait3A_151 = arith.constant 0 : i32
        %dma_wait3A_152 = arith.constant 0 : i32
        %dma_wait3A_153 = tpu.memref_slice %arg2[%dma_wait3A_151, %dma_wait3A_152] : memref<10000x64xf32, #tpu.memory_space<hbm>> -> memref<10000x64xf32, #tpu.memory_space<hbm>>
        tpu.wait_indirect_dma semaphore(%arg21 : memref<!tpu.dma_semaphore, #tpu.memory_space<semaphore_mem>>) src(%dma_wait3A_153 : memref<10000x64xf32, #tpu.memory_space<hbm>>) dst(%arg14 : memref<400x64xf32, #tpu.memory_space<vmem>>)
        %mul3A_154 = arith.constant 400 : i32
        %mul3A_155 = arith.muli %add3A_125, %mul3A_154 : i32
        %add3A_156 = arith.addi %mul3A_20, %mul3A_155 : i32
        %dma_wait3A_157 = arith.constant 1 : i32
        %dma_wait3A_158 = tpu.memref_slice %arg5[%dma_wait3A_157, %add3A_156] : memref<2x160000xi32, #tpu.memory_space<hbm>> -> memref<1x400xi32, #tpu.memory_space<hbm>>
        %dma_wait3A_159 = tpu.memref_squeeze %dma_wait3A_158 : memref<1x400xi32, #tpu.memory_space<hbm>> -> memref<400xi32, #tpu.memory_space<hbm>>
        %dma_wait3A_160 = tpu.memref_slice %arg5[%dma_wait3A_157, %add3A_156] : memref<2x160000xi32, #tpu.memory_space<hbm>> -> memref<1x400xi32, #tpu.memory_space<hbm>>
        %dma_wait3A_161 = tpu.memref_squeeze %dma_wait3A_160 : memref<1x400xi32, #tpu.memory_space<hbm>> -> memref<400xi32, #tpu.memory_space<hbm>>
        tpu.wait_dma2 semaphore(%arg19 : memref<!tpu.dma_semaphore, #tpu.memory_space<semaphore_mem>>) src(%dma_wait3A_161 : memref<400xi32, #tpu.memory_space<hbm>>) dst(%arg12 : memref<400xi32, #tpu.memory_space<vmem>>)
        %dma_start3A_162 = arith.constant 0 : i32
        %dma_start3A_163 = arith.constant 0 : i32
        %dma_start3A_164 = tpu.memref_slice %arg15[%dma_start3A_162, %dma_start3A_163] : memref<10240x64xf32, #tpu.memory_space<vmem_shared>> -> memref<10240x64xf32, #tpu.memory_space<vmem_shared>>
        tpu.enqueue_indirect_dma source(%arg14 : memref<400x64xf32, #tpu.memory_space<vmem>>) target(%dma_start3A_164 : memref<10240x64xf32, #tpu.memory_space<vmem_shared>>) offsets(%arg12 : memref<400xi32, #tpu.memory_space<vmem>>) semaphore(%arg23 : memref<!tpu.dma_semaphore, #tpu.memory_space<semaphore_mem>>) {add = true}
      }
      %scan3A_30 = arith.constant 12 : i32
      %dma_wait3A = arith.constant 0 : i32
      %dma_wait3A_31 = arith.constant 0 : i32
      %dma_wait3A_32 = tpu.memref_slice %arg15[%dma_wait3A, %dma_wait3A_31] : memref<10240x64xf32, #tpu.memory_space<vmem_shared>> -> memref<10240x64xf32, #tpu.memory_space<vmem_shared>>
      tpu.wait_indirect_dma semaphore(%arg22 : memref<!tpu.dma_semaphore, #tpu.memory_space<semaphore_mem>>) src(%arg13 : memref<400x64xf32, #tpu.memory_space<vmem>>) dst(%dma_wait3A_32 : memref<10240x64xf32, #tpu.memory_space<vmem_shared>>)
      %add3A_33 = arith.constant 9600 : i32
      %add3A_34 = arith.addi %mul3A_20, %add3A_33 : i32
      %dma_wait3A_35 = arith.constant 0 : i32
      %dma_wait3A_36 = tpu.memref_slice %arg5[%dma_wait3A_35, %add3A_34] : memref<2x160000xi32, #tpu.memory_space<hbm>> -> memref<1x400xi32, #tpu.memory_space<hbm>>
      %dma_wait3A_37 = tpu.memref_squeeze %dma_wait3A_36 : memref<1x400xi32, #tpu.memory_space<hbm>> -> memref<400xi32, #tpu.memory_space<hbm>>
      %dma_wait3A_38 = tpu.memref_slice %arg5[%dma_wait3A_35, %add3A_34] : memref<2x160000xi32, #tpu.memory_space<hbm>> -> memref<1x400xi32, #tpu.memory_space<hbm>>
      %dma_wait3A_39 = tpu.memref_squeeze %dma_wait3A_38 : memref<1x400xi32, #tpu.memory_space<hbm>> -> memref<400xi32, #tpu.memory_space<hbm>>
      tpu.wait_dma2 semaphore(%arg16 : memref<!tpu.dma_semaphore, #tpu.memory_space<semaphore_mem>>) src(%dma_wait3A_39 : memref<400xi32, #tpu.memory_space<hbm>>) dst(%arg9 : memref<400xi32, #tpu.memory_space<vmem>>)
      %dma_start3A_40 = arith.constant 0 : i32
      %dma_start3A_41 = arith.constant 0 : i32
      %dma_start3A_42 = tpu.memref_slice %arg2[%dma_start3A_40, %dma_start3A_41] : memref<10000x64xf32, #tpu.memory_space<hbm>> -> memref<10000x64xf32, #tpu.memory_space<hbm>>
      tpu.enqueue_indirect_dma source(%dma_start3A_42 : memref<10000x64xf32, #tpu.memory_space<hbm>>) target(%arg13 : memref<400x64xf32, #tpu.memory_space<vmem>>) offsets(%arg9 : memref<400xi32, #tpu.memory_space<vmem>>) semaphore(%arg20 : memref<!tpu.dma_semaphore, #tpu.memory_space<semaphore_mem>>)
      %add3A_43 = arith.constant 9600 : i32
      %add3A_44 = arith.addi %mul3A_20, %add3A_43 : i32
      %dma_start3A_45 = arith.constant 1 : i32
      %dma_start3A_46 = tpu.memref_slice %arg5[%dma_start3A_45, %add3A_44] : memref<2x160000xi32, #tpu.memory_space<hbm>> -> memref<1x400xi32, #tpu.memory_space<hbm>>
      %dma_start3A_47 = tpu.memref_squeeze %dma_start3A_46 : memref<1x400xi32, #tpu.memory_space<hbm>> -> memref<400xi32, #tpu.memory_space<hbm>>
      %dma_start3A_48 = tpu.memref_slice %arg5[%dma_start3A_45, %add3A_44] : memref<2x160000xi32, #tpu.memory_space<hbm>> -> memref<1x400xi32, #tpu.memory_space<hbm>>
      %dma_start3A_49 = tpu.memref_squeeze %dma_start3A_48 : memref<1x400xi32, #tpu.memory_space<hbm>> -> memref<400xi32, #tpu.memory_space<hbm>>
      tpu.enqueue_dma source(%dma_start3A_49 : memref<400xi32, #tpu.memory_space<hbm>>) target(%arg11 : memref<400xi32, #tpu.memory_space<vmem>>) target_semaphore(%arg18 : memref<!tpu.dma_semaphore, #tpu.memory_space<semaphore_mem>>)
      %dma_wait3A_50 = arith.constant 0 : i32
      %dma_wait3A_51 = arith.constant 0 : i32
      %dma_wait3A_52 = tpu.memref_slice %arg2[%dma_wait3A_50, %dma_wait3A_51] : memref<10000x64xf32, #tpu.memory_space<hbm>> -> memref<10000x64xf32, #tpu.memory_space<hbm>>
      tpu.wait_indirect_dma semaphore(%arg20 : memref<!tpu.dma_semaphore, #tpu.memory_space<semaphore_mem>>) src(%dma_wait3A_52 : memref<10000x64xf32, #tpu.memory_space<hbm>>) dst(%arg13 : memref<400x64xf32, #tpu.memory_space<vmem>>)
      %add3A_53 = arith.constant 9600 : i32
      %add3A_54 = arith.addi %mul3A_20, %add3A_53 : i32
      %dma_wait3A_55 = arith.constant 1 : i32
      %dma_wait3A_56 = tpu.memref_slice %arg5[%dma_wait3A_55, %add3A_54] : memref<2x160000xi32, #tpu.memory_space<hbm>> -> memref<1x400xi32, #tpu.memory_space<hbm>>
      %dma_wait3A_57 = tpu.memref_squeeze %dma_wait3A_56 : memref<1x400xi32, #tpu.memory_space<hbm>> -> memref<400xi32, #tpu.memory_space<hbm>>
      %dma_wait3A_58 = tpu.memref_slice %arg5[%dma_wait3A_55, %add3A_54] : memref<2x160000xi32, #tpu.memory_space<hbm>> -> memref<1x400xi32, #tpu.memory_space<hbm>>
      %dma_wait3A_59 = tpu.memref_squeeze %dma_wait3A_58 : memref<1x400xi32, #tpu.memory_space<hbm>> -> memref<400xi32, #tpu.memory_space<hbm>>
      tpu.wait_dma2 semaphore(%arg18 : memref<!tpu.dma_semaphore, #tpu.memory_space<semaphore_mem>>) src(%dma_wait3A_59 : memref<400xi32, #tpu.memory_space<hbm>>) dst(%arg11 : memref<400xi32, #tpu.memory_space<vmem>>)
      %dma_start3A_60 = arith.constant 0 : i32
      %dma_start3A_61 = arith.constant 0 : i32
      %dma_start3A_62 = tpu.memref_slice %arg15[%dma_start3A_60, %dma_start3A_61] : memref<10240x64xf32, #tpu.memory_space<vmem_shared>> -> memref<10240x64xf32, #tpu.memory_space<vmem_shared>>
      tpu.enqueue_indirect_dma source(%arg13 : memref<400x64xf32, #tpu.memory_space<vmem>>) target(%dma_start3A_62 : memref<10240x64xf32, #tpu.memory_space<vmem_shared>>) offsets(%arg11 : memref<400xi32, #tpu.memory_space<vmem>>) semaphore(%arg22 : memref<!tpu.dma_semaphore, #tpu.memory_space<semaphore_mem>>) {add = true}
      %dma_wait3A_63 = arith.constant 0 : i32
      %dma_wait3A_64 = arith.constant 0 : i32
      %dma_wait3A_65 = tpu.memref_slice %arg15[%dma_wait3A_63, %dma_wait3A_64] : memref<10240x64xf32, #tpu.memory_space<vmem_shared>> -> memref<10240x64xf32, #tpu.memory_space<vmem_shared>>
      tpu.wait_indirect_dma semaphore(%arg22 : memref<!tpu.dma_semaphore, #tpu.memory_space<semaphore_mem>>) src(%arg13 : memref<400x64xf32, #tpu.memory_space<vmem>>) dst(%dma_wait3A_65 : memref<10240x64xf32, #tpu.memory_space<vmem_shared>>)
      %dma_wait3A_66 = arith.constant 0 : i32
      %dma_wait3A_67 = arith.constant 0 : i32
      %dma_wait3A_68 = tpu.memref_slice %arg15[%dma_wait3A_66, %dma_wait3A_67] : memref<10240x64xf32, #tpu.memory_space<vmem_shared>> -> memref<10240x64xf32, #tpu.memory_space<vmem_shared>>
      tpu.wait_indirect_dma semaphore(%arg23 : memref<!tpu.dma_semaphore, #tpu.memory_space<semaphore_mem>>) src(%arg14 : memref<400x64xf32, #tpu.memory_space<vmem>>) dst(%dma_wait3A_68 : memref<10240x64xf32, #tpu.memory_space<vmem_shared>>)
    } else {
    }
    %eq3A_3 = arith.constant 1 : i32
    %eq3A_4 = arith.cmpi eq, %arg0, %eq3A_3 : i32
    %convert_element_type3A_5 = arith.extui %eq3A_4 : i1 to i32
    %cond3A_6 = arith.constant 0 : i32
    %cond3A_7 = arith.cmpi ne, %convert_element_type3A_5, %cond3A_6 : i32
    scf.if %cond3A_7 {
      %mul3A_19 = arith.constant 10000 : i32
      %mul3A_20 = arith.muli %arg1, %mul3A_19 : i32
      %add3A = arith.constant 0 : i32
      %add3A_21 = arith.addi %mul3A_20, %add3A : i32
      %dma_start3A = arith.constant 0 : i32
      %dma_start3A_22 = tpu.memref_slice %arg6[%dma_start3A, %add3A_21] : memref<2x160000xi32, #tpu.memory_space<hbm>> -> memref<1x400xi32, #tpu.memory_space<hbm>>
      %dma_start3A_23 = tpu.memref_squeeze %dma_start3A_22 : memref<1x400xi32, #tpu.memory_space<hbm>> -> memref<400xi32, #tpu.memory_space<hbm>>
      %dma_start3A_24 = tpu.memref_slice %arg6[%dma_start3A, %add3A_21] : memref<2x160000xi32, #tpu.memory_space<hbm>> -> memref<1x400xi32, #tpu.memory_space<hbm>>
      %dma_start3A_25 = tpu.memref_squeeze %dma_start3A_24 : memref<1x400xi32, #tpu.memory_space<hbm>> -> memref<400xi32, #tpu.memory_space<hbm>>
      tpu.enqueue_dma source(%dma_start3A_25 : memref<400xi32, #tpu.memory_space<hbm>>) target(%arg9 : memref<400xi32, #tpu.memory_space<vmem>>) target_semaphore(%arg16 : memref<!tpu.dma_semaphore, #tpu.memory_space<semaphore_mem>>)
      %scan3A = arith.constant 0 : i32
      %scan3A_26 = arith.constant 0 : i32
      %scan3A_27 = arith.constant 12 : i32
      %scan3A_28 = arith.addi %scan3A_26, %scan3A_27 : i32
      %scan3A_29 = arith.constant 1 : i32
      scf.for %scan3A_69 = %scan3A_26 to %scan3A_28 step %scan3A_29  : i32 {
        %mul3A_70 = arith.constant 2 : i32
        %mul3A_71 = arith.muli %mul3A_70, %scan3A_69 : i32
        %gt3A = arith.constant 0 : i32
        %gt3A_72 = arith.cmpi sgt, %scan3A_69, %gt3A : i32
        %convert_element_type3A_73 = arith.extui %gt3A_72 : i1 to i32
        %cond3A_74 = arith.constant 0 : i32
        %cond3A_75 = arith.cmpi ne, %convert_element_type3A_73, %cond3A_74 : i32
        scf.if %cond3A_75 {
          %dma_wait3A_165 = arith.constant 0 : i32
          %dma_wait3A_166 = arith.constant 0 : i32
          %dma_wait3A_167 = tpu.memref_slice %arg15[%dma_wait3A_165, %dma_wait3A_166] : memref<10240x64xf32, #tpu.memory_space<vmem_shared>> -> memref<10240x64xf32, #tpu.memory_space<vmem_shared>>
          tpu.wait_indirect_dma semaphore(%arg22 : memref<!tpu.dma_semaphore, #tpu.memory_space<semaphore_mem>>) src(%arg13 : memref<400x64xf32, #tpu.memory_space<vmem>>) dst(%dma_wait3A_167 : memref<10240x64xf32, #tpu.memory_space<vmem_shared>>)
        } else {
        }
        %mul3A_76 = arith.constant 400 : i32
        %mul3A_77 = arith.muli %mul3A_71, %mul3A_76 : i32
        %add3A_78 = arith.addi %mul3A_20, %mul3A_77 : i32
        %dma_wait3A_79 = arith.constant 0 : i32
        %dma_wait3A_80 = tpu.memref_slice %arg6[%dma_wait3A_79, %add3A_78] : memref<2x160000xi32, #tpu.memory_space<hbm>> -> memref<1x400xi32, #tpu.memory_space<hbm>>
        %dma_wait3A_81 = tpu.memref_squeeze %dma_wait3A_80 : memref<1x400xi32, #tpu.memory_space<hbm>> -> memref<400xi32, #tpu.memory_space<hbm>>
        %dma_wait3A_82 = tpu.memref_slice %arg6[%dma_wait3A_79, %add3A_78] : memref<2x160000xi32, #tpu.memory_space<hbm>> -> memref<1x400xi32, #tpu.memory_space<hbm>>
        %dma_wait3A_83 = tpu.memref_squeeze %dma_wait3A_82 : memref<1x400xi32, #tpu.memory_space<hbm>> -> memref<400xi32, #tpu.memory_space<hbm>>
        tpu.wait_dma2 semaphore(%arg16 : memref<!tpu.dma_semaphore, #tpu.memory_space<semaphore_mem>>) src(%dma_wait3A_83 : memref<400xi32, #tpu.memory_space<hbm>>) dst(%arg9 : memref<400xi32, #tpu.memory_space<vmem>>)
        %dma_start3A_84 = arith.constant 0 : i32
        %dma_start3A_85 = arith.constant 0 : i32
        %dma_start3A_86 = tpu.memref_slice %arg3[%dma_start3A_84, %dma_start3A_85] : memref<10000x64xf32, #tpu.memory_space<hbm>> -> memref<10000x64xf32, #tpu.memory_space<hbm>>
        tpu.enqueue_indirect_dma source(%dma_start3A_86 : memref<10000x64xf32, #tpu.memory_space<hbm>>) target(%arg13 : memref<400x64xf32, #tpu.memory_space<vmem>>) offsets(%arg9 : memref<400xi32, #tpu.memory_space<vmem>>) semaphore(%arg20 : memref<!tpu.dma_semaphore, #tpu.memory_space<semaphore_mem>>)
        %add3A_87 = arith.constant 1 : i32
        %add3A_88 = arith.addi %mul3A_71, %add3A_87 : i32
        %mul3A_89 = arith.constant 400 : i32
        %mul3A_90 = arith.muli %add3A_88, %mul3A_89 : i32
        %add3A_91 = arith.addi %mul3A_20, %mul3A_90 : i32
        %dma_start3A_92 = arith.constant 0 : i32
        %dma_start3A_93 = tpu.memref_slice %arg6[%dma_start3A_92, %add3A_91] : memref<2x160000xi32, #tpu.memory_space<hbm>> -> memref<1x400xi32, #tpu.memory_space<hbm>>
        %dma_start3A_94 = tpu.memref_squeeze %dma_start3A_93 : memref<1x400xi32, #tpu.memory_space<hbm>> -> memref<400xi32, #tpu.memory_space<hbm>>
        %dma_start3A_95 = tpu.memref_slice %arg6[%dma_start3A_92, %add3A_91] : memref<2x160000xi32, #tpu.memory_space<hbm>> -> memref<1x400xi32, #tpu.memory_space<hbm>>
        %dma_start3A_96 = tpu.memref_squeeze %dma_start3A_95 : memref<1x400xi32, #tpu.memory_space<hbm>> -> memref<400xi32, #tpu.memory_space<hbm>>
        tpu.enqueue_dma source(%dma_start3A_96 : memref<400xi32, #tpu.memory_space<hbm>>) target(%arg10 : memref<400xi32, #tpu.memory_space<vmem>>) target_semaphore(%arg17 : memref<!tpu.dma_semaphore, #tpu.memory_space<semaphore_mem>>)
        %mul3A_97 = arith.constant 400 : i32
        %mul3A_98 = arith.muli %mul3A_71, %mul3A_97 : i32
        %add3A_99 = arith.addi %mul3A_20, %mul3A_98 : i32
        %dma_start3A_100 = arith.constant 1 : i32
        %dma_start3A_101 = tpu.memref_slice %arg6[%dma_start3A_100, %add3A_99] : memref<2x160000xi32, #tpu.memory_space<hbm>> -> memref<1x400xi32, #tpu.memory_space<hbm>>
        %dma_start3A_102 = tpu.memref_squeeze %dma_start3A_101 : memref<1x400xi32, #tpu.memory_space<hbm>> -> memref<400xi32, #tpu.memory_space<hbm>>
        %dma_start3A_103 = tpu.memref_slice %arg6[%dma_start3A_100, %add3A_99] : memref<2x160000xi32, #tpu.memory_space<hbm>> -> memref<1x400xi32, #tpu.memory_space<hbm>>
        %dma_start3A_104 = tpu.memref_squeeze %dma_start3A_103 : memref<1x400xi32, #tpu.memory_space<hbm>> -> memref<400xi32, #tpu.memory_space<hbm>>
        tpu.enqueue_dma source(%dma_start3A_104 : memref<400xi32, #tpu.memory_space<hbm>>) target(%arg11 : memref<400xi32, #tpu.memory_space<vmem>>) target_semaphore(%arg18 : memref<!tpu.dma_semaphore, #tpu.memory_space<semaphore_mem>>)
        %dma_wait3A_105 = arith.constant 0 : i32
        %dma_wait3A_106 = arith.constant 0 : i32
        %dma_wait3A_107 = tpu.memref_slice %arg3[%dma_wait3A_105, %dma_wait3A_106] : memref<10000x64xf32, #tpu.memory_space<hbm>> -> memref<10000x64xf32, #tpu.memory_space<hbm>>
        tpu.wait_indirect_dma semaphore(%arg20 : memref<!tpu.dma_semaphore, #tpu.memory_space<semaphore_mem>>) src(%dma_wait3A_107 : memref<10000x64xf32, #tpu.memory_space<hbm>>) dst(%arg13 : memref<400x64xf32, #tpu.memory_space<vmem>>)
        %mul3A_108 = arith.constant 400 : i32
        %mul3A_109 = arith.muli %mul3A_71, %mul3A_108 : i32
        %add3A_110 = arith.addi %mul3A_20, %mul3A_109 : i32
        %dma_wait3A_111 = arith.constant 1 : i32
        %dma_wait3A_112 = tpu.memref_slice %arg6[%dma_wait3A_111, %add3A_110] : memref<2x160000xi32, #tpu.memory_space<hbm>> -> memref<1x400xi32, #tpu.memory_space<hbm>>
        %dma_wait3A_113 = tpu.memref_squeeze %dma_wait3A_112 : memref<1x400xi32, #tpu.memory_space<hbm>> -> memref<400xi32, #tpu.memory_space<hbm>>
        %dma_wait3A_114 = tpu.memref_slice %arg6[%dma_wait3A_111, %add3A_110] : memref<2x160000xi32, #tpu.memory_space<hbm>> -> memref<1x400xi32, #tpu.memory_space<hbm>>
        %dma_wait3A_115 = tpu.memref_squeeze %dma_wait3A_114 : memref<1x400xi32, #tpu.memory_space<hbm>> -> memref<400xi32, #tpu.memory_space<hbm>>
        tpu.wait_dma2 semaphore(%arg18 : memref<!tpu.dma_semaphore, #tpu.memory_space<semaphore_mem>>) src(%dma_wait3A_115 : memref<400xi32, #tpu.memory_space<hbm>>) dst(%arg11 : memref<400xi32, #tpu.memory_space<vmem>>)
        %dma_start3A_116 = arith.constant 0 : i32
        %dma_start3A_117 = arith.constant 0 : i32
        %dma_start3A_118 = tpu.memref_slice %arg15[%dma_start3A_116, %dma_start3A_117] : memref<10240x64xf32, #tpu.memory_space<vmem_shared>> -> memref<10240x64xf32, #tpu.memory_space<vmem_shared>>
        tpu.enqueue_indirect_dma source(%arg13 : memref<400x64xf32, #tpu.memory_space<vmem>>) target(%dma_start3A_118 : memref<10240x64xf32, #tpu.memory_space<vmem_shared>>) offsets(%arg11 : memref<400xi32, #tpu.memory_space<vmem>>) semaphore(%arg22 : memref<!tpu.dma_semaphore, #tpu.memory_space<semaphore_mem>>) {add = true}
        %gt3A_119 = arith.constant 0 : i32
        %gt3A_120 = arith.cmpi sgt, %scan3A_69, %gt3A_119 : i32
        %convert_element_type3A_121 = arith.extui %gt3A_120 : i1 to i32
        %cond3A_122 = arith.constant 0 : i32
        %cond3A_123 = arith.cmpi ne, %convert_element_type3A_121, %cond3A_122 : i32
        scf.if %cond3A_123 {
          %dma_wait3A_165 = arith.constant 0 : i32
          %dma_wait3A_166 = arith.constant 0 : i32
          %dma_wait3A_167 = tpu.memref_slice %arg15[%dma_wait3A_165, %dma_wait3A_166] : memref<10240x64xf32, #tpu.memory_space<vmem_shared>> -> memref<10240x64xf32, #tpu.memory_space<vmem_shared>>
          tpu.wait_indirect_dma semaphore(%arg23 : memref<!tpu.dma_semaphore, #tpu.memory_space<semaphore_mem>>) src(%arg14 : memref<400x64xf32, #tpu.memory_space<vmem>>) dst(%dma_wait3A_167 : memref<10240x64xf32, #tpu.memory_space<vmem_shared>>)
        } else {
        }
        %add3A_124 = arith.constant 1 : i32
        %add3A_125 = arith.addi %mul3A_71, %add3A_124 : i32
        %mul3A_126 = arith.constant 400 : i32
        %mul3A_127 = arith.muli %add3A_125, %mul3A_126 : i32
        %add3A_128 = arith.addi %mul3A_20, %mul3A_127 : i32
        %dma_wait3A_129 = arith.constant 0 : i32
        %dma_wait3A_130 = tpu.memref_slice %arg6[%dma_wait3A_129, %add3A_128] : memref<2x160000xi32, #tpu.memory_space<hbm>> -> memref<1x400xi32, #tpu.memory_space<hbm>>
        %dma_wait3A_131 = tpu.memref_squeeze %dma_wait3A_130 : memref<1x400xi32, #tpu.memory_space<hbm>> -> memref<400xi32, #tpu.memory_space<hbm>>
        %dma_wait3A_132 = tpu.memref_slice %arg6[%dma_wait3A_129, %add3A_128] : memref<2x160000xi32, #tpu.memory_space<hbm>> -> memref<1x400xi32, #tpu.memory_space<hbm>>
        %dma_wait3A_133 = tpu.memref_squeeze %dma_wait3A_132 : memref<1x400xi32, #tpu.memory_space<hbm>> -> memref<400xi32, #tpu.memory_space<hbm>>
        tpu.wait_dma2 semaphore(%arg17 : memref<!tpu.dma_semaphore, #tpu.memory_space<semaphore_mem>>) src(%dma_wait3A_133 : memref<400xi32, #tpu.memory_space<hbm>>) dst(%arg10 : memref<400xi32, #tpu.memory_space<vmem>>)
        %dma_start3A_134 = arith.constant 0 : i32
        %dma_start3A_135 = arith.constant 0 : i32
        %dma_start3A_136 = tpu.memref_slice %arg3[%dma_start3A_134, %dma_start3A_135] : memref<10000x64xf32, #tpu.memory_space<hbm>> -> memref<10000x64xf32, #tpu.memory_space<hbm>>
        tpu.enqueue_indirect_dma source(%dma_start3A_136 : memref<10000x64xf32, #tpu.memory_space<hbm>>) target(%arg14 : memref<400x64xf32, #tpu.memory_space<vmem>>) offsets(%arg10 : memref<400xi32, #tpu.memory_space<vmem>>) semaphore(%arg21 : memref<!tpu.dma_semaphore, #tpu.memory_space<semaphore_mem>>)
        %add3A_137 = arith.constant 2 : i32
        %add3A_138 = arith.addi %mul3A_71, %add3A_137 : i32
        %lt3A = arith.constant 25 : i32
        %lt3A_139 = arith.cmpi slt, %add3A_138, %lt3A : i32
        %convert_element_type3A_140 = arith.extui %lt3A_139 : i1 to i32
        %cond3A_141 = arith.constant 0 : i32
        %cond3A_142 = arith.cmpi ne, %convert_element_type3A_140, %cond3A_141 : i32
        scf.if %cond3A_142 {
          %add3A_165 = arith.constant 2 : i32
          %add3A_166 = arith.addi %mul3A_71, %add3A_165 : i32
          %mul3A_167 = arith.constant 400 : i32
          %mul3A_168 = arith.muli %add3A_166, %mul3A_167 : i32
          %add3A_169 = arith.addi %mul3A_20, %mul3A_168 : i32
          %dma_start3A_170 = arith.constant 0 : i32
          %dma_start3A_171 = tpu.memref_slice %arg6[%dma_start3A_170, %add3A_169] : memref<2x160000xi32, #tpu.memory_space<hbm>> -> memref<1x400xi32, #tpu.memory_space<hbm>>
          %dma_start3A_172 = tpu.memref_squeeze %dma_start3A_171 : memref<1x400xi32, #tpu.memory_space<hbm>> -> memref<400xi32, #tpu.memory_space<hbm>>
          %dma_start3A_173 = tpu.memref_slice %arg6[%dma_start3A_170, %add3A_169] : memref<2x160000xi32, #tpu.memory_space<hbm>> -> memref<1x400xi32, #tpu.memory_space<hbm>>
          %dma_start3A_174 = tpu.memref_squeeze %dma_start3A_173 : memref<1x400xi32, #tpu.memory_space<hbm>> -> memref<400xi32, #tpu.memory_space<hbm>>
          tpu.enqueue_dma source(%dma_start3A_174 : memref<400xi32, #tpu.memory_space<hbm>>) target(%arg9 : memref<400xi32, #tpu.memory_space<vmem>>) target_semaphore(%arg16 : memref<!tpu.dma_semaphore, #tpu.memory_space<semaphore_mem>>)
        } else {
        }
        %mul3A_143 = arith.constant 400 : i32
        %mul3A_144 = arith.muli %add3A_125, %mul3A_143 : i32
        %add3A_145 = arith.addi %mul3A_20, %mul3A_144 : i32
        %dma_start3A_146 = arith.constant 1 : i32
        %dma_start3A_147 = tpu.memref_slice %arg6[%dma_start3A_146, %add3A_145] : memref<2x160000xi32, #tpu.memory_space<hbm>> -> memref<1x400xi32, #tpu.memory_space<hbm>>
        %dma_start3A_148 = tpu.memref_squeeze %dma_start3A_147 : memref<1x400xi32, #tpu.memory_space<hbm>> -> memref<400xi32, #tpu.memory_space<hbm>>
        %dma_start3A_149 = tpu.memref_slice %arg6[%dma_start3A_146, %add3A_145] : memref<2x160000xi32, #tpu.memory_space<hbm>> -> memref<1x400xi32, #tpu.memory_space<hbm>>
        %dma_start3A_150 = tpu.memref_squeeze %dma_start3A_149 : memref<1x400xi32, #tpu.memory_space<hbm>> -> memref<400xi32, #tpu.memory_space<hbm>>
        tpu.enqueue_dma source(%dma_start3A_150 : memref<400xi32, #tpu.memory_space<hbm>>) target(%arg12 : memref<400xi32, #tpu.memory_space<vmem>>) target_semaphore(%arg19 : memref<!tpu.dma_semaphore, #tpu.memory_space<semaphore_mem>>)
        %dma_wait3A_151 = arith.constant 0 : i32
        %dma_wait3A_152 = arith.constant 0 : i32
        %dma_wait3A_153 = tpu.memref_slice %arg3[%dma_wait3A_151, %dma_wait3A_152] : memref<10000x64xf32, #tpu.memory_space<hbm>> -> memref<10000x64xf32, #tpu.memory_space<hbm>>
        tpu.wait_indirect_dma semaphore(%arg21 : memref<!tpu.dma_semaphore, #tpu.memory_space<semaphore_mem>>) src(%dma_wait3A_153 : memref<10000x64xf32, #tpu.memory_space<hbm>>) dst(%arg14 : memref<400x64xf32, #tpu.memory_space<vmem>>)
        %mul3A_154 = arith.constant 400 : i32
        %mul3A_155 = arith.muli %add3A_125, %mul3A_154 : i32
        %add3A_156 = arith.addi %mul3A_20, %mul3A_155 : i32
        %dma_wait3A_157 = arith.constant 1 : i32
        %dma_wait3A_158 = tpu.memref_slice %arg6[%dma_wait3A_157, %add3A_156] : memref<2x160000xi32, #tpu.memory_space<hbm>> -> memref<1x400xi32, #tpu.memory_space<hbm>>
        %dma_wait3A_159 = tpu.memref_squeeze %dma_wait3A_158 : memref<1x400xi32, #tpu.memory_space<hbm>> -> memref<400xi32, #tpu.memory_space<hbm>>
        %dma_wait3A_160 = tpu.memref_slice %arg6[%dma_wait3A_157, %add3A_156] : memref<2x160000xi32, #tpu.memory_space<hbm>> -> memref<1x400xi32, #tpu.memory_space<hbm>>
        %dma_wait3A_161 = tpu.memref_squeeze %dma_wait3A_160 : memref<1x400xi32, #tpu.memory_space<hbm>> -> memref<400xi32, #tpu.memory_space<hbm>>
        tpu.wait_dma2 semaphore(%arg19 : memref<!tpu.dma_semaphore, #tpu.memory_space<semaphore_mem>>) src(%dma_wait3A_161 : memref<400xi32, #tpu.memory_space<hbm>>) dst(%arg12 : memref<400xi32, #tpu.memory_space<vmem>>)
        %dma_start3A_162 = arith.constant 0 : i32
        %dma_start3A_163 = arith.constant 0 : i32
        %dma_start3A_164 = tpu.memref_slice %arg15[%dma_start3A_162, %dma_start3A_163] : memref<10240x64xf32, #tpu.memory_space<vmem_shared>> -> memref<10240x64xf32, #tpu.memory_space<vmem_shared>>
        tpu.enqueue_indirect_dma source(%arg14 : memref<400x64xf32, #tpu.memory_space<vmem>>) target(%dma_start3A_164 : memref<10240x64xf32, #tpu.memory_space<vmem_shared>>) offsets(%arg12 : memref<400xi32, #tpu.memory_space<vmem>>) semaphore(%arg23 : memref<!tpu.dma_semaphore, #tpu.memory_space<semaphore_mem>>) {add = true}
      }
      %scan3A_30 = arith.constant 12 : i32
      %dma_wait3A = arith.constant 0 : i32
      %dma_wait3A_31 = arith.constant 0 : i32
      %dma_wait3A_32 = tpu.memref_slice %arg15[%dma_wait3A, %dma_wait3A_31] : memref<10240x64xf32, #tpu.memory_space<vmem_shared>> -> memref<10240x64xf32, #tpu.memory_space<vmem_shared>>
      tpu.wait_indirect_dma semaphore(%arg22 : memref<!tpu.dma_semaphore, #tpu.memory_space<semaphore_mem>>) src(%arg13 : memref<400x64xf32, #tpu.memory_space<vmem>>) dst(%dma_wait3A_32 : memref<10240x64xf32, #tpu.memory_space<vmem_shared>>)
      %add3A_33 = arith.constant 9600 : i32
      %add3A_34 = arith.addi %mul3A_20, %add3A_33 : i32
      %dma_wait3A_35 = arith.constant 0 : i32
      %dma_wait3A_36 = tpu.memref_slice %arg6[%dma_wait3A_35, %add3A_34] : memref<2x160000xi32, #tpu.memory_space<hbm>> -> memref<1x400xi32, #tpu.memory_space<hbm>>
      %dma_wait3A_37 = tpu.memref_squeeze %dma_wait3A_36 : memref<1x400xi32, #tpu.memory_space<hbm>> -> memref<400xi32, #tpu.memory_space<hbm>>
      %dma_wait3A_38 = tpu.memref_slice %arg6[%dma_wait3A_35, %add3A_34] : memref<2x160000xi32, #tpu.memory_space<hbm>> -> memref<1x400xi32, #tpu.memory_space<hbm>>
      %dma_wait3A_39 = tpu.memref_squeeze %dma_wait3A_38 : memref<1x400xi32, #tpu.memory_space<hbm>> -> memref<400xi32, #tpu.memory_space<hbm>>
      tpu.wait_dma2 semaphore(%arg16 : memref<!tpu.dma_semaphore, #tpu.memory_space<semaphore_mem>>) src(%dma_wait3A_39 : memref<400xi32, #tpu.memory_space<hbm>>) dst(%arg9 : memref<400xi32, #tpu.memory_space<vmem>>)
      %dma_start3A_40 = arith.constant 0 : i32
      %dma_start3A_41 = arith.constant 0 : i32
      %dma_start3A_42 = tpu.memref_slice %arg3[%dma_start3A_40, %dma_start3A_41] : memref<10000x64xf32, #tpu.memory_space<hbm>> -> memref<10000x64xf32, #tpu.memory_space<hbm>>
      tpu.enqueue_indirect_dma source(%dma_start3A_42 : memref<10000x64xf32, #tpu.memory_space<hbm>>) target(%arg13 : memref<400x64xf32, #tpu.memory_space<vmem>>) offsets(%arg9 : memref<400xi32, #tpu.memory_space<vmem>>) semaphore(%arg20 : memref<!tpu.dma_semaphore, #tpu.memory_space<semaphore_mem>>)
      %add3A_43 = arith.constant 9600 : i32
      %add3A_44 = arith.addi %mul3A_20, %add3A_43 : i32
      %dma_start3A_45 = arith.constant 1 : i32
      %dma_start3A_46 = tpu.memref_slice %arg6[%dma_start3A_45, %add3A_44] : memref<2x160000xi32, #tpu.memory_space<hbm>> -> memref<1x400xi32, #tpu.memory_space<hbm>>
      %dma_start3A_47 = tpu.memref_squeeze %dma_start3A_46 : memref<1x400xi32, #tpu.memory_space<hbm>> -> memref<400xi32, #tpu.memory_space<hbm>>
      %dma_start3A_48 = tpu.memref_slice %arg6[%dma_start3A_45, %add3A_44] : memref<2x160000xi32, #tpu.memory_space<hbm>> -> memref<1x400xi32, #tpu.memory_space<hbm>>
      %dma_start3A_49 = tpu.memref_squeeze %dma_start3A_48 : memref<1x400xi32, #tpu.memory_space<hbm>> -> memref<400xi32, #tpu.memory_space<hbm>>
      tpu.enqueue_dma source(%dma_start3A_49 : memref<400xi32, #tpu.memory_space<hbm>>) target(%arg11 : memref<400xi32, #tpu.memory_space<vmem>>) target_semaphore(%arg18 : memref<!tpu.dma_semaphore, #tpu.memory_space<semaphore_mem>>)
      %dma_wait3A_50 = arith.constant 0 : i32
      %dma_wait3A_51 = arith.constant 0 : i32
      %dma_wait3A_52 = tpu.memref_slice %arg3[%dma_wait3A_50, %dma_wait3A_51] : memref<10000x64xf32, #tpu.memory_space<hbm>> -> memref<10000x64xf32, #tpu.memory_space<hbm>>
      tpu.wait_indirect_dma semaphore(%arg20 : memref<!tpu.dma_semaphore, #tpu.memory_space<semaphore_mem>>) src(%dma_wait3A_52 : memref<10000x64xf32, #tpu.memory_space<hbm>>) dst(%arg13 : memref<400x64xf32, #tpu.memory_space<vmem>>)
      %add3A_53 = arith.constant 9600 : i32
      %add3A_54 = arith.addi %mul3A_20, %add3A_53 : i32
      %dma_wait3A_55 = arith.constant 1 : i32
      %dma_wait3A_56 = tpu.memref_slice %arg6[%dma_wait3A_55, %add3A_54] : memref<2x160000xi32, #tpu.memory_space<hbm>> -> memref<1x400xi32, #tpu.memory_space<hbm>>
      %dma_wait3A_57 = tpu.memref_squeeze %dma_wait3A_56 : memref<1x400xi32, #tpu.memory_space<hbm>> -> memref<400xi32, #tpu.memory_space<hbm>>
      %dma_wait3A_58 = tpu.memref_slice %arg6[%dma_wait3A_55, %add3A_54] : memref<2x160000xi32, #tpu.memory_space<hbm>> -> memref<1x400xi32, #tpu.memory_space<hbm>>
      %dma_wait3A_59 = tpu.memref_squeeze %dma_wait3A_58 : memref<1x400xi32, #tpu.memory_space<hbm>> -> memref<400xi32, #tpu.memory_space<hbm>>
      tpu.wait_dma2 semaphore(%arg18 : memref<!tpu.dma_semaphore, #tpu.memory_space<semaphore_mem>>) src(%dma_wait3A_59 : memref<400xi32, #tpu.memory_space<hbm>>) dst(%arg11 : memref<400xi32, #tpu.memory_space<vmem>>)
      %dma_start3A_60 = arith.constant 0 : i32
      %dma_start3A_61 = arith.constant 0 : i32
      %dma_start3A_62 = tpu.memref_slice %arg15[%dma_start3A_60, %dma_start3A_61] : memref<10240x64xf32, #tpu.memory_space<vmem_shared>> -> memref<10240x64xf32, #tpu.memory_space<vmem_shared>>
      tpu.enqueue_indirect_dma source(%arg13 : memref<400x64xf32, #tpu.memory_space<vmem>>) target(%dma_start3A_62 : memref<10240x64xf32, #tpu.memory_space<vmem_shared>>) offsets(%arg11 : memref<400xi32, #tpu.memory_space<vmem>>) semaphore(%arg22 : memref<!tpu.dma_semaphore, #tpu.memory_space<semaphore_mem>>) {add = true}
      %dma_wait3A_63 = arith.constant 0 : i32
      %dma_wait3A_64 = arith.constant 0 : i32
      %dma_wait3A_65 = tpu.memref_slice %arg15[%dma_wait3A_63, %dma_wait3A_64] : memref<10240x64xf32, #tpu.memory_space<vmem_shared>> -> memref<10240x64xf32, #tpu.memory_space<vmem_shared>>
      tpu.wait_indirect_dma semaphore(%arg22 : memref<!tpu.dma_semaphore, #tpu.memory_space<semaphore_mem>>) src(%arg13 : memref<400x64xf32, #tpu.memory_space<vmem>>) dst(%dma_wait3A_65 : memref<10240x64xf32, #tpu.memory_space<vmem_shared>>)
      %dma_wait3A_66 = arith.constant 0 : i32
      %dma_wait3A_67 = arith.constant 0 : i32
      %dma_wait3A_68 = tpu.memref_slice %arg15[%dma_wait3A_66, %dma_wait3A_67] : memref<10240x64xf32, #tpu.memory_space<vmem_shared>> -> memref<10240x64xf32, #tpu.memory_space<vmem_shared>>
      tpu.wait_indirect_dma semaphore(%arg23 : memref<!tpu.dma_semaphore, #tpu.memory_space<semaphore_mem>>) src(%arg14 : memref<400x64xf32, #tpu.memory_space<vmem>>) dst(%dma_wait3A_68 : memref<10240x64xf32, #tpu.memory_space<vmem_shared>>)
    } else {
    }
    %barrier3A_8 = arith.constant 0 : index
    tpu.barrier barrier_id(%barrier3A_8)
    %eq3A_9 = arith.constant 0 : i32
    %eq3A_10 = arith.cmpi eq, %arg0, %eq3A_9 : i32
    %convert_element_type3A_11 = arith.extui %eq3A_10 : i1 to i32
    %cond3A_12 = arith.constant 0 : i32
    %cond3A_13 = arith.cmpi ne, %convert_element_type3A_11, %cond3A_12 : i32
    scf.if %cond3A_13 {
      "tpu.region"() ({
        %run_scoped3A = tpu.sem_alloc : memref<!tpu.dma_semaphore, #tpu.memory_space<semaphore_mem>>
        %dma_start3A = arith.constant 0 : i32
        %dma_start3A_19 = tpu.memref_slice %arg7[%mul3A_0, %dma_start3A] : memref<10240x64xf32, #tpu.memory_space<hbm>> -> memref<640x64xf32, #tpu.memory_space<hbm>>
        %dma_start3A_20 = arith.constant 0 : i32
        %dma_start3A_21 = tpu.memref_slice %arg15[%mul3A_0, %dma_start3A_20] : memref<10240x64xf32, #tpu.memory_space<vmem_shared>> -> memref<640x64xf32, #tpu.memory_space<vmem_shared>>
        tpu.enqueue_dma source(%dma_start3A_21 : memref<640x64xf32, #tpu.memory_space<vmem_shared>>) target(%dma_start3A_19 : memref<640x64xf32, #tpu.memory_space<hbm>>) target_semaphore(%run_scoped3A : memref<!tpu.dma_semaphore, #tpu.memory_space<semaphore_mem>>)
        %dma_wait3A = arith.constant 0 : i32
        %dma_wait3A_22 = tpu.memref_slice %arg7[%mul3A_0, %dma_wait3A] : memref<10240x64xf32, #tpu.memory_space<hbm>> -> memref<640x64xf32, #tpu.memory_space<hbm>>
        %dma_wait3A_23 = arith.constant 0 : i32
        %dma_wait3A_24 = tpu.memref_slice %arg15[%mul3A_0, %dma_wait3A_23] : memref<10240x64xf32, #tpu.memory_space<vmem_shared>> -> memref<640x64xf32, #tpu.memory_space<vmem_shared>>
        tpu.wait_dma2 semaphore(%run_scoped3A : memref<!tpu.dma_semaphore, #tpu.memory_space<semaphore_mem>>) src(%dma_wait3A_24 : memref<640x64xf32, #tpu.memory_space<vmem_shared>>) dst(%dma_wait3A_22 : memref<640x64xf32, #tpu.memory_space<hbm>>)
        tpu.yield
      }) : () -> ()
    } else {
    }
    %eq3A_14 = arith.constant 1 : i32
    %eq3A_15 = arith.cmpi eq, %arg0, %eq3A_14 : i32
    %convert_element_type3A_16 = arith.extui %eq3A_15 : i1 to i32
    %cond3A_17 = arith.constant 0 : i32
    %cond3A_18 = arith.cmpi ne, %convert_element_type3A_16, %cond3A_17 : i32
    scf.if %cond3A_18 {
      "tpu.region"() ({
        %run_scoped3A = tpu.sem_alloc : memref<!tpu.dma_semaphore, #tpu.memory_space<semaphore_mem>>
        %dma_start3A = arith.constant 0 : i32
        %dma_start3A_19 = tpu.memref_slice %arg8[%mul3A_0, %dma_start3A] : memref<10240x64xf32, #tpu.memory_space<hbm>> -> memref<640x64xf32, #tpu.memory_space<hbm>>
        %dma_start3A_20 = arith.constant 0 : i32
        %dma_start3A_21 = tpu.memref_slice %arg15[%mul3A_0, %dma_start3A_20] : memref<10240x64xf32, #tpu.memory_space<vmem_shared>> -> memref<640x64xf32, #tpu.memory_space<vmem_shared>>
        tpu.enqueue_dma source(%dma_start3A_21 : memref<640x64xf32, #tpu.memory_space<vmem_shared>>) target(%dma_start3A_19 : memref<640x64xf32, #tpu.memory_space<hbm>>) target_semaphore(%run_scoped3A : memref<!tpu.dma_semaphore, #tpu.memory_space<semaphore_mem>>)
        %dma_wait3A = arith.constant 0 : i32
        %dma_wait3A_22 = tpu.memref_slice %arg8[%mul3A_0, %dma_wait3A] : memref<10240x64xf32, #tpu.memory_space<hbm>> -> memref<640x64xf32, #tpu.memory_space<hbm>>
        %dma_wait3A_23 = arith.constant 0 : i32
        %dma_wait3A_24 = tpu.memref_slice %arg15[%mul3A_0, %dma_wait3A_23] : memref<10240x64xf32, #tpu.memory_space<vmem_shared>> -> memref<640x64xf32, #tpu.memory_space<vmem_shared>>
        tpu.wait_dma2 semaphore(%run_scoped3A : memref<!tpu.dma_semaphore, #tpu.memory_space<semaphore_mem>>) src(%dma_wait3A_24 : memref<640x64xf32, #tpu.memory_space<vmem_shared>>) dst(%dma_wait3A_22 : memref<640x64xf32, #tpu.memory_space<hbm>>)
        tpu.yield
      }) : () -> ()
    } else {
    }
    return
  }
}

#map = affine_map<(d0, d1) -> (0, 0)>
#map1 = affine_map<(d0, d1) -> (0)>
module attributes {stable_mosaic.version = 14 : i64} {
  func.func @body(%arg0: i32, %arg1: i32, %arg2: memref<10000x32xf32, #tpu.memory_space<hbm>>, %arg3: memref<10000x32xf32, #tpu.memory_space<hbm>>, %arg4: memref<10240x32xf32, #tpu.memory_space<hbm>>, %arg5: memref<10240xf32, #tpu.memory_space<hbm>>, %arg6: memref<1000xf32, #tpu.memory_space<hbm>>, %arg7: memref<2x160000xi32, #tpu.memory_space<hbm>>, %arg8: memref<2x160000xi32, #tpu.memory_space<hbm>>, %arg9: memref<10240x32xf32, #tpu.memory_space<hbm>>, %arg10: memref<10240x32xf32, #tpu.memory_space<hbm>>, %arg11: memref<10240xf32, #tpu.memory_space<hbm>>, %arg12: memref<10240xf32, #tpu.memory_space<hbm>>, %arg13: memref<1000xi32, #tpu.memory_space<vmem>>, %arg14: memref<1000xi32, #tpu.memory_space<vmem>>, %arg15: memref<1000xi32, #tpu.memory_space<vmem>>, %arg16: memref<1000xi32, #tpu.memory_space<vmem>>, %arg17: memref<1000x32xf32, #tpu.memory_space<vmem>>, %arg18: memref<1000x32xf32, #tpu.memory_space<vmem>>, %arg19: memref<1000xf32, #tpu.memory_space<vmem>>, %arg20: memref<10240x32xf32, #tpu.memory_space<vmem_shared>>, %arg21: memref<10240xf32, #tpu.memory_space<vmem_shared>>, %arg22: memref<!tpu.dma_semaphore, #tpu.memory_space<semaphore_mem>>, %arg23: memref<!tpu.dma_semaphore, #tpu.memory_space<semaphore_mem>>, %arg24: memref<!tpu.dma_semaphore, #tpu.memory_space<semaphore_mem>>, %arg25: memref<!tpu.dma_semaphore, #tpu.memory_space<semaphore_mem>>, %arg26: memref<!tpu.dma_semaphore, #tpu.memory_space<semaphore_mem>>, %arg27: memref<!tpu.dma_semaphore, #tpu.memory_space<semaphore_mem>>, %arg28: memref<!tpu.dma_semaphore, #tpu.memory_space<semaphore_mem>>, %arg29: memref<!tpu.dma_semaphore, #tpu.memory_space<semaphore_mem>>, %arg30: memref<!tpu.dma_semaphore, #tpu.memory_space<semaphore_mem>>, %arg31: memref<!tpu.dma_semaphore, #tpu.memory_space<semaphore_mem>>) attributes {dimension_semantics = [#tpu.dimension_semantics<core_parallel>, #tpu.dimension_semantics<subcore_parallel>], iteration_bounds = array<i64: 2, 16>, scalar_prefetch = 0 : i64, scratch_operands = 19 : i64, tpu.core_type = #tpu.core_type<sc_vector_subcore>, window_params = [{transform_indices = #map}, {transform_indices = #map}, {transform_indices = #map}, {transform_indices = #map1}, {transform_indices = #map1}, {transform_indices = #map}, {transform_indices = #map}, {transform_indices = #map}, {transform_indices = #map}, {transform_indices = #map1}, {transform_indices = #map1}]} {
    %mul3A = arith.constant 640 : i32
    %mul3A_0 = arith.muli %arg1, %mul3A : i32
    "tpu.region"() ({
      %run_scoped3A = tpu.sem_alloc : memref<!tpu.dma_semaphore, #tpu.memory_space<semaphore_mem>>
      %dma_start3A = arith.constant 0 : i32
      %dma_start3A_19 = tpu.memref_slice %arg20[%mul3A_0, %dma_start3A] : memref<10240x32xf32, #tpu.memory_space<vmem_shared>> -> memref<640x32xf32, #tpu.memory_space<vmem_shared>>
      %dma_start3A_20 = arith.constant 0 : i32
      %dma_start3A_21 = tpu.memref_slice %arg4[%mul3A_0, %dma_start3A_20] : memref<10240x32xf32, #tpu.memory_space<hbm>> -> memref<640x32xf32, #tpu.memory_space<hbm>>
      tpu.enqueue_dma source(%dma_start3A_21 : memref<640x32xf32, #tpu.memory_space<hbm>>) target(%dma_start3A_19 : memref<640x32xf32, #tpu.memory_space<vmem_shared>>) target_semaphore(%run_scoped3A : memref<!tpu.dma_semaphore, #tpu.memory_space<semaphore_mem>>)
      %dma_wait3A = arith.constant 0 : i32
      %dma_wait3A_22 = tpu.memref_slice %arg20[%mul3A_0, %dma_wait3A] : memref<10240x32xf32, #tpu.memory_space<vmem_shared>> -> memref<640x32xf32, #tpu.memory_space<vmem_shared>>
      %dma_wait3A_23 = arith.constant 0 : i32
      %dma_wait3A_24 = tpu.memref_slice %arg4[%mul3A_0, %dma_wait3A_23] : memref<10240x32xf32, #tpu.memory_space<hbm>> -> memref<640x32xf32, #tpu.memory_space<hbm>>
      tpu.wait_dma2 semaphore(%run_scoped3A : memref<!tpu.dma_semaphore, #tpu.memory_space<semaphore_mem>>) src(%dma_wait3A_24 : memref<640x32xf32, #tpu.memory_space<hbm>>) dst(%dma_wait3A_22 : memref<640x32xf32, #tpu.memory_space<vmem_shared>>)
      tpu.yield
    }) : () -> ()
    "tpu.region"() ({
      %run_scoped3A = tpu.sem_alloc : memref<!tpu.dma_semaphore, #tpu.memory_space<semaphore_mem>>
      %dma_start3A = tpu.memref_slice %arg21[%mul3A_0] : memref<10240xf32, #tpu.memory_space<vmem_shared>> -> memref<640xf32, #tpu.memory_space<vmem_shared>>
      %dma_start3A_19 = tpu.memref_slice %arg5[%mul3A_0] : memref<10240xf32, #tpu.memory_space<hbm>> -> memref<640xf32, #tpu.memory_space<hbm>>
      tpu.enqueue_dma source(%dma_start3A_19 : memref<640xf32, #tpu.memory_space<hbm>>) target(%dma_start3A : memref<640xf32, #tpu.memory_space<vmem_shared>>) target_semaphore(%run_scoped3A : memref<!tpu.dma_semaphore, #tpu.memory_space<semaphore_mem>>)
      %dma_wait3A = tpu.memref_slice %arg21[%mul3A_0] : memref<10240xf32, #tpu.memory_space<vmem_shared>> -> memref<640xf32, #tpu.memory_space<vmem_shared>>
      %dma_wait3A_20 = tpu.memref_slice %arg5[%mul3A_0] : memref<10240xf32, #tpu.memory_space<hbm>> -> memref<640xf32, #tpu.memory_space<hbm>>
      tpu.wait_dma2 semaphore(%run_scoped3A : memref<!tpu.dma_semaphore, #tpu.memory_space<semaphore_mem>>) src(%dma_wait3A_20 : memref<640xf32, #tpu.memory_space<hbm>>) dst(%dma_wait3A : memref<640xf32, #tpu.memory_space<vmem_shared>>)
      tpu.yield
    }) : () -> ()
    "tpu.region"() ({
      %run_scoped3A = tpu.sem_alloc : memref<!tpu.dma_semaphore, #tpu.memory_space<semaphore_mem>>
      tpu.enqueue_dma source(%arg6 : memref<1000xf32, #tpu.memory_space<hbm>>) target(%arg19 : memref<1000xf32, #tpu.memory_space<vmem>>) target_semaphore(%run_scoped3A : memref<!tpu.dma_semaphore, #tpu.memory_space<semaphore_mem>>)
      tpu.wait_dma2 semaphore(%run_scoped3A : memref<!tpu.dma_semaphore, #tpu.memory_space<semaphore_mem>>) src(%arg6 : memref<1000xf32, #tpu.memory_space<hbm>>) dst(%arg19 : memref<1000xf32, #tpu.memory_space<vmem>>)
      tpu.yield
    }) : () -> ()
    %barrier3A = arith.constant 0 : index
    tpu.barrier barrier_id(%barrier3A)
    %eq3A = arith.constant 0 : i32
    %eq3A_1 = arith.cmpi eq, %arg0, %eq3A : i32
    %convert_element_type3A = arith.extui %eq3A_1 : i1 to i32
    %cond3A = arith.constant 0 : i32
    %cond3A_2 = arith.cmpi ne, %convert_element_type3A, %cond3A : i32
    scf.if %cond3A_2 {
      %mul3A_19 = arith.constant 10000 : i32
      %mul3A_20 = arith.muli %arg1, %mul3A_19 : i32
      %add3A = arith.constant 0 : i32
      %add3A_21 = arith.addi %mul3A_20, %add3A : i32
      %dma_start3A = arith.constant 0 : i32
      %dma_start3A_22 = tpu.memref_slice %arg7[%dma_start3A, %add3A_21] : memref<2x160000xi32, #tpu.memory_space<hbm>> -> memref<1x1000xi32, #tpu.memory_space<hbm>>
      %dma_start3A_23 = tpu.memref_squeeze %dma_start3A_22 : memref<1x1000xi32, #tpu.memory_space<hbm>> -> memref<1000xi32, #tpu.memory_space<hbm>>
      %dma_start3A_24 = tpu.memref_slice %arg7[%dma_start3A, %add3A_21] : memref<2x160000xi32, #tpu.memory_space<hbm>> -> memref<1x1000xi32, #tpu.memory_space<hbm>>
      %dma_start3A_25 = tpu.memref_squeeze %dma_start3A_24 : memref<1x1000xi32, #tpu.memory_space<hbm>> -> memref<1000xi32, #tpu.memory_space<hbm>>
      tpu.enqueue_dma source(%dma_start3A_25 : memref<1000xi32, #tpu.memory_space<hbm>>) target(%arg13 : memref<1000xi32, #tpu.memory_space<vmem>>) target_semaphore(%arg22 : memref<!tpu.dma_semaphore, #tpu.memory_space<semaphore_mem>>)
      %scan3A = arith.constant 0 : i32
      %scan3A_26 = arith.constant 0 : i32
      %scan3A_27 = arith.constant 5 : i32
      %scan3A_28 = arith.addi %scan3A_26, %scan3A_27 : i32
      %scan3A_29 = arith.constant 1 : i32
      scf.for %scan3A_40 = %scan3A_26 to %scan3A_28 step %scan3A_29  : i32 {
        %mul3A_41 = arith.constant 2 : i32
        %mul3A_42 = arith.muli %mul3A_41, %scan3A_40 : i32
        %gt3A = arith.constant 0 : i32
        %gt3A_43 = arith.cmpi sgt, %scan3A_40, %gt3A : i32
        %convert_element_type3A_44 = arith.extui %gt3A_43 : i1 to i32
        %cond3A_45 = arith.constant 0 : i32
        %cond3A_46 = arith.cmpi ne, %convert_element_type3A_44, %cond3A_45 : i32
        scf.if %cond3A_46 {
          %dma_wait3A_140 = arith.constant 0 : i32
          %dma_wait3A_141 = arith.constant 0 : i32
          %dma_wait3A_142 = tpu.memref_slice %arg20[%dma_wait3A_140, %dma_wait3A_141] : memref<10240x32xf32, #tpu.memory_space<vmem_shared>> -> memref<10240x32xf32, #tpu.memory_space<vmem_shared>>
          tpu.wait_indirect_dma semaphore(%arg28 : memref<!tpu.dma_semaphore, #tpu.memory_space<semaphore_mem>>) src(%arg17 : memref<1000x32xf32, #tpu.memory_space<vmem>>) dst(%dma_wait3A_142 : memref<10240x32xf32, #tpu.memory_space<vmem_shared>>)
          %dma_wait3A_143 = arith.constant 0 : i32
          %dma_wait3A_144 = tpu.memref_slice %arg21[%dma_wait3A_143] : memref<10240xf32, #tpu.memory_space<vmem_shared>> -> memref<10240xf32, #tpu.memory_space<vmem_shared>>
          tpu.wait_indirect_dma semaphore(%arg30 : memref<!tpu.dma_semaphore, #tpu.memory_space<semaphore_mem>>) src(%arg19 : memref<1000xf32, #tpu.memory_space<vmem>>) dst(%dma_wait3A_144 : memref<10240xf32, #tpu.memory_space<vmem_shared>>)
        } else {
        }
        %mul3A_47 = arith.constant 1000 : i32
        %mul3A_48 = arith.muli %mul3A_42, %mul3A_47 : i32
        %add3A_49 = arith.addi %mul3A_20, %mul3A_48 : i32
        %dma_wait3A_50 = arith.constant 0 : i32
        %dma_wait3A_51 = tpu.memref_slice %arg7[%dma_wait3A_50, %add3A_49] : memref<2x160000xi32, #tpu.memory_space<hbm>> -> memref<1x1000xi32, #tpu.memory_space<hbm>>
        %dma_wait3A_52 = tpu.memref_squeeze %dma_wait3A_51 : memref<1x1000xi32, #tpu.memory_space<hbm>> -> memref<1000xi32, #tpu.memory_space<hbm>>
        %dma_wait3A_53 = tpu.memref_slice %arg7[%dma_wait3A_50, %add3A_49] : memref<2x160000xi32, #tpu.memory_space<hbm>> -> memref<1x1000xi32, #tpu.memory_space<hbm>>
        %dma_wait3A_54 = tpu.memref_squeeze %dma_wait3A_53 : memref<1x1000xi32, #tpu.memory_space<hbm>> -> memref<1000xi32, #tpu.memory_space<hbm>>
        tpu.wait_dma2 semaphore(%arg22 : memref<!tpu.dma_semaphore, #tpu.memory_space<semaphore_mem>>) src(%dma_wait3A_54 : memref<1000xi32, #tpu.memory_space<hbm>>) dst(%arg13 : memref<1000xi32, #tpu.memory_space<vmem>>)
        %dma_start3A_55 = arith.constant 0 : i32
        %dma_start3A_56 = arith.constant 0 : i32
        %dma_start3A_57 = tpu.memref_slice %arg2[%dma_start3A_55, %dma_start3A_56] : memref<10000x32xf32, #tpu.memory_space<hbm>> -> memref<10000x32xf32, #tpu.memory_space<hbm>>
        tpu.enqueue_indirect_dma source(%dma_start3A_57 : memref<10000x32xf32, #tpu.memory_space<hbm>>) target(%arg17 : memref<1000x32xf32, #tpu.memory_space<vmem>>) offsets(%arg13 : memref<1000xi32, #tpu.memory_space<vmem>>) semaphore(%arg26 : memref<!tpu.dma_semaphore, #tpu.memory_space<semaphore_mem>>)
        %add3A_58 = arith.constant 1 : i32
        %add3A_59 = arith.addi %mul3A_42, %add3A_58 : i32
        %mul3A_60 = arith.constant 1000 : i32
        %mul3A_61 = arith.muli %add3A_59, %mul3A_60 : i32
        %add3A_62 = arith.addi %mul3A_20, %mul3A_61 : i32
        %dma_start3A_63 = arith.constant 0 : i32
        %dma_start3A_64 = tpu.memref_slice %arg7[%dma_start3A_63, %add3A_62] : memref<2x160000xi32, #tpu.memory_space<hbm>> -> memref<1x1000xi32, #tpu.memory_space<hbm>>
        %dma_start3A_65 = tpu.memref_squeeze %dma_start3A_64 : memref<1x1000xi32, #tpu.memory_space<hbm>> -> memref<1000xi32, #tpu.memory_space<hbm>>
        %dma_start3A_66 = tpu.memref_slice %arg7[%dma_start3A_63, %add3A_62] : memref<2x160000xi32, #tpu.memory_space<hbm>> -> memref<1x1000xi32, #tpu.memory_space<hbm>>
        %dma_start3A_67 = tpu.memref_squeeze %dma_start3A_66 : memref<1x1000xi32, #tpu.memory_space<hbm>> -> memref<1000xi32, #tpu.memory_space<hbm>>
        tpu.enqueue_dma source(%dma_start3A_67 : memref<1000xi32, #tpu.memory_space<hbm>>) target(%arg14 : memref<1000xi32, #tpu.memory_space<vmem>>) target_semaphore(%arg23 : memref<!tpu.dma_semaphore, #tpu.memory_space<semaphore_mem>>)
        %mul3A_68 = arith.constant 1000 : i32
        %mul3A_69 = arith.muli %mul3A_42, %mul3A_68 : i32
        %add3A_70 = arith.addi %mul3A_20, %mul3A_69 : i32
        %dma_start3A_71 = arith.constant 1 : i32
        %dma_start3A_72 = tpu.memref_slice %arg7[%dma_start3A_71, %add3A_70] : memref<2x160000xi32, #tpu.memory_space<hbm>> -> memref<1x1000xi32, #tpu.memory_space<hbm>>
        %dma_start3A_73 = tpu.memref_squeeze %dma_start3A_72 : memref<1x1000xi32, #tpu.memory_space<hbm>> -> memref<1000xi32, #tpu.memory_space<hbm>>
        %dma_start3A_74 = tpu.memref_slice %arg7[%dma_start3A_71, %add3A_70] : memref<2x160000xi32, #tpu.memory_space<hbm>> -> memref<1x1000xi32, #tpu.memory_space<hbm>>
        %dma_start3A_75 = tpu.memref_squeeze %dma_start3A_74 : memref<1x1000xi32, #tpu.memory_space<hbm>> -> memref<1000xi32, #tpu.memory_space<hbm>>
        tpu.enqueue_dma source(%dma_start3A_75 : memref<1000xi32, #tpu.memory_space<hbm>>) target(%arg15 : memref<1000xi32, #tpu.memory_space<vmem>>) target_semaphore(%arg24 : memref<!tpu.dma_semaphore, #tpu.memory_space<semaphore_mem>>)
        %dma_wait3A_76 = arith.constant 0 : i32
        %dma_wait3A_77 = arith.constant 0 : i32
        %dma_wait3A_78 = tpu.memref_slice %arg2[%dma_wait3A_76, %dma_wait3A_77] : memref<10000x32xf32, #tpu.memory_space<hbm>> -> memref<10000x32xf32, #tpu.memory_space<hbm>>
        tpu.wait_indirect_dma semaphore(%arg26 : memref<!tpu.dma_semaphore, #tpu.memory_space<semaphore_mem>>) src(%dma_wait3A_78 : memref<10000x32xf32, #tpu.memory_space<hbm>>) dst(%arg17 : memref<1000x32xf32, #tpu.memory_space<vmem>>)
        %mul3A_79 = arith.constant 1000 : i32
        %mul3A_80 = arith.muli %mul3A_42, %mul3A_79 : i32
        %add3A_81 = arith.addi %mul3A_20, %mul3A_80 : i32
        %dma_wait3A_82 = arith.constant 1 : i32
        %dma_wait3A_83 = tpu.memref_slice %arg7[%dma_wait3A_82, %add3A_81] : memref<2x160000xi32, #tpu.memory_space<hbm>> -> memref<1x1000xi32, #tpu.memory_space<hbm>>
        %dma_wait3A_84 = tpu.memref_squeeze %dma_wait3A_83 : memref<1x1000xi32, #tpu.memory_space<hbm>> -> memref<1000xi32, #tpu.memory_space<hbm>>
        %dma_wait3A_85 = tpu.memref_slice %arg7[%dma_wait3A_82, %add3A_81] : memref<2x160000xi32, #tpu.memory_space<hbm>> -> memref<1x1000xi32, #tpu.memory_space<hbm>>
        %dma_wait3A_86 = tpu.memref_squeeze %dma_wait3A_85 : memref<1x1000xi32, #tpu.memory_space<hbm>> -> memref<1000xi32, #tpu.memory_space<hbm>>
        tpu.wait_dma2 semaphore(%arg24 : memref<!tpu.dma_semaphore, #tpu.memory_space<semaphore_mem>>) src(%dma_wait3A_86 : memref<1000xi32, #tpu.memory_space<hbm>>) dst(%arg15 : memref<1000xi32, #tpu.memory_space<vmem>>)
        %dma_start3A_87 = arith.constant 0 : i32
        %dma_start3A_88 = arith.constant 0 : i32
        %dma_start3A_89 = tpu.memref_slice %arg20[%dma_start3A_87, %dma_start3A_88] : memref<10240x32xf32, #tpu.memory_space<vmem_shared>> -> memref<10240x32xf32, #tpu.memory_space<vmem_shared>>
        tpu.enqueue_indirect_dma source(%arg17 : memref<1000x32xf32, #tpu.memory_space<vmem>>) target(%dma_start3A_89 : memref<10240x32xf32, #tpu.memory_space<vmem_shared>>) offsets(%arg15 : memref<1000xi32, #tpu.memory_space<vmem>>) semaphore(%arg28 : memref<!tpu.dma_semaphore, #tpu.memory_space<semaphore_mem>>) {add = true}
        %dma_start3A_90 = arith.constant 0 : i32
        %dma_start3A_91 = tpu.memref_slice %arg21[%dma_start3A_90] : memref<10240xf32, #tpu.memory_space<vmem_shared>> -> memref<10240xf32, #tpu.memory_space<vmem_shared>>
        tpu.enqueue_indirect_dma source(%arg19 : memref<1000xf32, #tpu.memory_space<vmem>>) target(%dma_start3A_91 : memref<10240xf32, #tpu.memory_space<vmem_shared>>) offsets(%arg15 : memref<1000xi32, #tpu.memory_space<vmem>>) semaphore(%arg30 : memref<!tpu.dma_semaphore, #tpu.memory_space<semaphore_mem>>) {add = true}
        %gt3A_92 = arith.constant 0 : i32
        %gt3A_93 = arith.cmpi sgt, %scan3A_40, %gt3A_92 : i32
        %convert_element_type3A_94 = arith.extui %gt3A_93 : i1 to i32
        %cond3A_95 = arith.constant 0 : i32
        %cond3A_96 = arith.cmpi ne, %convert_element_type3A_94, %cond3A_95 : i32
        scf.if %cond3A_96 {
          %dma_wait3A_140 = arith.constant 0 : i32
          %dma_wait3A_141 = arith.constant 0 : i32
          %dma_wait3A_142 = tpu.memref_slice %arg20[%dma_wait3A_140, %dma_wait3A_141] : memref<10240x32xf32, #tpu.memory_space<vmem_shared>> -> memref<10240x32xf32, #tpu.memory_space<vmem_shared>>
          tpu.wait_indirect_dma semaphore(%arg29 : memref<!tpu.dma_semaphore, #tpu.memory_space<semaphore_mem>>) src(%arg18 : memref<1000x32xf32, #tpu.memory_space<vmem>>) dst(%dma_wait3A_142 : memref<10240x32xf32, #tpu.memory_space<vmem_shared>>)
          %dma_wait3A_143 = arith.constant 0 : i32
          %dma_wait3A_144 = tpu.memref_slice %arg21[%dma_wait3A_143] : memref<10240xf32, #tpu.memory_space<vmem_shared>> -> memref<10240xf32, #tpu.memory_space<vmem_shared>>
          tpu.wait_indirect_dma semaphore(%arg31 : memref<!tpu.dma_semaphore, #tpu.memory_space<semaphore_mem>>) src(%arg19 : memref<1000xf32, #tpu.memory_space<vmem>>) dst(%dma_wait3A_144 : memref<10240xf32, #tpu.memory_space<vmem_shared>>)
        } else {
        }
        %add3A_97 = arith.constant 1 : i32
        %add3A_98 = arith.addi %mul3A_42, %add3A_97 : i32
        %mul3A_99 = arith.constant 1000 : i32
        %mul3A_100 = arith.muli %add3A_98, %mul3A_99 : i32
        %add3A_101 = arith.addi %mul3A_20, %mul3A_100 : i32
        %dma_wait3A_102 = arith.constant 0 : i32
        %dma_wait3A_103 = tpu.memref_slice %arg7[%dma_wait3A_102, %add3A_101] : memref<2x160000xi32, #tpu.memory_space<hbm>> -> memref<1x1000xi32, #tpu.memory_space<hbm>>
        %dma_wait3A_104 = tpu.memref_squeeze %dma_wait3A_103 : memref<1x1000xi32, #tpu.memory_space<hbm>> -> memref<1000xi32, #tpu.memory_space<hbm>>
        %dma_wait3A_105 = tpu.memref_slice %arg7[%dma_wait3A_102, %add3A_101] : memref<2x160000xi32, #tpu.memory_space<hbm>> -> memref<1x1000xi32, #tpu.memory_space<hbm>>
        %dma_wait3A_106 = tpu.memref_squeeze %dma_wait3A_105 : memref<1x1000xi32, #tpu.memory_space<hbm>> -> memref<1000xi32, #tpu.memory_space<hbm>>
        tpu.wait_dma2 semaphore(%arg23 : memref<!tpu.dma_semaphore, #tpu.memory_space<semaphore_mem>>) src(%dma_wait3A_106 : memref<1000xi32, #tpu.memory_space<hbm>>) dst(%arg14 : memref<1000xi32, #tpu.memory_space<vmem>>)
        %dma_start3A_107 = arith.constant 0 : i32
        %dma_start3A_108 = arith.constant 0 : i32
        %dma_start3A_109 = tpu.memref_slice %arg2[%dma_start3A_107, %dma_start3A_108] : memref<10000x32xf32, #tpu.memory_space<hbm>> -> memref<10000x32xf32, #tpu.memory_space<hbm>>
        tpu.enqueue_indirect_dma source(%dma_start3A_109 : memref<10000x32xf32, #tpu.memory_space<hbm>>) target(%arg18 : memref<1000x32xf32, #tpu.memory_space<vmem>>) offsets(%arg14 : memref<1000xi32, #tpu.memory_space<vmem>>) semaphore(%arg27 : memref<!tpu.dma_semaphore, #tpu.memory_space<semaphore_mem>>)
        %add3A_110 = arith.constant 2 : i32
        %add3A_111 = arith.addi %mul3A_42, %add3A_110 : i32
        %lt3A = arith.constant 10 : i32
        %lt3A_112 = arith.cmpi slt, %add3A_111, %lt3A : i32
        %convert_element_type3A_113 = arith.extui %lt3A_112 : i1 to i32
        %cond3A_114 = arith.constant 0 : i32
        %cond3A_115 = arith.cmpi ne, %convert_element_type3A_113, %cond3A_114 : i32
        scf.if %cond3A_115 {
          %add3A_140 = arith.constant 2 : i32
          %add3A_141 = arith.addi %mul3A_42, %add3A_140 : i32
          %mul3A_142 = arith.constant 1000 : i32
          %mul3A_143 = arith.muli %add3A_141, %mul3A_142 : i32
          %add3A_144 = arith.addi %mul3A_20, %mul3A_143 : i32
          %dma_start3A_145 = arith.constant 0 : i32
          %dma_start3A_146 = tpu.memref_slice %arg7[%dma_start3A_145, %add3A_144] : memref<2x160000xi32, #tpu.memory_space<hbm>> -> memref<1x1000xi32, #tpu.memory_space<hbm>>
          %dma_start3A_147 = tpu.memref_squeeze %dma_start3A_146 : memref<1x1000xi32, #tpu.memory_space<hbm>> -> memref<1000xi32, #tpu.memory_space<hbm>>
          %dma_start3A_148 = tpu.memref_slice %arg7[%dma_start3A_145, %add3A_144] : memref<2x160000xi32, #tpu.memory_space<hbm>> -> memref<1x1000xi32, #tpu.memory_space<hbm>>
          %dma_start3A_149 = tpu.memref_squeeze %dma_start3A_148 : memref<1x1000xi32, #tpu.memory_space<hbm>> -> memref<1000xi32, #tpu.memory_space<hbm>>
          tpu.enqueue_dma source(%dma_start3A_149 : memref<1000xi32, #tpu.memory_space<hbm>>) target(%arg13 : memref<1000xi32, #tpu.memory_space<vmem>>) target_semaphore(%arg22 : memref<!tpu.dma_semaphore, #tpu.memory_space<semaphore_mem>>)
        } else {
        }
        %mul3A_116 = arith.constant 1000 : i32
        %mul3A_117 = arith.muli %add3A_98, %mul3A_116 : i32
        %add3A_118 = arith.addi %mul3A_20, %mul3A_117 : i32
        %dma_start3A_119 = arith.constant 1 : i32
        %dma_start3A_120 = tpu.memref_slice %arg7[%dma_start3A_119, %add3A_118] : memref<2x160000xi32, #tpu.memory_space<hbm>> -> memref<1x1000xi32, #tpu.memory_space<hbm>>
        %dma_start3A_121 = tpu.memref_squeeze %dma_start3A_120 : memref<1x1000xi32, #tpu.memory_space<hbm>> -> memref<1000xi32, #tpu.memory_space<hbm>>
        %dma_start3A_122 = tpu.memref_slice %arg7[%dma_start3A_119, %add3A_118] : memref<2x160000xi32, #tpu.memory_space<hbm>> -> memref<1x1000xi32, #tpu.memory_space<hbm>>
        %dma_start3A_123 = tpu.memref_squeeze %dma_start3A_122 : memref<1x1000xi32, #tpu.memory_space<hbm>> -> memref<1000xi32, #tpu.memory_space<hbm>>
        tpu.enqueue_dma source(%dma_start3A_123 : memref<1000xi32, #tpu.memory_space<hbm>>) target(%arg16 : memref<1000xi32, #tpu.memory_space<vmem>>) target_semaphore(%arg25 : memref<!tpu.dma_semaphore, #tpu.memory_space<semaphore_mem>>)
        %dma_wait3A_124 = arith.constant 0 : i32
        %dma_wait3A_125 = arith.constant 0 : i32
        %dma_wait3A_126 = tpu.memref_slice %arg2[%dma_wait3A_124, %dma_wait3A_125] : memref<10000x32xf32, #tpu.memory_space<hbm>> -> memref<10000x32xf32, #tpu.memory_space<hbm>>
        tpu.wait_indirect_dma semaphore(%arg27 : memref<!tpu.dma_semaphore, #tpu.memory_space<semaphore_mem>>) src(%dma_wait3A_126 : memref<10000x32xf32, #tpu.memory_space<hbm>>) dst(%arg18 : memref<1000x32xf32, #tpu.memory_space<vmem>>)
        %mul3A_127 = arith.constant 1000 : i32
        %mul3A_128 = arith.muli %add3A_98, %mul3A_127 : i32
        %add3A_129 = arith.addi %mul3A_20, %mul3A_128 : i32
        %dma_wait3A_130 = arith.constant 1 : i32
        %dma_wait3A_131 = tpu.memref_slice %arg7[%dma_wait3A_130, %add3A_129] : memref<2x160000xi32, #tpu.memory_space<hbm>> -> memref<1x1000xi32, #tpu.memory_space<hbm>>
        %dma_wait3A_132 = tpu.memref_squeeze %dma_wait3A_131 : memref<1x1000xi32, #tpu.memory_space<hbm>> -> memref<1000xi32, #tpu.memory_space<hbm>>
        %dma_wait3A_133 = tpu.memref_slice %arg7[%dma_wait3A_130, %add3A_129] : memref<2x160000xi32, #tpu.memory_space<hbm>> -> memref<1x1000xi32, #tpu.memory_space<hbm>>
        %dma_wait3A_134 = tpu.memref_squeeze %dma_wait3A_133 : memref<1x1000xi32, #tpu.memory_space<hbm>> -> memref<1000xi32, #tpu.memory_space<hbm>>
        tpu.wait_dma2 semaphore(%arg25 : memref<!tpu.dma_semaphore, #tpu.memory_space<semaphore_mem>>) src(%dma_wait3A_134 : memref<1000xi32, #tpu.memory_space<hbm>>) dst(%arg16 : memref<1000xi32, #tpu.memory_space<vmem>>)
        %dma_start3A_135 = arith.constant 0 : i32
        %dma_start3A_136 = arith.constant 0 : i32
        %dma_start3A_137 = tpu.memref_slice %arg20[%dma_start3A_135, %dma_start3A_136] : memref<10240x32xf32, #tpu.memory_space<vmem_shared>> -> memref<10240x32xf32, #tpu.memory_space<vmem_shared>>
        tpu.enqueue_indirect_dma source(%arg18 : memref<1000x32xf32, #tpu.memory_space<vmem>>) target(%dma_start3A_137 : memref<10240x32xf32, #tpu.memory_space<vmem_shared>>) offsets(%arg16 : memref<1000xi32, #tpu.memory_space<vmem>>) semaphore(%arg29 : memref<!tpu.dma_semaphore, #tpu.memory_space<semaphore_mem>>) {add = true}
        %dma_start3A_138 = arith.constant 0 : i32
        %dma_start3A_139 = tpu.memref_slice %arg21[%dma_start3A_138] : memref<10240xf32, #tpu.memory_space<vmem_shared>> -> memref<10240xf32, #tpu.memory_space<vmem_shared>>
        tpu.enqueue_indirect_dma source(%arg19 : memref<1000xf32, #tpu.memory_space<vmem>>) target(%dma_start3A_139 : memref<10240xf32, #tpu.memory_space<vmem_shared>>) offsets(%arg16 : memref<1000xi32, #tpu.memory_space<vmem>>) semaphore(%arg31 : memref<!tpu.dma_semaphore, #tpu.memory_space<semaphore_mem>>) {add = true}
      }
      %scan3A_30 = arith.constant 5 : i32
      %dma_wait3A = arith.constant 0 : i32
      %dma_wait3A_31 = arith.constant 0 : i32
      %dma_wait3A_32 = tpu.memref_slice %arg20[%dma_wait3A, %dma_wait3A_31] : memref<10240x32xf32, #tpu.memory_space<vmem_shared>> -> memref<10240x32xf32, #tpu.memory_space<vmem_shared>>
      tpu.wait_indirect_dma semaphore(%arg28 : memref<!tpu.dma_semaphore, #tpu.memory_space<semaphore_mem>>) src(%arg17 : memref<1000x32xf32, #tpu.memory_space<vmem>>) dst(%dma_wait3A_32 : memref<10240x32xf32, #tpu.memory_space<vmem_shared>>)
      %dma_wait3A_33 = arith.constant 0 : i32
      %dma_wait3A_34 = tpu.memref_slice %arg21[%dma_wait3A_33] : memref<10240xf32, #tpu.memory_space<vmem_shared>> -> memref<10240xf32, #tpu.memory_space<vmem_shared>>
      tpu.wait_indirect_dma semaphore(%arg30 : memref<!tpu.dma_semaphore, #tpu.memory_space<semaphore_mem>>) src(%arg19 : memref<1000xf32, #tpu.memory_space<vmem>>) dst(%dma_wait3A_34 : memref<10240xf32, #tpu.memory_space<vmem_shared>>)
      %dma_wait3A_35 = arith.constant 0 : i32
      %dma_wait3A_36 = arith.constant 0 : i32
      %dma_wait3A_37 = tpu.memref_slice %arg20[%dma_wait3A_35, %dma_wait3A_36] : memref<10240x32xf32, #tpu.memory_space<vmem_shared>> -> memref<10240x32xf32, #tpu.memory_space<vmem_shared>>
      tpu.wait_indirect_dma semaphore(%arg29 : memref<!tpu.dma_semaphore, #tpu.memory_space<semaphore_mem>>) src(%arg18 : memref<1000x32xf32, #tpu.memory_space<vmem>>) dst(%dma_wait3A_37 : memref<10240x32xf32, #tpu.memory_space<vmem_shared>>)
      %dma_wait3A_38 = arith.constant 0 : i32
      %dma_wait3A_39 = tpu.memref_slice %arg21[%dma_wait3A_38] : memref<10240xf32, #tpu.memory_space<vmem_shared>> -> memref<10240xf32, #tpu.memory_space<vmem_shared>>
      tpu.wait_indirect_dma semaphore(%arg31 : memref<!tpu.dma_semaphore, #tpu.memory_space<semaphore_mem>>) src(%arg19 : memref<1000xf32, #tpu.memory_space<vmem>>) dst(%dma_wait3A_39 : memref<10240xf32, #tpu.memory_space<vmem_shared>>)
    } else {
    }
    %eq3A_3 = arith.constant 1 : i32
    %eq3A_4 = arith.cmpi eq, %arg0, %eq3A_3 : i32
    %convert_element_type3A_5 = arith.extui %eq3A_4 : i1 to i32
    %cond3A_6 = arith.constant 0 : i32
    %cond3A_7 = arith.cmpi ne, %convert_element_type3A_5, %cond3A_6 : i32
    scf.if %cond3A_7 {
      %mul3A_19 = arith.constant 10000 : i32
      %mul3A_20 = arith.muli %arg1, %mul3A_19 : i32
      %add3A = arith.constant 0 : i32
      %add3A_21 = arith.addi %mul3A_20, %add3A : i32
      %dma_start3A = arith.constant 0 : i32
      %dma_start3A_22 = tpu.memref_slice %arg8[%dma_start3A, %add3A_21] : memref<2x160000xi32, #tpu.memory_space<hbm>> -> memref<1x1000xi32, #tpu.memory_space<hbm>>
      %dma_start3A_23 = tpu.memref_squeeze %dma_start3A_22 : memref<1x1000xi32, #tpu.memory_space<hbm>> -> memref<1000xi32, #tpu.memory_space<hbm>>
      %dma_start3A_24 = tpu.memref_slice %arg8[%dma_start3A, %add3A_21] : memref<2x160000xi32, #tpu.memory_space<hbm>> -> memref<1x1000xi32, #tpu.memory_space<hbm>>
      %dma_start3A_25 = tpu.memref_squeeze %dma_start3A_24 : memref<1x1000xi32, #tpu.memory_space<hbm>> -> memref<1000xi32, #tpu.memory_space<hbm>>
      tpu.enqueue_dma source(%dma_start3A_25 : memref<1000xi32, #tpu.memory_space<hbm>>) target(%arg13 : memref<1000xi32, #tpu.memory_space<vmem>>) target_semaphore(%arg22 : memref<!tpu.dma_semaphore, #tpu.memory_space<semaphore_mem>>)
      %scan3A = arith.constant 0 : i32
      %scan3A_26 = arith.constant 0 : i32
      %scan3A_27 = arith.constant 5 : i32
      %scan3A_28 = arith.addi %scan3A_26, %scan3A_27 : i32
      %scan3A_29 = arith.constant 1 : i32
      scf.for %scan3A_40 = %scan3A_26 to %scan3A_28 step %scan3A_29  : i32 {
        %mul3A_41 = arith.constant 2 : i32
        %mul3A_42 = arith.muli %mul3A_41, %scan3A_40 : i32
        %gt3A = arith.constant 0 : i32
        %gt3A_43 = arith.cmpi sgt, %scan3A_40, %gt3A : i32
        %convert_element_type3A_44 = arith.extui %gt3A_43 : i1 to i32
        %cond3A_45 = arith.constant 0 : i32
        %cond3A_46 = arith.cmpi ne, %convert_element_type3A_44, %cond3A_45 : i32
        scf.if %cond3A_46 {
          %dma_wait3A_140 = arith.constant 0 : i32
          %dma_wait3A_141 = arith.constant 0 : i32
          %dma_wait3A_142 = tpu.memref_slice %arg20[%dma_wait3A_140, %dma_wait3A_141] : memref<10240x32xf32, #tpu.memory_space<vmem_shared>> -> memref<10240x32xf32, #tpu.memory_space<vmem_shared>>
          tpu.wait_indirect_dma semaphore(%arg28 : memref<!tpu.dma_semaphore, #tpu.memory_space<semaphore_mem>>) src(%arg17 : memref<1000x32xf32, #tpu.memory_space<vmem>>) dst(%dma_wait3A_142 : memref<10240x32xf32, #tpu.memory_space<vmem_shared>>)
          %dma_wait3A_143 = arith.constant 0 : i32
          %dma_wait3A_144 = tpu.memref_slice %arg21[%dma_wait3A_143] : memref<10240xf32, #tpu.memory_space<vmem_shared>> -> memref<10240xf32, #tpu.memory_space<vmem_shared>>
          tpu.wait_indirect_dma semaphore(%arg30 : memref<!tpu.dma_semaphore, #tpu.memory_space<semaphore_mem>>) src(%arg19 : memref<1000xf32, #tpu.memory_space<vmem>>) dst(%dma_wait3A_144 : memref<10240xf32, #tpu.memory_space<vmem_shared>>)
        } else {
        }
        %mul3A_47 = arith.constant 1000 : i32
        %mul3A_48 = arith.muli %mul3A_42, %mul3A_47 : i32
        %add3A_49 = arith.addi %mul3A_20, %mul3A_48 : i32
        %dma_wait3A_50 = arith.constant 0 : i32
        %dma_wait3A_51 = tpu.memref_slice %arg8[%dma_wait3A_50, %add3A_49] : memref<2x160000xi32, #tpu.memory_space<hbm>> -> memref<1x1000xi32, #tpu.memory_space<hbm>>
        %dma_wait3A_52 = tpu.memref_squeeze %dma_wait3A_51 : memref<1x1000xi32, #tpu.memory_space<hbm>> -> memref<1000xi32, #tpu.memory_space<hbm>>
        %dma_wait3A_53 = tpu.memref_slice %arg8[%dma_wait3A_50, %add3A_49] : memref<2x160000xi32, #tpu.memory_space<hbm>> -> memref<1x1000xi32, #tpu.memory_space<hbm>>
        %dma_wait3A_54 = tpu.memref_squeeze %dma_wait3A_53 : memref<1x1000xi32, #tpu.memory_space<hbm>> -> memref<1000xi32, #tpu.memory_space<hbm>>
        tpu.wait_dma2 semaphore(%arg22 : memref<!tpu.dma_semaphore, #tpu.memory_space<semaphore_mem>>) src(%dma_wait3A_54 : memref<1000xi32, #tpu.memory_space<hbm>>) dst(%arg13 : memref<1000xi32, #tpu.memory_space<vmem>>)
        %dma_start3A_55 = arith.constant 0 : i32
        %dma_start3A_56 = arith.constant 0 : i32
        %dma_start3A_57 = tpu.memref_slice %arg3[%dma_start3A_55, %dma_start3A_56] : memref<10000x32xf32, #tpu.memory_space<hbm>> -> memref<10000x32xf32, #tpu.memory_space<hbm>>
        tpu.enqueue_indirect_dma source(%dma_start3A_57 : memref<10000x32xf32, #tpu.memory_space<hbm>>) target(%arg17 : memref<1000x32xf32, #tpu.memory_space<vmem>>) offsets(%arg13 : memref<1000xi32, #tpu.memory_space<vmem>>) semaphore(%arg26 : memref<!tpu.dma_semaphore, #tpu.memory_space<semaphore_mem>>)
        %add3A_58 = arith.constant 1 : i32
        %add3A_59 = arith.addi %mul3A_42, %add3A_58 : i32
        %mul3A_60 = arith.constant 1000 : i32
        %mul3A_61 = arith.muli %add3A_59, %mul3A_60 : i32
        %add3A_62 = arith.addi %mul3A_20, %mul3A_61 : i32
        %dma_start3A_63 = arith.constant 0 : i32
        %dma_start3A_64 = tpu.memref_slice %arg8[%dma_start3A_63, %add3A_62] : memref<2x160000xi32, #tpu.memory_space<hbm>> -> memref<1x1000xi32, #tpu.memory_space<hbm>>
        %dma_start3A_65 = tpu.memref_squeeze %dma_start3A_64 : memref<1x1000xi32, #tpu.memory_space<hbm>> -> memref<1000xi32, #tpu.memory_space<hbm>>
        %dma_start3A_66 = tpu.memref_slice %arg8[%dma_start3A_63, %add3A_62] : memref<2x160000xi32, #tpu.memory_space<hbm>> -> memref<1x1000xi32, #tpu.memory_space<hbm>>
        %dma_start3A_67 = tpu.memref_squeeze %dma_start3A_66 : memref<1x1000xi32, #tpu.memory_space<hbm>> -> memref<1000xi32, #tpu.memory_space<hbm>>
        tpu.enqueue_dma source(%dma_start3A_67 : memref<1000xi32, #tpu.memory_space<hbm>>) target(%arg14 : memref<1000xi32, #tpu.memory_space<vmem>>) target_semaphore(%arg23 : memref<!tpu.dma_semaphore, #tpu.memory_space<semaphore_mem>>)
        %mul3A_68 = arith.constant 1000 : i32
        %mul3A_69 = arith.muli %mul3A_42, %mul3A_68 : i32
        %add3A_70 = arith.addi %mul3A_20, %mul3A_69 : i32
        %dma_start3A_71 = arith.constant 1 : i32
        %dma_start3A_72 = tpu.memref_slice %arg8[%dma_start3A_71, %add3A_70] : memref<2x160000xi32, #tpu.memory_space<hbm>> -> memref<1x1000xi32, #tpu.memory_space<hbm>>
        %dma_start3A_73 = tpu.memref_squeeze %dma_start3A_72 : memref<1x1000xi32, #tpu.memory_space<hbm>> -> memref<1000xi32, #tpu.memory_space<hbm>>
        %dma_start3A_74 = tpu.memref_slice %arg8[%dma_start3A_71, %add3A_70] : memref<2x160000xi32, #tpu.memory_space<hbm>> -> memref<1x1000xi32, #tpu.memory_space<hbm>>
        %dma_start3A_75 = tpu.memref_squeeze %dma_start3A_74 : memref<1x1000xi32, #tpu.memory_space<hbm>> -> memref<1000xi32, #tpu.memory_space<hbm>>
        tpu.enqueue_dma source(%dma_start3A_75 : memref<1000xi32, #tpu.memory_space<hbm>>) target(%arg15 : memref<1000xi32, #tpu.memory_space<vmem>>) target_semaphore(%arg24 : memref<!tpu.dma_semaphore, #tpu.memory_space<semaphore_mem>>)
        %dma_wait3A_76 = arith.constant 0 : i32
        %dma_wait3A_77 = arith.constant 0 : i32
        %dma_wait3A_78 = tpu.memref_slice %arg3[%dma_wait3A_76, %dma_wait3A_77] : memref<10000x32xf32, #tpu.memory_space<hbm>> -> memref<10000x32xf32, #tpu.memory_space<hbm>>
        tpu.wait_indirect_dma semaphore(%arg26 : memref<!tpu.dma_semaphore, #tpu.memory_space<semaphore_mem>>) src(%dma_wait3A_78 : memref<10000x32xf32, #tpu.memory_space<hbm>>) dst(%arg17 : memref<1000x32xf32, #tpu.memory_space<vmem>>)
        %mul3A_79 = arith.constant 1000 : i32
        %mul3A_80 = arith.muli %mul3A_42, %mul3A_79 : i32
        %add3A_81 = arith.addi %mul3A_20, %mul3A_80 : i32
        %dma_wait3A_82 = arith.constant 1 : i32
        %dma_wait3A_83 = tpu.memref_slice %arg8[%dma_wait3A_82, %add3A_81] : memref<2x160000xi32, #tpu.memory_space<hbm>> -> memref<1x1000xi32, #tpu.memory_space<hbm>>
        %dma_wait3A_84 = tpu.memref_squeeze %dma_wait3A_83 : memref<1x1000xi32, #tpu.memory_space<hbm>> -> memref<1000xi32, #tpu.memory_space<hbm>>
        %dma_wait3A_85 = tpu.memref_slice %arg8[%dma_wait3A_82, %add3A_81] : memref<2x160000xi32, #tpu.memory_space<hbm>> -> memref<1x1000xi32, #tpu.memory_space<hbm>>
        %dma_wait3A_86 = tpu.memref_squeeze %dma_wait3A_85 : memref<1x1000xi32, #tpu.memory_space<hbm>> -> memref<1000xi32, #tpu.memory_space<hbm>>
        tpu.wait_dma2 semaphore(%arg24 : memref<!tpu.dma_semaphore, #tpu.memory_space<semaphore_mem>>) src(%dma_wait3A_86 : memref<1000xi32, #tpu.memory_space<hbm>>) dst(%arg15 : memref<1000xi32, #tpu.memory_space<vmem>>)
        %dma_start3A_87 = arith.constant 0 : i32
        %dma_start3A_88 = arith.constant 0 : i32
        %dma_start3A_89 = tpu.memref_slice %arg20[%dma_start3A_87, %dma_start3A_88] : memref<10240x32xf32, #tpu.memory_space<vmem_shared>> -> memref<10240x32xf32, #tpu.memory_space<vmem_shared>>
        tpu.enqueue_indirect_dma source(%arg17 : memref<1000x32xf32, #tpu.memory_space<vmem>>) target(%dma_start3A_89 : memref<10240x32xf32, #tpu.memory_space<vmem_shared>>) offsets(%arg15 : memref<1000xi32, #tpu.memory_space<vmem>>) semaphore(%arg28 : memref<!tpu.dma_semaphore, #tpu.memory_space<semaphore_mem>>) {add = true}
        %dma_start3A_90 = arith.constant 0 : i32
        %dma_start3A_91 = tpu.memref_slice %arg21[%dma_start3A_90] : memref<10240xf32, #tpu.memory_space<vmem_shared>> -> memref<10240xf32, #tpu.memory_space<vmem_shared>>
        tpu.enqueue_indirect_dma source(%arg19 : memref<1000xf32, #tpu.memory_space<vmem>>) target(%dma_start3A_91 : memref<10240xf32, #tpu.memory_space<vmem_shared>>) offsets(%arg15 : memref<1000xi32, #tpu.memory_space<vmem>>) semaphore(%arg30 : memref<!tpu.dma_semaphore, #tpu.memory_space<semaphore_mem>>) {add = true}
        %gt3A_92 = arith.constant 0 : i32
        %gt3A_93 = arith.cmpi sgt, %scan3A_40, %gt3A_92 : i32
        %convert_element_type3A_94 = arith.extui %gt3A_93 : i1 to i32
        %cond3A_95 = arith.constant 0 : i32
        %cond3A_96 = arith.cmpi ne, %convert_element_type3A_94, %cond3A_95 : i32
        scf.if %cond3A_96 {
          %dma_wait3A_140 = arith.constant 0 : i32
          %dma_wait3A_141 = arith.constant 0 : i32
          %dma_wait3A_142 = tpu.memref_slice %arg20[%dma_wait3A_140, %dma_wait3A_141] : memref<10240x32xf32, #tpu.memory_space<vmem_shared>> -> memref<10240x32xf32, #tpu.memory_space<vmem_shared>>
          tpu.wait_indirect_dma semaphore(%arg29 : memref<!tpu.dma_semaphore, #tpu.memory_space<semaphore_mem>>) src(%arg18 : memref<1000x32xf32, #tpu.memory_space<vmem>>) dst(%dma_wait3A_142 : memref<10240x32xf32, #tpu.memory_space<vmem_shared>>)
          %dma_wait3A_143 = arith.constant 0 : i32
          %dma_wait3A_144 = tpu.memref_slice %arg21[%dma_wait3A_143] : memref<10240xf32, #tpu.memory_space<vmem_shared>> -> memref<10240xf32, #tpu.memory_space<vmem_shared>>
          tpu.wait_indirect_dma semaphore(%arg31 : memref<!tpu.dma_semaphore, #tpu.memory_space<semaphore_mem>>) src(%arg19 : memref<1000xf32, #tpu.memory_space<vmem>>) dst(%dma_wait3A_144 : memref<10240xf32, #tpu.memory_space<vmem_shared>>)
        } else {
        }
        %add3A_97 = arith.constant 1 : i32
        %add3A_98 = arith.addi %mul3A_42, %add3A_97 : i32
        %mul3A_99 = arith.constant 1000 : i32
        %mul3A_100 = arith.muli %add3A_98, %mul3A_99 : i32
        %add3A_101 = arith.addi %mul3A_20, %mul3A_100 : i32
        %dma_wait3A_102 = arith.constant 0 : i32
        %dma_wait3A_103 = tpu.memref_slice %arg8[%dma_wait3A_102, %add3A_101] : memref<2x160000xi32, #tpu.memory_space<hbm>> -> memref<1x1000xi32, #tpu.memory_space<hbm>>
        %dma_wait3A_104 = tpu.memref_squeeze %dma_wait3A_103 : memref<1x1000xi32, #tpu.memory_space<hbm>> -> memref<1000xi32, #tpu.memory_space<hbm>>
        %dma_wait3A_105 = tpu.memref_slice %arg8[%dma_wait3A_102, %add3A_101] : memref<2x160000xi32, #tpu.memory_space<hbm>> -> memref<1x1000xi32, #tpu.memory_space<hbm>>
        %dma_wait3A_106 = tpu.memref_squeeze %dma_wait3A_105 : memref<1x1000xi32, #tpu.memory_space<hbm>> -> memref<1000xi32, #tpu.memory_space<hbm>>
        tpu.wait_dma2 semaphore(%arg23 : memref<!tpu.dma_semaphore, #tpu.memory_space<semaphore_mem>>) src(%dma_wait3A_106 : memref<1000xi32, #tpu.memory_space<hbm>>) dst(%arg14 : memref<1000xi32, #tpu.memory_space<vmem>>)
        %dma_start3A_107 = arith.constant 0 : i32
        %dma_start3A_108 = arith.constant 0 : i32
        %dma_start3A_109 = tpu.memref_slice %arg3[%dma_start3A_107, %dma_start3A_108] : memref<10000x32xf32, #tpu.memory_space<hbm>> -> memref<10000x32xf32, #tpu.memory_space<hbm>>
        tpu.enqueue_indirect_dma source(%dma_start3A_109 : memref<10000x32xf32, #tpu.memory_space<hbm>>) target(%arg18 : memref<1000x32xf32, #tpu.memory_space<vmem>>) offsets(%arg14 : memref<1000xi32, #tpu.memory_space<vmem>>) semaphore(%arg27 : memref<!tpu.dma_semaphore, #tpu.memory_space<semaphore_mem>>)
        %add3A_110 = arith.constant 2 : i32
        %add3A_111 = arith.addi %mul3A_42, %add3A_110 : i32
        %lt3A = arith.constant 10 : i32
        %lt3A_112 = arith.cmpi slt, %add3A_111, %lt3A : i32
        %convert_element_type3A_113 = arith.extui %lt3A_112 : i1 to i32
        %cond3A_114 = arith.constant 0 : i32
        %cond3A_115 = arith.cmpi ne, %convert_element_type3A_113, %cond3A_114 : i32
        scf.if %cond3A_115 {
          %add3A_140 = arith.constant 2 : i32
          %add3A_141 = arith.addi %mul3A_42, %add3A_140 : i32
          %mul3A_142 = arith.constant 1000 : i32
          %mul3A_143 = arith.muli %add3A_141, %mul3A_142 : i32
          %add3A_144 = arith.addi %mul3A_20, %mul3A_143 : i32
          %dma_start3A_145 = arith.constant 0 : i32
          %dma_start3A_146 = tpu.memref_slice %arg8[%dma_start3A_145, %add3A_144] : memref<2x160000xi32, #tpu.memory_space<hbm>> -> memref<1x1000xi32, #tpu.memory_space<hbm>>
          %dma_start3A_147 = tpu.memref_squeeze %dma_start3A_146 : memref<1x1000xi32, #tpu.memory_space<hbm>> -> memref<1000xi32, #tpu.memory_space<hbm>>
          %dma_start3A_148 = tpu.memref_slice %arg8[%dma_start3A_145, %add3A_144] : memref<2x160000xi32, #tpu.memory_space<hbm>> -> memref<1x1000xi32, #tpu.memory_space<hbm>>
          %dma_start3A_149 = tpu.memref_squeeze %dma_start3A_148 : memref<1x1000xi32, #tpu.memory_space<hbm>> -> memref<1000xi32, #tpu.memory_space<hbm>>
          tpu.enqueue_dma source(%dma_start3A_149 : memref<1000xi32, #tpu.memory_space<hbm>>) target(%arg13 : memref<1000xi32, #tpu.memory_space<vmem>>) target_semaphore(%arg22 : memref<!tpu.dma_semaphore, #tpu.memory_space<semaphore_mem>>)
        } else {
        }
        %mul3A_116 = arith.constant 1000 : i32
        %mul3A_117 = arith.muli %add3A_98, %mul3A_116 : i32
        %add3A_118 = arith.addi %mul3A_20, %mul3A_117 : i32
        %dma_start3A_119 = arith.constant 1 : i32
        %dma_start3A_120 = tpu.memref_slice %arg8[%dma_start3A_119, %add3A_118] : memref<2x160000xi32, #tpu.memory_space<hbm>> -> memref<1x1000xi32, #tpu.memory_space<hbm>>
        %dma_start3A_121 = tpu.memref_squeeze %dma_start3A_120 : memref<1x1000xi32, #tpu.memory_space<hbm>> -> memref<1000xi32, #tpu.memory_space<hbm>>
        %dma_start3A_122 = tpu.memref_slice %arg8[%dma_start3A_119, %add3A_118] : memref<2x160000xi32, #tpu.memory_space<hbm>> -> memref<1x1000xi32, #tpu.memory_space<hbm>>
        %dma_start3A_123 = tpu.memref_squeeze %dma_start3A_122 : memref<1x1000xi32, #tpu.memory_space<hbm>> -> memref<1000xi32, #tpu.memory_space<hbm>>
        tpu.enqueue_dma source(%dma_start3A_123 : memref<1000xi32, #tpu.memory_space<hbm>>) target(%arg16 : memref<1000xi32, #tpu.memory_space<vmem>>) target_semaphore(%arg25 : memref<!tpu.dma_semaphore, #tpu.memory_space<semaphore_mem>>)
        %dma_wait3A_124 = arith.constant 0 : i32
        %dma_wait3A_125 = arith.constant 0 : i32
        %dma_wait3A_126 = tpu.memref_slice %arg3[%dma_wait3A_124, %dma_wait3A_125] : memref<10000x32xf32, #tpu.memory_space<hbm>> -> memref<10000x32xf32, #tpu.memory_space<hbm>>
        tpu.wait_indirect_dma semaphore(%arg27 : memref<!tpu.dma_semaphore, #tpu.memory_space<semaphore_mem>>) src(%dma_wait3A_126 : memref<10000x32xf32, #tpu.memory_space<hbm>>) dst(%arg18 : memref<1000x32xf32, #tpu.memory_space<vmem>>)
        %mul3A_127 = arith.constant 1000 : i32
        %mul3A_128 = arith.muli %add3A_98, %mul3A_127 : i32
        %add3A_129 = arith.addi %mul3A_20, %mul3A_128 : i32
        %dma_wait3A_130 = arith.constant 1 : i32
        %dma_wait3A_131 = tpu.memref_slice %arg8[%dma_wait3A_130, %add3A_129] : memref<2x160000xi32, #tpu.memory_space<hbm>> -> memref<1x1000xi32, #tpu.memory_space<hbm>>
        %dma_wait3A_132 = tpu.memref_squeeze %dma_wait3A_131 : memref<1x1000xi32, #tpu.memory_space<hbm>> -> memref<1000xi32, #tpu.memory_space<hbm>>
        %dma_wait3A_133 = tpu.memref_slice %arg8[%dma_wait3A_130, %add3A_129] : memref<2x160000xi32, #tpu.memory_space<hbm>> -> memref<1x1000xi32, #tpu.memory_space<hbm>>
        %dma_wait3A_134 = tpu.memref_squeeze %dma_wait3A_133 : memref<1x1000xi32, #tpu.memory_space<hbm>> -> memref<1000xi32, #tpu.memory_space<hbm>>
        tpu.wait_dma2 semaphore(%arg25 : memref<!tpu.dma_semaphore, #tpu.memory_space<semaphore_mem>>) src(%dma_wait3A_134 : memref<1000xi32, #tpu.memory_space<hbm>>) dst(%arg16 : memref<1000xi32, #tpu.memory_space<vmem>>)
        %dma_start3A_135 = arith.constant 0 : i32
        %dma_start3A_136 = arith.constant 0 : i32
        %dma_start3A_137 = tpu.memref_slice %arg20[%dma_start3A_135, %dma_start3A_136] : memref<10240x32xf32, #tpu.memory_space<vmem_shared>> -> memref<10240x32xf32, #tpu.memory_space<vmem_shared>>
        tpu.enqueue_indirect_dma source(%arg18 : memref<1000x32xf32, #tpu.memory_space<vmem>>) target(%dma_start3A_137 : memref<10240x32xf32, #tpu.memory_space<vmem_shared>>) offsets(%arg16 : memref<1000xi32, #tpu.memory_space<vmem>>) semaphore(%arg29 : memref<!tpu.dma_semaphore, #tpu.memory_space<semaphore_mem>>) {add = true}
        %dma_start3A_138 = arith.constant 0 : i32
        %dma_start3A_139 = tpu.memref_slice %arg21[%dma_start3A_138] : memref<10240xf32, #tpu.memory_space<vmem_shared>> -> memref<10240xf32, #tpu.memory_space<vmem_shared>>
        tpu.enqueue_indirect_dma source(%arg19 : memref<1000xf32, #tpu.memory_space<vmem>>) target(%dma_start3A_139 : memref<10240xf32, #tpu.memory_space<vmem_shared>>) offsets(%arg16 : memref<1000xi32, #tpu.memory_space<vmem>>) semaphore(%arg31 : memref<!tpu.dma_semaphore, #tpu.memory_space<semaphore_mem>>) {add = true}
      }
      %scan3A_30 = arith.constant 5 : i32
      %dma_wait3A = arith.constant 0 : i32
      %dma_wait3A_31 = arith.constant 0 : i32
      %dma_wait3A_32 = tpu.memref_slice %arg20[%dma_wait3A, %dma_wait3A_31] : memref<10240x32xf32, #tpu.memory_space<vmem_shared>> -> memref<10240x32xf32, #tpu.memory_space<vmem_shared>>
      tpu.wait_indirect_dma semaphore(%arg28 : memref<!tpu.dma_semaphore, #tpu.memory_space<semaphore_mem>>) src(%arg17 : memref<1000x32xf32, #tpu.memory_space<vmem>>) dst(%dma_wait3A_32 : memref<10240x32xf32, #tpu.memory_space<vmem_shared>>)
      %dma_wait3A_33 = arith.constant 0 : i32
      %dma_wait3A_34 = tpu.memref_slice %arg21[%dma_wait3A_33] : memref<10240xf32, #tpu.memory_space<vmem_shared>> -> memref<10240xf32, #tpu.memory_space<vmem_shared>>
      tpu.wait_indirect_dma semaphore(%arg30 : memref<!tpu.dma_semaphore, #tpu.memory_space<semaphore_mem>>) src(%arg19 : memref<1000xf32, #tpu.memory_space<vmem>>) dst(%dma_wait3A_34 : memref<10240xf32, #tpu.memory_space<vmem_shared>>)
      %dma_wait3A_35 = arith.constant 0 : i32
      %dma_wait3A_36 = arith.constant 0 : i32
      %dma_wait3A_37 = tpu.memref_slice %arg20[%dma_wait3A_35, %dma_wait3A_36] : memref<10240x32xf32, #tpu.memory_space<vmem_shared>> -> memref<10240x32xf32, #tpu.memory_space<vmem_shared>>
      tpu.wait_indirect_dma semaphore(%arg29 : memref<!tpu.dma_semaphore, #tpu.memory_space<semaphore_mem>>) src(%arg18 : memref<1000x32xf32, #tpu.memory_space<vmem>>) dst(%dma_wait3A_37 : memref<10240x32xf32, #tpu.memory_space<vmem_shared>>)
      %dma_wait3A_38 = arith.constant 0 : i32
      %dma_wait3A_39 = tpu.memref_slice %arg21[%dma_wait3A_38] : memref<10240xf32, #tpu.memory_space<vmem_shared>> -> memref<10240xf32, #tpu.memory_space<vmem_shared>>
      tpu.wait_indirect_dma semaphore(%arg31 : memref<!tpu.dma_semaphore, #tpu.memory_space<semaphore_mem>>) src(%arg19 : memref<1000xf32, #tpu.memory_space<vmem>>) dst(%dma_wait3A_39 : memref<10240xf32, #tpu.memory_space<vmem_shared>>)
    } else {
    }
    %barrier3A_8 = arith.constant 0 : index
    tpu.barrier barrier_id(%barrier3A_8)
    %eq3A_9 = arith.constant 0 : i32
    %eq3A_10 = arith.cmpi eq, %arg0, %eq3A_9 : i32
    %convert_element_type3A_11 = arith.extui %eq3A_10 : i1 to i32
    %cond3A_12 = arith.constant 0 : i32
    %cond3A_13 = arith.cmpi ne, %convert_element_type3A_11, %cond3A_12 : i32
    scf.if %cond3A_13 {
      "tpu.region"() ({
        %run_scoped3A = tpu.sem_alloc : memref<!tpu.dma_semaphore, #tpu.memory_space<semaphore_mem>>
        %dma_start3A = arith.constant 0 : i32
        %dma_start3A_19 = tpu.memref_slice %arg9[%mul3A_0, %dma_start3A] : memref<10240x32xf32, #tpu.memory_space<hbm>> -> memref<640x32xf32, #tpu.memory_space<hbm>>
        %dma_start3A_20 = arith.constant 0 : i32
        %dma_start3A_21 = tpu.memref_slice %arg20[%mul3A_0, %dma_start3A_20] : memref<10240x32xf32, #tpu.memory_space<vmem_shared>> -> memref<640x32xf32, #tpu.memory_space<vmem_shared>>
        tpu.enqueue_dma source(%dma_start3A_21 : memref<640x32xf32, #tpu.memory_space<vmem_shared>>) target(%dma_start3A_19 : memref<640x32xf32, #tpu.memory_space<hbm>>) target_semaphore(%run_scoped3A : memref<!tpu.dma_semaphore, #tpu.memory_space<semaphore_mem>>)
        %dma_wait3A = arith.constant 0 : i32
        %dma_wait3A_22 = tpu.memref_slice %arg9[%mul3A_0, %dma_wait3A] : memref<10240x32xf32, #tpu.memory_space<hbm>> -> memref<640x32xf32, #tpu.memory_space<hbm>>
        %dma_wait3A_23 = arith.constant 0 : i32
        %dma_wait3A_24 = tpu.memref_slice %arg20[%mul3A_0, %dma_wait3A_23] : memref<10240x32xf32, #tpu.memory_space<vmem_shared>> -> memref<640x32xf32, #tpu.memory_space<vmem_shared>>
        tpu.wait_dma2 semaphore(%run_scoped3A : memref<!tpu.dma_semaphore, #tpu.memory_space<semaphore_mem>>) src(%dma_wait3A_24 : memref<640x32xf32, #tpu.memory_space<vmem_shared>>) dst(%dma_wait3A_22 : memref<640x32xf32, #tpu.memory_space<hbm>>)
        tpu.yield
      }) : () -> ()
      "tpu.region"() ({
        %run_scoped3A = tpu.sem_alloc : memref<!tpu.dma_semaphore, #tpu.memory_space<semaphore_mem>>
        %dma_start3A = tpu.memref_slice %arg11[%mul3A_0] : memref<10240xf32, #tpu.memory_space<hbm>> -> memref<640xf32, #tpu.memory_space<hbm>>
        %dma_start3A_19 = tpu.memref_slice %arg21[%mul3A_0] : memref<10240xf32, #tpu.memory_space<vmem_shared>> -> memref<640xf32, #tpu.memory_space<vmem_shared>>
        tpu.enqueue_dma source(%dma_start3A_19 : memref<640xf32, #tpu.memory_space<vmem_shared>>) target(%dma_start3A : memref<640xf32, #tpu.memory_space<hbm>>) target_semaphore(%run_scoped3A : memref<!tpu.dma_semaphore, #tpu.memory_space<semaphore_mem>>)
        %dma_wait3A = tpu.memref_slice %arg11[%mul3A_0] : memref<10240xf32, #tpu.memory_space<hbm>> -> memref<640xf32, #tpu.memory_space<hbm>>
        %dma_wait3A_20 = tpu.memref_slice %arg21[%mul3A_0] : memref<10240xf32, #tpu.memory_space<vmem_shared>> -> memref<640xf32, #tpu.memory_space<vmem_shared>>
        tpu.wait_dma2 semaphore(%run_scoped3A : memref<!tpu.dma_semaphore, #tpu.memory_space<semaphore_mem>>) src(%dma_wait3A_20 : memref<640xf32, #tpu.memory_space<vmem_shared>>) dst(%dma_wait3A : memref<640xf32, #tpu.memory_space<hbm>>)
        tpu.yield
      }) : () -> ()
    } else {
    }
    %eq3A_14 = arith.constant 1 : i32
    %eq3A_15 = arith.cmpi eq, %arg0, %eq3A_14 : i32
    %convert_element_type3A_16 = arith.extui %eq3A_15 : i1 to i32
    %cond3A_17 = arith.constant 0 : i32
    %cond3A_18 = arith.cmpi ne, %convert_element_type3A_16, %cond3A_17 : i32
    scf.if %cond3A_18 {
      "tpu.region"() ({
        %run_scoped3A = tpu.sem_alloc : memref<!tpu.dma_semaphore, #tpu.memory_space<semaphore_mem>>
        %dma_start3A = arith.constant 0 : i32
        %dma_start3A_19 = tpu.memref_slice %arg10[%mul3A_0, %dma_start3A] : memref<10240x32xf32, #tpu.memory_space<hbm>> -> memref<640x32xf32, #tpu.memory_space<hbm>>
        %dma_start3A_20 = arith.constant 0 : i32
        %dma_start3A_21 = tpu.memref_slice %arg20[%mul3A_0, %dma_start3A_20] : memref<10240x32xf32, #tpu.memory_space<vmem_shared>> -> memref<640x32xf32, #tpu.memory_space<vmem_shared>>
        tpu.enqueue_dma source(%dma_start3A_21 : memref<640x32xf32, #tpu.memory_space<vmem_shared>>) target(%dma_start3A_19 : memref<640x32xf32, #tpu.memory_space<hbm>>) target_semaphore(%run_scoped3A : memref<!tpu.dma_semaphore, #tpu.memory_space<semaphore_mem>>)
        %dma_wait3A = arith.constant 0 : i32
        %dma_wait3A_22 = tpu.memref_slice %arg10[%mul3A_0, %dma_wait3A] : memref<10240x32xf32, #tpu.memory_space<hbm>> -> memref<640x32xf32, #tpu.memory_space<hbm>>
        %dma_wait3A_23 = arith.constant 0 : i32
        %dma_wait3A_24 = tpu.memref_slice %arg20[%mul3A_0, %dma_wait3A_23] : memref<10240x32xf32, #tpu.memory_space<vmem_shared>> -> memref<640x32xf32, #tpu.memory_space<vmem_shared>>
        tpu.wait_dma2 semaphore(%run_scoped3A : memref<!tpu.dma_semaphore, #tpu.memory_space<semaphore_mem>>) src(%dma_wait3A_24 : memref<640x32xf32, #tpu.memory_space<vmem_shared>>) dst(%dma_wait3A_22 : memref<640x32xf32, #tpu.memory_space<hbm>>)
        tpu.yield
      }) : () -> ()
      "tpu.region"() ({
        %run_scoped3A = tpu.sem_alloc : memref<!tpu.dma_semaphore, #tpu.memory_space<semaphore_mem>>
        %dma_start3A = tpu.memref_slice %arg12[%mul3A_0] : memref<10240xf32, #tpu.memory_space<hbm>> -> memref<640xf32, #tpu.memory_space<hbm>>
        %dma_start3A_19 = tpu.memref_slice %arg21[%mul3A_0] : memref<10240xf32, #tpu.memory_space<vmem_shared>> -> memref<640xf32, #tpu.memory_space<vmem_shared>>
        tpu.enqueue_dma source(%dma_start3A_19 : memref<640xf32, #tpu.memory_space<vmem_shared>>) target(%dma_start3A : memref<640xf32, #tpu.memory_space<hbm>>) target_semaphore(%run_scoped3A : memref<!tpu.dma_semaphore, #tpu.memory_space<semaphore_mem>>)
        %dma_wait3A = tpu.memref_slice %arg12[%mul3A_0] : memref<10240xf32, #tpu.memory_space<hbm>> -> memref<640xf32, #tpu.memory_space<hbm>>
        %dma_wait3A_20 = tpu.memref_slice %arg21[%mul3A_0] : memref<10240xf32, #tpu.memory_space<vmem_shared>> -> memref<640xf32, #tpu.memory_space<vmem_shared>>
        tpu.wait_dma2 semaphore(%run_scoped3A : memref<!tpu.dma_semaphore, #tpu.memory_space<semaphore_mem>>) src(%dma_wait3A_20 : memref<640xf32, #tpu.memory_space<vmem_shared>>) dst(%dma_wait3A : memref<640xf32, #tpu.memory_space<hbm>>)
        tpu.yield
      }) : () -> ()
    } else {
    }
    return
  }
}

module attributes {stable_mosaic.version = 14 : i64} {
  func.func @_proj1_body(%arg0: i32, %arg1: memref<2000x128xf32, #tpu.memory_space<vmem>>, %arg2: memref<128x64xf32, #tpu.memory_space<vmem>>, %arg3: memref<128x64xf32, #tpu.memory_space<vmem>>, %arg4: memref<1x64xf32, #tpu.memory_space<vmem>>, %arg5: memref<2000x32xf32, #tpu.memory_space<vmem>>, %arg6: memref<2000x32xf32, #tpu.memory_space<vmem>>, %arg7: memref<2000x64xf32, #tpu.memory_space<vmem>>) attributes {dimension_semantics = [#tpu.dimension_semantics<arbitrary>], iteration_bounds = array<i64: 5>, scalar_prefetch = 0 : i64, scratch_operands = 0 : i64, tpu.core_type = #tpu.core_type<tc>, window_params = [{transform_indices = @transform_0, window_bounds = array<i64: 2000, 128>}, {pipeline_mode = #tpu.pipeline_mode<synchronous>, transform_indices = @transform_1, window_bounds = array<i64: 128, 64>}, {pipeline_mode = #tpu.pipeline_mode<synchronous>, transform_indices = @transform_2, window_bounds = array<i64: 128, 64>}, {pipeline_mode = #tpu.pipeline_mode<synchronous>, transform_indices = @transform_3, window_bounds = array<i64: 1, 64>}, {transform_indices = @transform_4, window_bounds = array<i64: 2000, 32>}, {transform_indices = @transform_5, window_bounds = array<i64: 2000, 32>}, {transform_indices = @transform_6, window_bounds = array<i64: 2000, 64>}]} {
    %get3A = arith.constant 0 : index
    %get3A_0 = arith.constant 0 : index
    %get3A_1 = vector.load %arg1[%get3A, %get3A_0] : memref<2000x128xf32, #tpu.memory_space<vmem>>, vector<2000x128xf32>
    %get3A_2 = arith.constant 0 : index
    %get3A_3 = arith.constant 0 : index
    %get3A_4 = vector.load %arg2[%get3A_2, %get3A_3] : memref<128x64xf32, #tpu.memory_space<vmem>>, vector<128x64xf32>
    %dot_general3A = arith.constant dense<0.000000e+00> : vector<2000x64xf32>
    %dot_general3A_5 = tpu.matmul %get3A_1, %get3A_4, %dot_general3A {dimension_numbers = #tpu.dot_dimension_numbers<[1], [0], [0], [1], [0, 0, 1, 1], [], []>, transpose_lhs_hint = false} : vector<2000x128xf32>, vector<128x64xf32>, vector<2000x64xf32> -> vector<2000x64xf32>
    %slice3A = vector.extract_strided_slice %dot_general3A_5 {offsets = [0, 0], sizes = [2000, 32], strides = [1, 1]} : vector<2000x64xf32> to vector<2000x32xf32>
    %swap3A = arith.constant 0 : index
    %swap3A_6 = arith.constant 0 : index
    %swap3A_7 = vector.load %arg5[%swap3A, %swap3A_6] : memref<2000x32xf32, #tpu.memory_space<vmem>>, vector<2000x32xf32>
    tpu.vector_store %arg5[%swap3A, %swap3A_6], %slice3A {strides = array<i32>} : memref<2000x32xf32, #tpu.memory_space<vmem>>, vector<2000x32xf32>,
    %slice3A_8 = vector.extract_strided_slice %dot_general3A_5 {offsets = [0, 32], sizes = [2000, 32], strides = [1, 1]} : vector<2000x64xf32> to vector<2000x32xf32>
    %swap3A_9 = arith.constant 0 : index
    %swap3A_10 = arith.constant 0 : index
    %swap3A_11 = vector.load %arg6[%swap3A_9, %swap3A_10] : memref<2000x32xf32, #tpu.memory_space<vmem>>, vector<2000x32xf32>
    tpu.vector_store %arg6[%swap3A_9, %swap3A_10], %slice3A_8 {strides = array<i32>} : memref<2000x32xf32, #tpu.memory_space<vmem>>, vector<2000x32xf32>,
    %get3A_12 = arith.constant 0 : index
    %get3A_13 = arith.constant 0 : index
    %get3A_14 = vector.load %arg1[%get3A_12, %get3A_13] : memref<2000x128xf32, #tpu.memory_space<vmem>>, vector<2000x128xf32>
    %get3A_15 = arith.constant 0 : index
    %get3A_16 = arith.constant 0 : index
    %get3A_17 = vector.load %arg3[%get3A_15, %get3A_16] : memref<128x64xf32, #tpu.memory_space<vmem>>, vector<128x64xf32>
    %dot_general3A_18 = arith.constant dense<0.000000e+00> : vector<2000x64xf32>
    %dot_general3A_19 = tpu.matmul %get3A_14, %get3A_17, %dot_general3A_18 {dimension_numbers = #tpu.dot_dimension_numbers<[1], [0], [0], [1], [0, 0, 1, 1], [], []>, transpose_lhs_hint = false} : vector<2000x128xf32>, vector<128x64xf32>, vector<2000x64xf32> -> vector<2000x64xf32>
    %get3A_20 = arith.constant 0 : index
    %get3A_21 = arith.constant 0 : index
    %get3A_22 = vector.load %arg4[%get3A_20, %get3A_21] : memref<1x64xf32, #tpu.memory_space<vmem>>, vector<1x64xf32>
    %add3A = vector.broadcast %get3A_22 : vector<1x64xf32> to vector<2000x64xf32>
    %add3A_23 = arith.addf %dot_general3A_19, %add3A : vector<2000x64xf32>
    %swap3A_24 = arith.constant 0 : index
    %swap3A_25 = arith.constant 0 : index
    %swap3A_26 = vector.load %arg7[%swap3A_24, %swap3A_25] : memref<2000x64xf32, #tpu.memory_space<vmem>>, vector<2000x64xf32>
    tpu.vector_store %arg7[%swap3A_24, %swap3A_25], %add3A_23 {strides = array<i32>} : memref<2000x64xf32, #tpu.memory_space<vmem>>, vector<2000x64xf32>,
    return
  }
  func.func @transform_0(%arg0: i32) -> (i32, i32) {
    %c0_i32 = arith.constant 0 : i32
    %c0_i32_0 = arith.constant 0 : i32
    return %arg0, %c0_i32 : i32, i32
  }
  func.func @transform_1(%arg0: i32) -> (i32, i32) {
    %c0_i32 = arith.constant 0 : i32
    %c0_i32_0 = arith.constant 0 : i32
    %c0_i32_1 = arith.constant 0 : i32
    return %c0_i32, %c0_i32_0 : i32, i32
  }
  func.func @transform_2(%arg0: i32) -> (i32, i32) {
    %c0_i32 = arith.constant 0 : i32
    %c0_i32_0 = arith.constant 0 : i32
    %c0_i32_1 = arith.constant 0 : i32
    return %c0_i32, %c0_i32_0 : i32, i32
  }
  func.func @transform_3(%arg0: i32) -> (i32, i32) {
    %c0_i32 = arith.constant 0 : i32
    %c0_i32_0 = arith.constant 0 : i32
    %c0_i32_1 = arith.constant 0 : i32
    return %c0_i32, %c0_i32_0 : i32, i32
  }
  func.func @transform_4(%arg0: i32) -> (i32, i32) {
    %c0_i32 = arith.constant 0 : i32
    %c0_i32_0 = arith.constant 0 : i32
    return %arg0, %c0_i32 : i32, i32
  }
  func.func @transform_5(%arg0: i32) -> (i32, i32) {
    %c0_i32 = arith.constant 0 : i32
    %c0_i32_0 = arith.constant 0 : i32
    return %arg0, %c0_i32 : i32, i32
  }
  func.func @transform_6(%arg0: i32) -> (i32, i32) {
    %c0_i32 = arith.constant 0 : i32
    %c0_i32_0 = arith.constant 0 : i32
    return %arg0, %c0_i32 : i32, i32
  }
}

module attributes {stable_mosaic.version = 14 : i64} {
  func.func @_dense1_body(%arg0: i32, %arg1: memref<2000x32xf32, #tpu.memory_space<vmem>>, %arg2: memref<2000x32xf32, #tpu.memory_space<vmem>>, %arg3: memref<2000x1xf32, #tpu.memory_space<vmem>>, %arg4: memref<2000x1xf32, #tpu.memory_space<vmem>>, %arg5: memref<2000x64xf32, #tpu.memory_space<vmem>>, %arg6: memref<64x64xf32, #tpu.memory_space<vmem>>, %arg7: memref<1x64xf32, #tpu.memory_space<vmem>>, %arg8: memref<2000x64xf32, #tpu.memory_space<vmem>>, %arg9: memref<2000x64xf32, #tpu.memory_space<vmem>>) attributes {dimension_semantics = [#tpu.dimension_semantics<arbitrary>], iteration_bounds = array<i64: 5>, scalar_prefetch = 0 : i64, scratch_operands = 0 : i64, tpu.core_type = #tpu.core_type<tc>, window_params = [{transform_indices = @transform_0, window_bounds = array<i64: 2000, 32>}, {transform_indices = @transform_1, window_bounds = array<i64: 2000, 32>}, {transform_indices = @transform_2, window_bounds = array<i64: 2000, 1>}, {transform_indices = @transform_3, window_bounds = array<i64: 2000, 1>}, {transform_indices = @transform_4, window_bounds = array<i64: 2000, 64>}, {pipeline_mode = #tpu.pipeline_mode<synchronous>, transform_indices = @transform_5, window_bounds = array<i64: 64, 64>}, {pipeline_mode = #tpu.pipeline_mode<synchronous>, transform_indices = @transform_6, window_bounds = array<i64: 1, 64>}, {transform_indices = @transform_7, window_bounds = array<i64: 2000, 64>}, {transform_indices = @transform_8, window_bounds = array<i64: 2000, 64>}]} {
    %get3A = arith.constant 0 : index
    %get3A_0 = arith.constant 0 : index
    %get3A_1 = vector.load %arg1[%get3A, %get3A_0] : memref<2000x32xf32, #tpu.memory_space<vmem>>, vector<2000x32xf32>
    %get3A_2 = arith.constant 0 : index
    %get3A_3 = arith.constant 0 : index
    %get3A_4 = vector.load %arg3[%get3A_2, %get3A_3] : memref<2000x1xf32, #tpu.memory_space<vmem>>, vector<2000x1xf32>
    %max3A = arith.constant 1.000000e+00 : f32
    %max3A_5 = vector.broadcast %max3A : f32 to vector<2000x1xf32>
    %max3A_6 = arith.maximumf %get3A_4, %max3A_5 : vector<2000x1xf32>
    %div3A = arith.constant 1.000000e+00 : f32
    %div3A_7 = vector.broadcast %div3A : f32 to vector<2000x1xf32>
    %div3A_8 = arith.divf %div3A_7, %max3A_6 : vector<2000x1xf32>
    %mul3A = vector.broadcast %div3A_8 : vector<2000x1xf32> to vector<2000x32xf32>
    %mul3A_9 = arith.mulf %get3A_1, %mul3A : vector<2000x32xf32>
    %get3A_10 = arith.constant 0 : index
    %get3A_11 = arith.constant 0 : index
    %get3A_12 = vector.load %arg2[%get3A_10, %get3A_11] : memref<2000x32xf32, #tpu.memory_space<vmem>>, vector<2000x32xf32>
    %get3A_13 = arith.constant 0 : index
    %get3A_14 = arith.constant 0 : index
    %get3A_15 = vector.load %arg4[%get3A_13, %get3A_14] : memref<2000x1xf32, #tpu.memory_space<vmem>>, vector<2000x1xf32>
    %max3A_16 = arith.constant 1.000000e+00 : f32
    %max3A_17 = vector.broadcast %max3A_16 : f32 to vector<2000x1xf32>
    %max3A_18 = arith.maximumf %get3A_15, %max3A_17 : vector<2000x1xf32>
    %div3A_19 = arith.constant 1.000000e+00 : f32
    %div3A_20 = vector.broadcast %div3A_19 : f32 to vector<2000x1xf32>
    %div3A_21 = arith.divf %div3A_20, %max3A_18 : vector<2000x1xf32>
    %mul3A_22 = vector.broadcast %div3A_21 : vector<2000x1xf32> to vector<2000x32xf32>
    %mul3A_23 = arith.mulf %get3A_12, %mul3A_22 : vector<2000x32xf32>
    %concatenate3A = tpu.concatenate %mul3A_9, %mul3A_23 in 1 : vector<2000x32xf32>, vector<2000x32xf32> -> vector<2000x64xf32>
    %get3A_24 = arith.constant 0 : index
    %get3A_25 = arith.constant 0 : index
    %get3A_26 = vector.load %arg5[%get3A_24, %get3A_25] : memref<2000x64xf32, #tpu.memory_space<vmem>>, vector<2000x64xf32>
    %add3A = arith.addf %concatenate3A, %get3A_26 : vector<2000x64xf32>
    %tanh3A = math.tanh %add3A : vector<2000x64xf32>
    %swap3A = arith.constant 0 : index
    %swap3A_27 = arith.constant 0 : index
    %swap3A_28 = vector.load %arg8[%swap3A, %swap3A_27] : memref<2000x64xf32, #tpu.memory_space<vmem>>, vector<2000x64xf32>
    tpu.vector_store %arg8[%swap3A, %swap3A_27], %tanh3A {strides = array<i32>} : memref<2000x64xf32, #tpu.memory_space<vmem>>, vector<2000x64xf32>,
    %get3A_29 = arith.constant 0 : index
    %get3A_30 = arith.constant 0 : index
    %get3A_31 = vector.load %arg6[%get3A_29, %get3A_30] : memref<64x64xf32, #tpu.memory_space<vmem>>, vector<64x64xf32>
    %dot_general3A = arith.constant dense<0.000000e+00> : vector<2000x64xf32>
    %dot_general3A_32 = tpu.matmul %tanh3A, %get3A_31, %dot_general3A {dimension_numbers = #tpu.dot_dimension_numbers<[1], [0], [0], [1], [0, 0, 1, 1], [], []>, transpose_lhs_hint = false} : vector<2000x64xf32>, vector<64x64xf32>, vector<2000x64xf32> -> vector<2000x64xf32>
    %get3A_33 = arith.constant 0 : index
    %get3A_34 = arith.constant 0 : index
    %get3A_35 = vector.load %arg7[%get3A_33, %get3A_34] : memref<1x64xf32, #tpu.memory_space<vmem>>, vector<1x64xf32>
    %add3A_36 = vector.broadcast %get3A_35 : vector<1x64xf32> to vector<2000x64xf32>
    %add3A_37 = arith.addf %dot_general3A_32, %add3A_36 : vector<2000x64xf32>
    %swap3A_38 = arith.constant 0 : index
    %swap3A_39 = arith.constant 0 : index
    %swap3A_40 = vector.load %arg9[%swap3A_38, %swap3A_39] : memref<2000x64xf32, #tpu.memory_space<vmem>>, vector<2000x64xf32>
    tpu.vector_store %arg9[%swap3A_38, %swap3A_39], %add3A_37 {strides = array<i32>} : memref<2000x64xf32, #tpu.memory_space<vmem>>, vector<2000x64xf32>,
    return
  }
  func.func @transform_0(%arg0: i32) -> (i32, i32) {
    %c0_i32 = arith.constant 0 : i32
    %c0_i32_0 = arith.constant 0 : i32
    return %arg0, %c0_i32 : i32, i32
  }
  func.func @transform_1(%arg0: i32) -> (i32, i32) {
    %c0_i32 = arith.constant 0 : i32
    %c0_i32_0 = arith.constant 0 : i32
    return %arg0, %c0_i32 : i32, i32
  }
  func.func @transform_2(%arg0: i32) -> (i32, i32) {
    %c0_i32 = arith.constant 0 : i32
    %c0_i32_0 = arith.constant 0 : i32
    return %arg0, %c0_i32 : i32, i32
  }
  func.func @transform_3(%arg0: i32) -> (i32, i32) {
    %c0_i32 = arith.constant 0 : i32
    %c0_i32_0 = arith.constant 0 : i32
    return %arg0, %c0_i32 : i32, i32
  }
  func.func @transform_4(%arg0: i32) -> (i32, i32) {
    %c0_i32 = arith.constant 0 : i32
    %c0_i32_0 = arith.constant 0 : i32
    return %arg0, %c0_i32 : i32, i32
  }
  func.func @transform_5(%arg0: i32) -> (i32, i32) {
    %c0_i32 = arith.constant 0 : i32
    %c0_i32_0 = arith.constant 0 : i32
    %c0_i32_1 = arith.constant 0 : i32
    return %c0_i32, %c0_i32_0 : i32, i32
  }
  func.func @transform_6(%arg0: i32) -> (i32, i32) {
    %c0_i32 = arith.constant 0 : i32
    %c0_i32_0 = arith.constant 0 : i32
    %c0_i32_1 = arith.constant 0 : i32
    return %c0_i32, %c0_i32_0 : i32, i32
  }
  func.func @transform_7(%arg0: i32) -> (i32, i32) {
    %c0_i32 = arith.constant 0 : i32
    %c0_i32_0 = arith.constant 0 : i32
    return %arg0, %c0_i32 : i32, i32
  }
  func.func @transform_8(%arg0: i32) -> (i32, i32) {
    %c0_i32 = arith.constant 0 : i32
    %c0_i32_0 = arith.constant 0 : i32
    return %arg0, %c0_i32 : i32, i32
  }
}

module attributes {stable_mosaic.version = 14 : i64} {
  func.func @_dense2_body(%arg0: i32, %arg1: memref<2000x64xf32, #tpu.memory_space<vmem>>, %arg2: memref<2000x64xf32, #tpu.memory_space<vmem>>, %arg3: memref<2000x1xf32, #tpu.memory_space<vmem>>, %arg4: memref<2000x1xf32, #tpu.memory_space<vmem>>, %arg5: memref<2000x64xf32, #tpu.memory_space<vmem>>, %arg6: memref<64x64xf32, #tpu.memory_space<vmem>>, %arg7: memref<64x64xf32, #tpu.memory_space<vmem>>, %arg8: memref<2000x64xf32, #tpu.memory_space<vmem>>) attributes {dimension_semantics = [#tpu.dimension_semantics<arbitrary>], iteration_bounds = array<i64: 5>, scalar_prefetch = 0 : i64, scratch_operands = 0 : i64, tpu.core_type = #tpu.core_type<tc>, window_params = [{transform_indices = @transform_0, window_bounds = array<i64: 2000, 64>}, {transform_indices = @transform_1, window_bounds = array<i64: 2000, 64>}, {transform_indices = @transform_2, window_bounds = array<i64: 2000, 1>}, {transform_indices = @transform_3, window_bounds = array<i64: 2000, 1>}, {transform_indices = @transform_4, window_bounds = array<i64: 2000, 64>}, {pipeline_mode = #tpu.pipeline_mode<synchronous>, transform_indices = @transform_5, window_bounds = array<i64: 64, 64>}, {pipeline_mode = #tpu.pipeline_mode<synchronous>, transform_indices = @transform_6, window_bounds = array<i64: 64, 64>}, {transform_indices = @transform_7, window_bounds = array<i64: 2000, 64>}]} {
    %get3A = arith.constant 0 : index
    %get3A_0 = arith.constant 0 : index
    %get3A_1 = vector.load %arg1[%get3A, %get3A_0] : memref<2000x64xf32, #tpu.memory_space<vmem>>, vector<2000x64xf32>
    %get3A_2 = arith.constant 0 : index
    %get3A_3 = arith.constant 0 : index
    %get3A_4 = vector.load %arg3[%get3A_2, %get3A_3] : memref<2000x1xf32, #tpu.memory_space<vmem>>, vector<2000x1xf32>
    %max3A = arith.constant 1.000000e+00 : f32
    %max3A_5 = vector.broadcast %max3A : f32 to vector<2000x1xf32>
    %max3A_6 = arith.maximumf %get3A_4, %max3A_5 : vector<2000x1xf32>
    %div3A = arith.constant 1.000000e+00 : f32
    %div3A_7 = vector.broadcast %div3A : f32 to vector<2000x1xf32>
    %div3A_8 = arith.divf %div3A_7, %max3A_6 : vector<2000x1xf32>
    %mul3A = vector.broadcast %div3A_8 : vector<2000x1xf32> to vector<2000x64xf32>
    %mul3A_9 = arith.mulf %get3A_1, %mul3A : vector<2000x64xf32>
    %get3A_10 = arith.constant 0 : index
    %get3A_11 = arith.constant 0 : index
    %get3A_12 = vector.load %arg2[%get3A_10, %get3A_11] : memref<2000x64xf32, #tpu.memory_space<vmem>>, vector<2000x64xf32>
    %get3A_13 = arith.constant 0 : index
    %get3A_14 = arith.constant 0 : index
    %get3A_15 = vector.load %arg4[%get3A_13, %get3A_14] : memref<2000x1xf32, #tpu.memory_space<vmem>>, vector<2000x1xf32>
    %max3A_16 = arith.constant 1.000000e+00 : f32
    %max3A_17 = vector.broadcast %max3A_16 : f32 to vector<2000x1xf32>
    %max3A_18 = arith.maximumf %get3A_15, %max3A_17 : vector<2000x1xf32>
    %div3A_19 = arith.constant 1.000000e+00 : f32
    %div3A_20 = vector.broadcast %div3A_19 : f32 to vector<2000x1xf32>
    %div3A_21 = arith.divf %div3A_20, %max3A_18 : vector<2000x1xf32>
    %mul3A_22 = vector.broadcast %div3A_21 : vector<2000x1xf32> to vector<2000x64xf32>
    %mul3A_23 = arith.mulf %get3A_12, %mul3A_22 : vector<2000x64xf32>
    %get3A_24 = arith.constant 0 : index
    %get3A_25 = arith.constant 0 : index
    %get3A_26 = vector.load %arg6[%get3A_24, %get3A_25] : memref<64x64xf32, #tpu.memory_space<vmem>>, vector<64x64xf32>
    %dot_general3A = arith.constant dense<0.000000e+00> : vector<2000x64xf32>
    %dot_general3A_27 = tpu.matmul %mul3A_9, %get3A_26, %dot_general3A {dimension_numbers = #tpu.dot_dimension_numbers<[1], [0], [0], [1], [0, 0, 1, 1], [], []>, transpose_lhs_hint = false} : vector<2000x64xf32>, vector<64x64xf32>, vector<2000x64xf32> -> vector<2000x64xf32>
    %get3A_28 = arith.constant 0 : index
    %get3A_29 = arith.constant 0 : index
    %get3A_30 = vector.load %arg7[%get3A_28, %get3A_29] : memref<64x64xf32, #tpu.memory_space<vmem>>, vector<64x64xf32>
    %dot_general3A_31 = arith.constant dense<0.000000e+00> : vector<2000x64xf32>
    %dot_general3A_32 = tpu.matmul %mul3A_23, %get3A_30, %dot_general3A_31 {dimension_numbers = #tpu.dot_dimension_numbers<[1], [0], [0], [1], [0, 0, 1, 1], [], []>, transpose_lhs_hint = false} : vector<2000x64xf32>, vector<64x64xf32>, vector<2000x64xf32> -> vector<2000x64xf32>
    %add3A = arith.addf %dot_general3A_27, %dot_general3A_32 : vector<2000x64xf32>
    %get3A_33 = arith.constant 0 : index
    %get3A_34 = arith.constant 0 : index
    %get3A_35 = vector.load %arg5[%get3A_33, %get3A_34] : memref<2000x64xf32, #tpu.memory_space<vmem>>, vector<2000x64xf32>
    %add3A_36 = arith.addf %add3A, %get3A_35 : vector<2000x64xf32>
    %tanh3A = math.tanh %add3A_36 : vector<2000x64xf32>
    %swap3A = arith.constant 0 : index
    %swap3A_37 = arith.constant 0 : index
    %swap3A_38 = vector.load %arg8[%swap3A, %swap3A_37] : memref<2000x64xf32, #tpu.memory_space<vmem>>, vector<2000x64xf32>
    tpu.vector_store %arg8[%swap3A, %swap3A_37], %tanh3A {strides = array<i32>} : memref<2000x64xf32, #tpu.memory_space<vmem>>, vector<2000x64xf32>,
    return
  }
  func.func @transform_0(%arg0: i32) -> (i32, i32) {
    %c0_i32 = arith.constant 0 : i32
    %c0_i32_0 = arith.constant 0 : i32
    return %arg0, %c0_i32 : i32, i32
  }
  func.func @transform_1(%arg0: i32) -> (i32, i32) {
    %c0_i32 = arith.constant 0 : i32
    %c0_i32_0 = arith.constant 0 : i32
    return %arg0, %c0_i32 : i32, i32
  }
  func.func @transform_2(%arg0: i32) -> (i32, i32) {
    %c0_i32 = arith.constant 0 : i32
    %c0_i32_0 = arith.constant 0 : i32
    return %arg0, %c0_i32 : i32, i32
  }
  func.func @transform_3(%arg0: i32) -> (i32, i32) {
    %c0_i32 = arith.constant 0 : i32
    %c0_i32_0 = arith.constant 0 : i32
    return %arg0, %c0_i32 : i32, i32
  }
  func.func @transform_4(%arg0: i32) -> (i32, i32) {
    %c0_i32 = arith.constant 0 : i32
    %c0_i32_0 = arith.constant 0 : i32
    return %arg0, %c0_i32 : i32, i32
  }
  func.func @transform_5(%arg0: i32) -> (i32, i32) {
    %c0_i32 = arith.constant 0 : i32
    %c0_i32_0 = arith.constant 0 : i32
    %c0_i32_1 = arith.constant 0 : i32
    return %c0_i32, %c0_i32_0 : i32, i32
  }
  func.func @transform_6(%arg0: i32) -> (i32, i32) {
    %c0_i32 = arith.constant 0 : i32
    %c0_i32_0 = arith.constant 0 : i32
    %c0_i32_1 = arith.constant 0 : i32
    return %c0_i32, %c0_i32_0 : i32, i32
  }
  func.func @transform_7(%arg0: i32) -> (i32, i32) {
    %c0_i32 = arith.constant 0 : i32
    %c0_i32_0 = arith.constant 0 : i32
    return %arg0, %c0_i32 : i32, i32
  }
}

</mosaic_0001>

<sc_bundles>
// kernel: kernel.10.cloned.1.call-start
scs
__scs_entry_jumppad:
0x0: {  	(pc) =	sbr.rel $0x88, $3  }
0x1: {  	(tag) =	ssettag $0x0;
	lr =	simm.s32 $0x1  }
0x2: {  	[smem:$0x3F96] =	sst lr;
	_ =	strace $0xD0000000  }
0x3: {  	_ = 	snop  }
0x4: {  	_ = 	snop  }
0x5: {  	_ = 	snop  }
0x6: {  	_ = 	snop  }
0x7: {  	_ = 	snop  }
__scs_overlays_trampoline_lowered:
0x8: {  	[smem:$0x3FA5] =	sst s0  }
0x9: {  	[smem:$0x3FA6] =	sst s1  }
0xa: {  	[smem:$0x3FA7] =	sst s2  }
0xb: {  	[smem:$0x3FA8] =	sst s3  }
0xc: {  	[smem:$0x3FA9] =	sst s4  }
0xd: {  	[smem:$0x3FAA] =	sst s5  }
0xe: {  	[smem:$0x3FAB] =	sst s6  }
0xf: {  	[smem:$0x3FAC] =	sst s7  }
0x10: {  	[smem:$0x3FAD] =	sst s8  }
0x11: {  	[smem:$0x3FAE] =	sst s9;
	s0 =	simm.s32 @!p0 $0x0  }
0x12: {  	s1 =	sld [smem:$0x3F94];
	s0 =	simm.s32 @p0 $0x1  }
0x13: {  	[smem:$0x3FAF] =	sst s0;
	s0 =	simm.s32 @!p1 $0x0  }
0x14: {  	s2 =	sld [smem:$0x3F93];
	s0 =	simm.s32 @p1 $0x1  }
0x15: {  	[smem:$0x3FB0] =	sst s0;
	s0 =	simm.s32 @!p2 $0x0  }
0x16: {  	s3 =	sld [smem:$0x3FDB];
	s0 =	simm.s32 @p2 $0x1  }
0x17: {  	s4 =	simm.s32 $0x1BF5;
	[smem:$0x3FB2] =	sst s0  }
0x18: {  	s0 =	sld [smem:$0x3F95];
	_ =	swait.ge [sflag:s4], $0x0  }
0x19: {  	s7 =	sld [smem:$0x3F96]  }
0x1a: {  	s8 =	sadd.s32 $0xFFFFE003, lr  }
0x1b: {  	s9 =	sadd.s32 $0xFFFFFEF7, lr;
	s5 =	simm.s32 $0xFFFFFFFF;
	p2 =	slt.u32 s8, $0xFFFFF086  }
0x1c: {  	p1 =	slt.u32 s9, $0xF7A;
	s5 =	simm.s32 @!p2 $0x0  }
0x1d: {  	s5 =	simm.s32 @p1 $0x1;
	p0 =	seq.s32 s7, s2  }
0x1e: {  	s7 =	smul.u32 @!p0 $0xF7A, s2;
	p2 =	seq.s32 @!p0 s5, $0x0  }
0x1f: {  	s9 =	smul.u32 $0xF7A, s1;
	s8 =	simm.s32 @!p0 $0x1BF5;
	p2 =	por !p2, p0  }
0x20: {  	[sflag:s8] =	ssyncset.s32 @!p0 $0xFFFFF086;
	s6 =	sadd.s32 @!p0 s3, s7;
	s7 =	simm.s32 @!p0 $0x108  }
0x21: {  	s3 =	sadd.s32 s3, s9;
	s6 =	sadd.s32 @!p0 $0x88, s6;
	s7 =	simm.s32 @p2 $0x1082  }
0x22: {  	[simem:s7], [sflag:s8] =	dma.local @!p0 [hbm:s6], $0xF7A  }
0x23: {  	s9 =	sor.u32 $0xD0000000, s2;
	s6 =	simm.s32 $0x108;
	_ =	swait.ge @!p0 [sflag:s8], $0x0  }
0x24: {  	s3 =	sadd.s32 $0x88, s3;
	s6 =	simm.s32 @!p1 $0x1082;
	[sflag:s4] =	ssyncset.s32 $0xFFFFF086  }
0x25: {  	[simem:s6], [sflag:s4] =	dma.local [hbm:s3], $0xF7A  }
0x26: {  	[smem:$0x3F96] =	sst s1;
	(tag) =	ssettag s2;
	_ =	strace s9  }
0x27: {  	s1 =	sld [smem:$0x3FA6]  }
0x28: {  	s2 =	sld [smem:$0x3FA7]  }
0x29: {  	s4 =	sld [smem:$0x3FA9]  }
0x2a: {  	p0 =	seq.s32 s5, $0x0;
	s5 =	sld [smem:$0x3FAA]  }
0x2b: {  	s6 =	sld [smem:$0x3FAB]  }
0x2c: {  	s7 =	sld [smem:$0x3FAC]  }
0x2d: {  	s3 =	simm.s32 $0x108;
	s8 =	sld [smem:$0x3FAD]  }
0x2e: {  	s3 =	simm.s32 @!p0 $0x1082;
	s9 =	sld [smem:$0x3FAE]  }
0x2f: {  	lr =	sadd.s32 s0, s3;
	s0 =	sld [smem:$0x3FA5]  }
0x30: {  	s3 =	sld [smem:$0x3FA8]  }
0x31: {  	[smem:$0x3FB1] =	sst s10  }
0x32: {  	s10 =	sld [smem:$0x3FAF];
	_ =	sdelay $0x3  }
0x33: {  	p0 =	seq.s32 s10, $0x1;
	s10 =	sld [smem:$0x3FB1];
	_ =	sdelay $0x3  }
0x34: {  	[smem:$0x3FB1] =	sst s10  }
0x35: {  	s10 =	sld [smem:$0x3FB0];
	_ =	sdelay $0x3  }
0x36: {  	p1 =	seq.s32 s10, $0x1;
	s10 =	sld [smem:$0x3FB1];
	_ =	sdelay $0x3  }
0x37: {  	[smem:$0x3FB1] =	sst s10  }
0x38: {  	s10 =	sld [smem:$0x3FB2]  }
0x39: {  	_ = 	snop;
	(pc) =	sbr.ind lr, $3  }
0x3a: {  	_ = 	snop  }
0x3b: {  	_ = 	snop  }
0x3c: {  	p2 =	seq.s32 s10, $0x1;
	s10 =	sld [smem:$0x3FB1]  }
0x3d: {  	_ =	shalt  }
0x3e: {  	_ =	shalt  }
0x3f: {  	_ =	shalt  }
0x40: {  	_ =	shalt  }
0x41: {  	_ =	shalt  }
0x42: {  	_ =	shalt  }
0x43: {  	_ =	shalt  }
0x44: {  	_ =	shalt  }
0x45: {  	_ =	shalt  }
0x46: {  	_ =	shalt  }
0x47: {  	_ =	shalt  }
0x48: {  	_ =	shalt  }
0x49: {  	_ =	shalt  }
0x4a: {  	_ =	shalt  }
0x4b: {  	_ =	shalt  }
0x4c: {  	_ =	shalt  }
0x4d: {  	_ =	shalt  }
0x4e: {  	_ =	shalt  }
0x4f: {  	_ =	shalt  }
0x50: {  	_ =	shalt  }
0x51: {  	_ =	shalt  }
0x52: {  	_ =	shalt  }
0x53: {  	_ =	shalt  }
0x54: {  	_ =	shalt  }
0x55: {  	_ =	shalt  }
0x56: {  	_ =	shalt  }
0x57: {  	_ =	shalt  }
0x58: {  	_ =	shalt  }
0x59: {  	_ =	shalt  }
0x5a: {  	_ =	shalt  }
0x5b: {  	_ =	shalt  }
0x5c: {  	_ =	shalt  }
0x5d: {  	_ =	shalt  }
0x5e: {  	_ =	shalt  }
0x5f: {  	_ =	shalt  }
0x60: {  	_ =	shalt  }
0x61: {  	_ =	shalt  }
0x62: {  	_ =	shalt  }
0x63: {  	_ =	shalt  }
0x64: {  	_ =	shalt  }
0x65: {  	_ =	shalt  }
0x66: {  	_ =	shalt  }
0x67: {  	_ =	shalt  }
0x68: {  	_ =	shalt  }
0x69: {  	_ =	shalt  }
0x6a: {  	_ =	shalt  }
0x6b: {  	_ =	shalt  }
0x6c: {  	_ =	shalt  }
0x6d: {  	_ =	shalt  }
0x6e: {  	_ =	shalt  }
0x6f: {  	_ =	shalt  }
0x70: {  	_ =	shalt  }
0x71: {  	_ =	shalt  }
0x72: {  	_ =	shalt  }
0x73: {  	_ =	shalt  }
0x74: {  	_ =	shalt  }
0x75: {  	_ =	shalt  }
0x76: {  	_ =	shalt  }
0x77: {  	_ =	shalt  }
0x78: {  	_ =	shalt  }
0x79: {  	_ =	shalt  }
0x7a: {  	_ =	shalt  }
0x7b: {  	_ =	shalt  }
0x7c: {  	_ =	shalt  }
0x7d: {  	_ =	shalt  }
0x7e: {  	_ =	shalt  }
0x7f: {  	_ =	shalt  }
0x80: {  	_ =	shalt  }
0x81: {  	_ =	shalt  }
0x82: {  	_ =	shalt  }
0x83: {  	_ =	shalt  }
0x84: {  	_ =	shalt  }
0x85: {  	_ =	shalt  }
0x86: {  	_ =	shalt  }
0x87: {  	_ =	shalt  }
.Lfunc_end0:
.L_simem_size_0:
called_computation.1_lowered:
.L_overlay_start_0:
0x88: {  	s2 =	sld [smem:$0x3FD9]  }
0x89: {  	s3 =	sld [smem:$0x3FFE];
	_ =	sdelay $0x1  }
0x8a: {  	s1 =	srdreg.scid  }
0x8b: {  	s0 =	sand.u32 $0x1, s1  }
0x8c: {  	s17 =	sshll.u32 s0, $0xA;
	s2 =	sadd.s32 s3, s2  }
0x8d: {  	s2 =	sadd.s32 s2, s17  }
0x8e: {  	[smem:$0x3FBD] =	sst s2  }
0x8f: {  	_ = 	snop  }
0x90: {  	s2 =	sld [smem:$0x3FD0];
	(tm) =	ssettm $0x1  }
0x91: {  	s18 =	sld [smem:$0x3FFB];
	_ =	sdelay $0x3  }
0x92: {  	_ =	strace s18  }
0x93: {  	s3 =	sld [smem:$0x3FFC];
	_ =	sdelay $0x3  }
0x94: {  	_ =	strace s3  }
0x95: {  	s3 =	sld [smem:$0x3FFD];
	_ =	sdelay $0x3  }
0x96: {  	_ =	strace s3  }
0x97: {  	_ =	strace $0x8FFFFFFF  }
0x98: {  	s19 =	sld [smem:$0x3FDB];
	_ =	sdelay $0x1  }
0x99: {  	s4 =	simm.s32 $_scs_section_size  }
0x9a: {  	s5 =	simm.s32 $_size__tile_overlayer_lowered;
	s6 =	simm.s32 $_tile_overlayer_lowered  }
0x9b: {  	s22 =	simm.s32 $0x1BFF;
	s21 =	sshll.u32 s6, $0x1;
	s3 =	sadd.s32 s4, s19  }
0x9c: {  	s7 =	simm.s32 $0x0;
	s20 =	sshll.u32 s5, $0x1;
	s5 =	sadd.s32 s21, s3  }
0x9d: {  	[timem:s7], [sflag:s22] =	dma.local [hbm:s5], s20  }
0x9e: {  	_ =	swait.ge [sflag:s22], s20  }
0x9f: {  	s4 =	ssub.s32 $0x0, s20;
	[sflag:s22] =	ssyncset.done $0x0  }
0xa0: {  	[sflag:s22] =	ssyncadd.s32 s4;
	_ =	sdelay $0x1  }
0xa1: {  	s23 =	simm.s32 $0x1B8B  }
0xa2: {  	_ =	swait.ge [sflag:s23], $0x1  }
0xa3: {  	[sflag:s23] =	ssyncset.done $0x0  }
0xa4: {  	s25 =	simm.s32 $0x1B8E;
	s24 =	sld [smem:$0x3FFE];
	[sflag:s23] =	ssyncadd.s32 $0xFFFFFFFF  }
0xa5: {  	s26 =	simm.s32 $execute0_lowered;
	[smem:$0x3FD2] =	sst s25  }
0xa6: {  	s5 =	sshll.u32 s26, $0x1;
	_ =	strace $0x80000049;
	[dreg:$0x1] =	wrdreg $0xFFFFFFFF  }
0xa7: {  	s28 =	simm.s32 $_size_execute0_lowered;
	s3 =	sadd.s32 s3, s5;
	[dreg:$0x0] =	wrdreg $0x0  }
0xa8: {  	s5 =	sshll.u32 s28, $0x1;
	[dreg:$0x2] =	wrdreg s3  }
0xa9: {  	[dreg:$0x3] =	wrdreg s5  }
0xaa: {  	[dreg:$0x4] =	wrdreg $0xC0  }
0xab: {  	_ =	task [dreg:s7], $0x5FFFF  }
0xac: {  	[dreg:$0x1] =	wrdreg $0xFFFFFFFF  }
0xad: {  	[dreg:$0x0] =	wrdreg $0x60  }
0xae: {  	[dreg:$0x2] =	wrdreg s2  }
0xaf: {  	[dreg:$0x3] =	wrdreg s24  }
0xb0: {  	[dreg:$0x4] =	wrdreg $0xCE400  }
0xb1: {  	[dreg:$0x5] =	wrdreg $0x9  }
0xb2: {  	_ =	task.clear_ibuf [dreg:s7], $0x6FFFF;
	_ =	strace $0x90000049  }
0xb3: {  	s29 =	simm.s32 $0x9;
	_ =	strace $0x8000004B  }
0xb4: {  	_ =	swait.ge [sflag:s29], $0x1  }
0xb5: {  	[sflag:s29] =	ssyncadd.s32 $0xFFFFFFFF  }
0xb6: {  	_ =	strace $0x9000004B  }
0xb7: {  	_ =	sfence  }
0xb8: {  	s30 =	sld [smem:$0x0];
	_ =	sdelay $0x2  }
0xb9: {  	s31 =	sshll.u32 s1, $0xD;
	s1 =	sshrl.u32 s1, $0x2  }
0xba: {  	s3 =	sand.u32 $0x4000, s31;
	s1 =	sadd.s32 s1, s30  }
0xbb: {  	s0 =	sor.u32 s3, s0;
	s1 =	sshll.u32 s1, $0x11  }
0xbc: {  	s0 =	sor.u32 s1, s0  }
0xbd: {  	s0 =	sadd.s32 $0x8F2B, s0  }
0xbe: {  	[sflag:s0] =	ssyncadd.remote.s32 $0x1  }
0xbf: {  	_ =	sfence.sel $0xFFFF  }
0xc0: {  	[dreg:$0x0] =	wrdreg $0xFFFFFFFF;
	(pc) =	sbr.abs _section_cstart, $3  }
0xc1: {  	[dreg:$0x1] =	wrdreg $0xFFFFFFFF  }
0xc2: {  	_ =	task.clear_ibuf [dreg:s7], $0x2FFFF;
	_ =	strace $0x9FFFFFFF  }
0xc3: {  	(tm) =	ssettm $0x7FFFFFFF  }
tec
execute0_lowered:
.L_overlay_start_1:
0x0: {  	(tag) =	ssettag $0x1  }
0x1: {  	s2 =	rddreg [dreg:$0x0]  }
0x2: {  	s0 =	rddreg [dreg:$0x1]  }
0x3: {  	s13 =	stileid.u32;
	s3 =	rddreg [dreg:$0x2];
	s4 =	simm.s32 $0x0  }
0x4: {  	s6 =	srdreg.scid;
	s28 =	simm.s32 $0x9;
	s29 =	simm.s32 $0x1  }
0x5: {  	s30 =	simm.s32 $0x190;
	s31 =	simm.s32 $0x640;
	s1 =	smul.u32 $0xA000, s13  }
0x6: {  	[smem:$0x7FF] =	sst s4;
	s6 =	sand.u32 $0x1, s6;
	s15 =	sadd.s32 $0x21000, s0  }
0x7: {  	s7 =	sadd.s32 $0x17200, s0;
	s10 =	sadd.s32 $0xA4200, s0;
	s12 =	smul.u32 $0x2710, s13  }
0x8: {  	s23 =	sshll.u32 s13, $0x6;
	_ =	strace $0x8000004A;
	[dreg:$0x5] =	wrdreg s10  }
0x9: {  	s9 =	ssub.s32 $0x2, s6;
	p0 =	sne.s32 s6, $0x0;
	[dreg:$0x4] =	wrdreg s15  }
0xa: {  	s5 =	sshrl.u32 s1, $0x3;
	s21 =	sshrl.u32 s9, $0x1;
	s10 =	sadd.s32 s1, s3  }
0xb: {  	s24 =	sshrl.u32 s12, $0x3;
	s12 =	sor.u32 $0x1C09, s23;
	s23 =	smul.u32 $0x4E2, s13  }
0xc: {  	s1 =	simm.s32 $0x320;
	s13 =	simm.s32 $0x6A40;
	s8 =	sadd.s32 s5, s0  }
0xd: {  	s0 =	sadd.s32 $0x90200, s0;
	s22 =	ssub.s32 s9, s21;
	s25 =	sadd.s32 s7, s24  }
0xe: {  	s14 =	sadd.s32 $0x52D0, s24;
	s26 =	sadd.s32 s15, s24;
	[dreg:$0x6] =	wrdreg s0  }
0xf: {  	s9 =	sadd.s32 $0x32, s24;
	s19 =	sadd.s32 $0x4E20, s24;
	[dreg:$0x7] =	wrdreg s25  }
0x10: {  	s20 =	sadd.s32 $0x64, s24;
	s11 =	sadd.s32 $0x2AE00, s8;
	[dreg:$0x8] =	wrdreg s26  }
0x11: {  	s16 =	smax.u32 s22, $0x1;
	s18 =	sadd.s32 s7, s9;
	s17 =	sadd.s32 s7, s19  }
0x12: {  	s21 =	sadd.s32 s7, s20;
	s8 =	sadd.s32 $0x4E52, s24;
	[dreg:$0x9] =	wrdreg s18  }
0x13: {  	s0 =	sadd.s32 s15, s9;
	s24 =	sadd.s32 s15, s19;
	[dreg:$0xa] =	wrdreg s17  }
0x14: {  	s25 =	sadd.s32 s15, s20;
	s9 =	simm.s32 $0x2;
	[dreg:$0xb] =	wrdreg s21  }
0x15: {  	s19 =	simm.s32 $0x7;
	s20 =	simm.s32 $0x8;
	[dreg:$0xd] =	wrdreg s0  }
.Ltmp0:
0x16: {  	s22 =	sadd.s32 s7, s8;
	[dreg:$0xe] =	wrdreg s24;
	(pc) =	sbr.rel .LBB2_1-.Ltmp0, $4  }
0x17: {  	[dreg:$0xf] =	wrdreg s25;
	s26 =	sadd.s32 s15, s8;
	s25 =	sadd.s32 s23, s7  }
0x18: {  	s0 =	simm.s32 $0x5;
	s8 =	simm.s32 $0x3;
	s17 =	simm.s32 $0x6  }
0x19: {  	s18 =	simm.s32 $0x4;
	s21 =	simm.s32 $0x0;
	[dreg:$0xc] =	wrdreg s22  }
0x1a: {  	[dreg:$0x10] =	wrdreg s26;
	s26 =	sadd.s32 s23, s15;
	s15 =	simm.s32 $0x4B0  }
.LBB2_7:
0x1b: {  	[spmem:s3] =	stream.indirect.scatter.add.f32 [tilespmem:s13], [sflag:$0x8], $0x40, s15, s30, $0xb8;
	[tilespmem:$0x16E40] =	vst v63  }
0x1c: {  	s6 =	smov.u32 s7;
	s23 =	rddreg [dreg:$0x6]  }
.LBB2_8:
0x1d: {  	_ =	swait.ge [sflag:s19], $0x6400  }
0x1e: {  	[sflag:s19] =	ssyncset.done $0x0  }
0x1f: {  	[sflag:s19] =	ssyncadd.s32 $0xFFFF9C00  }
0x20: {  	_ =	swait.ge [sflag:s29], $0x190  }
0x21: {  	[sflag:s29] =	ssyncset.done $0x0  }
0x22: {  	[sflag:s29] =	ssyncadd.s32 $0xFFFFFE70  }
0x23: {  	[tilespmem:s31], [sflag:$0x5] =	stream.indirect.gather [hbm4b:s2+s30], $0x40, s4, s30, $0xb8;
	[tilespmem:$0x16E40] =	vst v63  }
0x24: {  	s6 =	sadd.s32 s6, s14  }
0x25: {  	[tilespmem:s1], [sflag:$0x3] =	stream.linear.gather [hbm4b:s6+s4], $0x190, $0x38;
	[tilespmem:$0x16E40] =	vst v63  }
0x26: {  	_ =	swait.ge [sflag:s0], $0x6400  }
0x27: {  	[sflag:s0] =	ssyncset.done $0x0  }
0x28: {  	[sflag:s0] =	ssyncadd.s32 $0xFFFF9C00  }
0x29: {  	_ =	swait.ge [sflag:s8], $0x190  }
0x2a: {  	[sflag:s8] =	ssyncset.done $0x0  }
0x2b: {  	[sflag:s8] =	ssyncadd.s32 $0xFFFFFE70  }
0x2c: {  	[spmem:s3] =	stream.indirect.scatter.add.f32 [tilespmem:s31], [sflag:$0x7], $0x40, s1, s30, $0xb8;
	[tilespmem:$0x16E40] =	vst v63  }
0x2d: {  	_ =	swait.ge [sflag:s19], $0x6400  }
0x2e: {  	[sflag:s19] =	ssyncset.done $0x0  }
0x2f: {  	[sflag:s19] =	ssyncadd.s32 $0xFFFF9C00  }
0x30: {  	_ =	swait.ge [sflag:s20], $0x6400  }
0x31: {  	s21 =	sadd.s32 $0x1, s21;
	[sflag:s20] =	ssyncset.done $0x0  }
0x32: {  	p1 =	sne.s32 s21, s16;
	[sflag:s20] =	ssyncadd.s32 $0xFFFF9C00  }
.Ltmp1:
0x33: {  	s24 =	sadd.s32 s23, s5;
	[bflag:$0x0] =	sbarrier.arrive $0xFFFF;
	(pc) =	sbr.rel @!p1 .LBB2_9-.Ltmp1, $4  }
0x34: {  	[hbm:s24], [sflag:s12] =	dma.local [spmem:s22], $0x1400  }
0x35: {  	_ =	swait.ge [sflag:s28], $0x1400  }
0x36: {  	[sflag:s28] =	ssyncset.done $0x0  }
0x37: {  	[sflag:s28] =	ssyncadd.s32 $0xFFFFEC00  }
.LBB2_1:
0x38: {  	s22 =	sshrl.u32 s10, $0x3  }
0x39: {  	[spmem:s22], [sflag:s12] =	dma.local [hbm:s11], $0x1400  }
.Ltmp2:
0x3a: {  	_ =	swait.ge [sflag:s28], $0x1400;
	(pc) =	sbr.rel @p0 .LBB2_5-.Ltmp2, $3  }
0x3b: {  	[sflag:s28] =	ssyncset.done $0x0  }
0x3c: {  	[sflag:s28] =	ssyncadd.s32 $0xFFFFEC00  }
0x3d: {  	[bflag:$0x0] =	sbarrier.arrive $0xFFFF;
	_ =	sdelay $0x1  }
0x3e: {  	s6 =	rddreg [dreg:$0x8]  }
0x3f: {  	[tilespmem:s4], [sflag:$0x1] =	stream.linear.gather [hbm4b:s6+s4], $0x190, $0x38;
	[tilespmem:$0x16E40] =	vst v63  }
0x40: {  	_ =	swait.ge [sflag:s29], $0x190  }
0x41: {  	[sflag:s29] =	ssyncset.done $0x0  }
0x42: {  	[sflag:s29] =	ssyncadd.s32 $0xFFFFFE70  }
0x43: {  	[tilespmem:s31], [sflag:$0x5] =	stream.indirect.gather [hbm4b:s2+s30], $0x40, s4, s30, $0xb8;
	[tilespmem:$0x16E40] =	vst v63  }
0x44: {  	s24 =	rddreg [dreg:$0xd]  }
0x45: {  	[tilespmem:s30], [sflag:$0x2] =	stream.linear.gather [hbm4b:s24+s4], $0x190, $0x38;
	[tilespmem:$0x16E40] =	vst v63  }
0x46: {  	s23 =	rddreg [dreg:$0xe]  }
0x47: {  	[tilespmem:s1], [sflag:$0x3] =	stream.linear.gather [hbm4b:s23+s4], $0x190, $0x38;
	[tilespmem:$0x16E40] =	vst v63  }
0x48: {  	_ =	swait.ge [sflag:s0], $0x6400  }
0x49: {  	[sflag:s0] =	ssyncset.done $0x0  }
0x4a: {  	[sflag:s0] =	ssyncadd.s32 $0xFFFF9C00  }
0x4b: {  	_ =	swait.ge [sflag:s8], $0x190  }
0x4c: {  	[sflag:s8] =	ssyncset.done $0x0  }
0x4d: {  	[sflag:s8] =	ssyncadd.s32 $0xFFFFFE70  }
0x4e: {  	[spmem:s3] =	stream.indirect.scatter.add.f32 [tilespmem:s31], [sflag:$0x7], $0x40, s1, s30, $0xb8;
	[tilespmem:$0x16E40] =	vst v63  }
0x4f: {  	_ =	swait.ge [sflag:s9], $0x190  }
0x50: {  	[sflag:s9] =	ssyncset.done $0x0  }
0x51: {  	[sflag:s9] =	ssyncadd.s32 $0xFFFFFE70  }
0x52: {  	[tilespmem:s13], [sflag:$0x6] =	stream.indirect.gather [hbm4b:s2+s30], $0x40, s30, s30, $0xb8;
	[tilespmem:$0x16E40] =	vst v63  }
0x53: {  	s24 =	rddreg [dreg:$0xf]  }
0x54: {  	[tilespmem:s4], [sflag:$0x1] =	stream.linear.gather [hbm4b:s24+s4], $0x190, $0x38;
	[tilespmem:$0x16E40] =	vst v63  }
0x55: {  	s23 =	rddreg [dreg:$0x10]  }
0x56: {  	[tilespmem:s15], [sflag:$0x4] =	stream.linear.gather [hbm4b:s23+s4], $0x190, $0x38;
	[tilespmem:$0x16E40] =	vst v63  }
0x57: {  	_ =	swait.ge [sflag:s17], $0x6400  }
0x58: {  	[sflag:s17] =	ssyncset.done $0x0  }
0x59: {  	[sflag:s17] =	ssyncadd.s32 $0xFFFF9C00  }
0x5a: {  	_ =	swait.ge [sflag:s18], $0x190  }
0x5b: {  	[sflag:s18] =	ssyncset.done $0x0  }
0x5c: {  	[sflag:s18] =	ssyncadd.s32 $0xFFFFFE70  }
0x5d: {  	[spmem:s3] =	stream.indirect.scatter.add.f32 [tilespmem:s13], [sflag:$0x8], $0x40, s15, s30, $0xb8;
	[tilespmem:$0x16E40] =	vst v63  }
0x5e: {  	_ =	swait.ge [sflag:s19], $0x6400  }
0x5f: {  	[sflag:s19] =	ssyncset.done $0x0  }
0x60: {  	[sflag:s19] =	ssyncadd.s32 $0xFFFF9C00  }
0x61: {  	_ =	swait.ge [sflag:s29], $0x190  }
0x62: {  	[sflag:s29] =	ssyncset.done $0x0  }
0x63: {  	s6 =	sadd.s32 $0xFFFFFBB4, s26;
	[sflag:s29] =	ssyncadd.s32 $0xFFFFFE70  }
0x64: {  	[tilespmem:s31], [sflag:$0x5] =	stream.indirect.gather [hbm4b:s2+s30], $0x40, s4, s30, $0xb8;
	[tilespmem:$0x16E40] =	vst v63  }
0x65: {  	s23 =	sadd.s32 $0x4E2, s6  }
0x66: {  	[tilespmem:s30], [sflag:$0x2] =	stream.linear.gather [hbm4b:s23+s4], $0x190, $0x38;
	[tilespmem:$0x16E40] =	vst v63  }
0x67: {  	s24 =	sadd.s32 $0x52D0, s6  }
0x68: {  	[tilespmem:s1], [sflag:$0x3] =	stream.linear.gather [hbm4b:s24+s4], $0x190, $0x38;
	[tilespmem:$0x16E40] =	vst v63  }
0x69: {  	_ =	swait.ge [sflag:s0], $0x6400  }
0x6a: {  	[sflag:s0] =	ssyncset.done $0x0  }
0x6b: {  	[sflag:s0] =	ssyncadd.s32 $0xFFFF9C00  }
0x6c: {  	_ =	swait.ge [sflag:s8], $0x190  }
0x6d: {  	[sflag:s8] =	ssyncset.done $0x0  }
0x6e: {  	[sflag:s8] =	ssyncadd.s32 $0xFFFFFE70  }
0x6f: {  	[spmem:s3] =	stream.indirect.scatter.add.f32 [tilespmem:s31], [sflag:$0x7], $0x40, s1, s30, $0xb8;
	[tilespmem:$0x16E40] =	vst v63  }
0x70: {  	_ =	swait.ge [sflag:s20], $0x6400  }
0x71: {  	[sflag:s20] =	ssyncset.done $0x0  }
0x72: {  	[sflag:s20] =	ssyncadd.s32 $0xFFFF9C00  }
0x73: {  	_ =	swait.ge [sflag:s9], $0x190  }
0x74: {  	[sflag:s9] =	ssyncset.done $0x0  }
0x75: {  	[sflag:s9] =	ssyncadd.s32 $0xFFFFFE70  }
0x76: {  	[tilespmem:s13], [sflag:$0x6] =	stream.indirect.gather [hbm4b:s2+s30], $0x40, s30, s30, $0xb8;
	[tilespmem:$0x16E40] =	vst v63  }
0x77: {  	s24 =	sadd.s32 $0x514, s6  }
0x78: {  	[tilespmem:s4], [sflag:$0x1] =	stream.linear.gather [hbm4b:s24+s4], $0x190, $0x38;
	[tilespmem:$0x16E40] =	vst v63  }
0x79: {  	s6 =	sadd.s32 $0x5302, s6  }
0x7a: {  	[tilespmem:s15], [sflag:$0x4] =	stream.linear.gather [hbm4b:s6+s4], $0x190, $0x38;
	[tilespmem:$0x16E40] =	vst v63  }
0x7b: {  	_ =	swait.ge [sflag:s17], $0x6400  }
0x7c: {  	[sflag:s17] =	ssyncset.done $0x0  }
0x7d: {  	[sflag:s17] =	ssyncadd.s32 $0xFFFF9C00  }
0x7e: {  	_ =	swait.ge [sflag:s18], $0x190  }
0x7f: {  	[sflag:s18] =	ssyncset.done $0x0  }
0x80: {  	s23 =	simm.s32 $0xFFFFFC18;
	[sflag:s18] =	ssyncadd.s32 $0xFFFFFE70  }
.LBB2_3:
0x81: {  	[spmem:s3] =	stream.indirect.scatter.add.f32 [tilespmem:s13], [sflag:$0x8], $0x40, s15, s30, $0xb8;
	[tilespmem:$0x16E40] =	vst v63  }
0x82: {  	s6 =	smov.u32 s23  }
0x83: {  	p1 =	seq.s32 s23, $0xFFFFFF9C;
	s23 =	sadd.s32 $0x64, s23;
	_ =	swait.ge [sflag:s19], $0x6400  }
0x84: {  	[sflag:s19] =	ssyncset.done $0x0  }
0x85: {  	[sflag:s19] =	ssyncadd.s32 $0xFFFF9C00  }
0x86: {  	_ =	swait.ge [sflag:s29], $0x190  }
0x87: {  	[sflag:s29] =	ssyncset.done $0x0  }
0x88: {  	s6 =	sadd.s32 s6, s26;
	[sflag:s29] =	ssyncadd.s32 $0xFFFFFE70  }
0x89: {  	[tilespmem:s31], [sflag:$0x5] =	stream.indirect.gather [hbm4b:s2+s30], $0x40, s4, s30, $0xb8;
	[tilespmem:$0x16E40] =	vst v63  }
0x8a: {  	s24 =	sadd.s32 $0x4E2, s6  }
0x8b: {  	[tilespmem:s30], [sflag:$0x2] =	stream.linear.gather [hbm4b:s24+s4], $0x190, $0x38;
	[tilespmem:$0x16E40] =	vst v63  }
0x8c: {  	s24 =	sadd.s32 $0x52D0, s6  }
0x8d: {  	[tilespmem:s1], [sflag:$0x3] =	stream.linear.gather [hbm4b:s24+s4], $0x190, $0x38;
	[tilespmem:$0x16E40] =	vst v63  }
0x8e: {  	_ =	swait.ge [sflag:s0], $0x6400  }
0x8f: {  	[sflag:s0] =	ssyncset.done $0x0  }
0x90: {  	[sflag:s0] =	ssyncadd.s32 $0xFFFF9C00  }
0x91: {  	_ =	swait.ge [sflag:s8], $0x190  }
0x92: {  	[sflag:s8] =	ssyncset.done $0x0  }
0x93: {  	[sflag:s8] =	ssyncadd.s32 $0xFFFFFE70  }
0x94: {  	[spmem:s3] =	stream.indirect.scatter.add.f32 [tilespmem:s31], [sflag:$0x7], $0x40, s1, s30, $0xb8;
	[tilespmem:$0x16E40] =	vst v63  }
0x95: {  	_ =	swait.ge [sflag:s20], $0x6400  }
0x96: {  	[sflag:s20] =	ssyncset.done $0x0  }
0x97: {  	[sflag:s20] =	ssyncadd.s32 $0xFFFF9C00  }
0x98: {  	_ =	swait.ge [sflag:s9], $0x190  }
0x99: {  	[sflag:s9] =	ssyncset.done $0x0  }
0x9a: {  	[sflag:s9] =	ssyncadd.s32 $0xFFFFFE70  }
0x9b: {  	[tilespmem:s13], [sflag:$0x6] =	stream.indirect.gather [hbm4b:s2+s30], $0x40, s30, s30, $0xb8;
	[tilespmem:$0x16E40] =	vst v63  }
0x9c: {  	s24 =	sadd.s32 $0x514, s6  }
0x9d: {  	[tilespmem:s4], [sflag:$0x1] =	stream.linear.gather [hbm4b:s24+s4], $0x190, $0x38;
	[tilespmem:$0x16E40] =	vst v63  }
0x9e: {  	s6 =	sadd.s32 $0x5302, s6  }
0x9f: {  	[tilespmem:s15], [sflag:$0x4] =	stream.linear.gather [hbm4b:s6+s4], $0x190, $0x38;
	[tilespmem:$0x16E40] =	vst v63  }
0xa0: {  	_ =	swait.ge [sflag:s17], $0x6400  }
.Ltmp3:
0xa1: {  	[sflag:s17] =	ssyncset.done $0x0;
	(pc) =	sbr.rel @!p1 .LBB2_3-.Ltmp3, $4  }
0xa2: {  	[sflag:s17] =	ssyncadd.s32 $0xFFFF9C00  }
0xa3: {  	_ =	swait.ge [sflag:s18], $0x190  }
0xa4: {  	[sflag:s18] =	ssyncset.done $0x0  }
0xa5: {  	[sflag:s18] =	ssyncadd.s32 $0xFFFFFE70  }
.Ltmp4:
0xa6: {  	(pc) =	sbr.rel .LBB2_8-.Ltmp4, $4  }
0xa7: {  	_ = 	snop  }
0xa8: {  	[spmem:s3] =	stream.indirect.scatter.add.f32 [tilespmem:s13], [sflag:$0x8], $0x40, s15, s30, $0xb8;
	[tilespmem:$0x16E40] =	vst v63  }
0xa9: {  	s6 =	rddreg [dreg:$0x4]  }
0xaa: {  	s23 =	rddreg [dreg:$0x5]  }
.LBB2_5:
0xab: {  	s6 =	rddreg [dreg:$0x7]  }
0xac: {  	[tilespmem:s4], [sflag:$0x1] =	stream.linear.gather [hbm4b:s6+s4], $0x190, $0x38;
	[tilespmem:$0x16E40] =	vst v63  }
0xad: {  	_ =	swait.ge [sflag:s29], $0x190  }
0xae: {  	[sflag:s29] =	ssyncset.done $0x0  }
0xaf: {  	[sflag:s29] =	ssyncadd.s32 $0xFFFFFE70  }
0xb0: {  	[tilespmem:s31], [sflag:$0x5] =	stream.indirect.gather [hbm4b:s2+s30], $0x40, s4, s30, $0xb8;
	[tilespmem:$0x16E40] =	vst v63  }
0xb1: {  	s24 =	rddreg [dreg:$0x9]  }
0xb2: {  	[tilespmem:s30], [sflag:$0x2] =	stream.linear.gather [hbm4b:s24+s4], $0x190, $0x38;
	[tilespmem:$0x16E40] =	vst v63  }
0xb3: {  	s23 =	rddreg [dreg:$0xa]  }
0xb4: {  	[tilespmem:s1], [sflag:$0x3] =	stream.linear.gather [hbm4b:s23+s4], $0x190, $0x38;
	[tilespmem:$0x16E40] =	vst v63  }
0xb5: {  	_ =	swait.ge [sflag:s0], $0x6400  }
0xb6: {  	[sflag:s0] =	ssyncset.done $0x0  }
0xb7: {  	[sflag:s0] =	ssyncadd.s32 $0xFFFF9C00  }
0xb8: {  	_ =	swait.ge [sflag:s8], $0x190  }
0xb9: {  	[sflag:s8] =	ssyncset.done $0x0  }
0xba: {  	[sflag:s8] =	ssyncadd.s32 $0xFFFFFE70  }
0xbb: {  	[spmem:s3] =	stream.indirect.scatter.add.f32 [tilespmem:s31], [sflag:$0x7], $0x40, s1, s30, $0xb8;
	[tilespmem:$0x16E40] =	vst v63  }
0xbc: {  	_ =	swait.ge [sflag:s9], $0x190  }
0xbd: {  	[sflag:s9] =	ssyncset.done $0x0  }
0xbe: {  	[sflag:s9] =	ssyncadd.s32 $0xFFFFFE70  }
0xbf: {  	[tilespmem:s13], [sflag:$0x6] =	stream.indirect.gather [hbm4b:s2+s30], $0x40, s30, s30, $0xb8;
	[tilespmem:$0x16E40] =	vst v63  }
0xc0: {  	s24 =	rddreg [dreg:$0xb]  }
0xc1: {  	[tilespmem:s4], [sflag:$0x1] =	stream.linear.gather [hbm4b:s24+s4], $0x190, $0x38;
	[tilespmem:$0x16E40] =	vst v63  }
0xc2: {  	s23 =	rddreg [dreg:$0xc]  }
0xc3: {  	[tilespmem:s15], [sflag:$0x4] =	stream.linear.gather [hbm4b:s23+s4], $0x190, $0x38;
	[tilespmem:$0x16E40] =	vst v63  }
0xc4: {  	_ =	swait.ge [sflag:s17], $0x6400  }
0xc5: {  	[sflag:s17] =	ssyncset.done $0x0  }
0xc6: {  	[sflag:s17] =	ssyncadd.s32 $0xFFFF9C00  }
0xc7: {  	_ =	swait.ge [sflag:s18], $0x190  }
0xc8: {  	[sflag:s18] =	ssyncset.done $0x0  }
0xc9: {  	[sflag:s18] =	ssyncadd.s32 $0xFFFFFE70  }
0xca: {  	[spmem:s3] =	stream.indirect.scatter.add.f32 [tilespmem:s13], [sflag:$0x8], $0x40, s15, s30, $0xb8;
	[tilespmem:$0x16E40] =	vst v63  }
0xcb: {  	_ =	swait.ge [sflag:s19], $0x6400  }
0xcc: {  	[sflag:s19] =	ssyncset.done $0x0  }
0xcd: {  	[sflag:s19] =	ssyncadd.s32 $0xFFFF9C00  }
0xce: {  	_ =	swait.ge [sflag:s29], $0x190  }
0xcf: {  	[sflag:s29] =	ssyncset.done $0x0  }
0xd0: {  	s6 =	sadd.s32 $0xFFFFFBB4, s25;
	[sflag:s29] =	ssyncadd.s32 $0xFFFFFE70  }
0xd1: {  	[tilespmem:s31], [sflag:$0x5] =	stream.indirect.gather [hbm4b:s2+s30], $0x40, s4, s30, $0xb8;
	[tilespmem:$0x16E40] =	vst v63  }
0xd2: {  	s23 =	sadd.s32 $0x4E2, s6  }
0xd3: {  	[tilespmem:s30], [sflag:$0x2] =	stream.linear.gather [hbm4b:s23+s4], $0x190, $0x38;
	[tilespmem:$0x16E40] =	vst v63  }
0xd4: {  	s24 =	sadd.s32 $0x52D0, s6  }
0xd5: {  	[tilespmem:s1], [sflag:$0x3] =	stream.linear.gather [hbm4b:s24+s4], $0x190, $0x38;
	[tilespmem:$0x16E40] =	vst v63  }
0xd6: {  	_ =	swait.ge [sflag:s0], $0x6400  }
0xd7: {  	[sflag:s0] =	ssyncset.done $0x0  }
0xd8: {  	[sflag:s0] =	ssyncadd.s32 $0xFFFF9C00  }
0xd9: {  	_ =	swait.ge [sflag:s8], $0x190  }
0xda: {  	[sflag:s8] =	ssyncset.done $0x0  }
0xdb: {  	[sflag:s8] =	ssyncadd.s32 $0xFFFFFE70  }
0xdc: {  	[spmem:s3] =	stream.indirect.scatter.add.f32 [tilespmem:s31], [sflag:$0x7], $0x40, s1, s30, $0xb8;
	[tilespmem:$0x16E40] =	vst v63  }
0xdd: {  	_ =	swait.ge [sflag:s20], $0x6400  }
0xde: {  	[sflag:s20] =	ssyncset.done $0x0  }
0xdf: {  	[sflag:s20] =	ssyncadd.s32 $0xFFFF9C00  }
0xe0: {  	_ =	swait.ge [sflag:s9], $0x190  }
0xe1: {  	[sflag:s9] =	ssyncset.done $0x0  }
0xe2: {  	[sflag:s9] =	ssyncadd.s32 $0xFFFFFE70  }
0xe3: {  	[tilespmem:s13], [sflag:$0x6] =	stream.indirect.gather [hbm4b:s2+s30], $0x40, s30, s30, $0xb8;
	[tilespmem:$0x16E40] =	vst v63  }
0xe4: {  	s24 =	sadd.s32 $0x514, s6  }
0xe5: {  	[tilespmem:s4], [sflag:$0x1] =	stream.linear.gather [hbm4b:s24+s4], $0x190, $0x38;
	[tilespmem:$0x16E40] =	vst v63  }
0xe6: {  	s6 =	sadd.s32 $0x5302, s6  }
0xe7: {  	[tilespmem:s15], [sflag:$0x4] =	stream.linear.gather [hbm4b:s6+s4], $0x190, $0x38;
	[tilespmem:$0x16E40] =	vst v63  }
0xe8: {  	_ =	swait.ge [sflag:s17], $0x6400  }
0xe9: {  	[sflag:s17] =	ssyncset.done $0x0  }
0xea: {  	[sflag:s17] =	ssyncadd.s32 $0xFFFF9C00  }
0xeb: {  	_ =	swait.ge [sflag:s18], $0x190  }
0xec: {  	[sflag:s18] =	ssyncset.done $0x0  }
0xed: {  	s23 =	simm.s32 $0xFFFFFC18;
	[sflag:s18] =	ssyncadd.s32 $0xFFFFFE70  }
.LBB2_6:
0xee: {  	[spmem:s3] =	stream.indirect.scatter.add.f32 [tilespmem:s13], [sflag:$0x8], $0x40, s15, s30, $0xb8;
	[tilespmem:$0x16E40] =	vst v63  }
0xef: {  	s6 =	smov.u32 s23  }
0xf0: {  	p1 =	sne.s32 s23, $0xFFFFFF9C;
	s23 =	sadd.s32 $0x64, s23;
	_ =	swait.ge [sflag:s19], $0x6400  }
0xf1: {  	[sflag:s19] =	ssyncset.done $0x0  }
0xf2: {  	[sflag:s19] =	ssyncadd.s32 $0xFFFF9C00  }
0xf3: {  	_ =	swait.ge [sflag:s29], $0x190  }
0xf4: {  	[sflag:s29] =	ssyncset.done $0x0  }
0xf5: {  	s6 =	sadd.s32 s6, s25;
	[sflag:s29] =	ssyncadd.s32 $0xFFFFFE70  }
0xf6: {  	[tilespmem:s31], [sflag:$0x5] =	stream.indirect.gather [hbm4b:s2+s30], $0x40, s4, s30, $0xb8;
	[tilespmem:$0x16E40] =	vst v63  }
0xf7: {  	s24 =	sadd.s32 $0x4E2, s6  }
0xf8: {  	[tilespmem:s30], [sflag:$0x2] =	stream.linear.gather [hbm4b:s24+s4], $0x190, $0x38;
	[tilespmem:$0x16E40] =	vst v63  }
0xf9: {  	s24 =	sadd.s32 $0x52D0, s6  }
0xfa: {  	[tilespmem:s1], [sflag:$0x3] =	stream.linear.gather [hbm4b:s24+s4], $0x190, $0x38;
	[tilespmem:$0x16E40] =	vst v63  }
0xfb: {  	_ =	swait.ge [sflag:s0], $0x6400  }
0xfc: {  	[sflag:s0] =	ssyncset.done $0x0  }
0xfd: {  	[sflag:s0] =	ssyncadd.s32 $0xFFFF9C00  }
0xfe: {  	_ =	swait.ge [sflag:s8], $0x190  }
0xff: {  	[sflag:s8] =	ssyncset.done $0x0  }
0x100: {  	[sflag:s8] =	ssyncadd.s32 $0xFFFFFE70  }
0x101: {  	[spmem:s3] =	stream.indirect.scatter.add.f32 [tilespmem:s31], [sflag:$0x7], $0x40, s1, s30, $0xb8;
	[tilespmem:$0x16E40] =	vst v63  }
0x102: {  	_ =	swait.ge [sflag:s20], $0x6400  }
0x103: {  	[sflag:s20] =	ssyncset.done $0x0  }
0x104: {  	[sflag:s20] =	ssyncadd.s32 $0xFFFF9C00  }
0x105: {  	_ =	swait.ge [sflag:s9], $0x190  }
0x106: {  	[sflag:s9] =	ssyncset.done $0x0  }
0x107: {  	[sflag:s9] =	ssyncadd.s32 $0xFFFFFE70  }
0x108: {  	[tilespmem:s13], [sflag:$0x6] =	stream.indirect.gather [hbm4b:s2+s30], $0x40, s30, s30, $0xb8;
	[tilespmem:$0x16E40] =	vst v63  }
0x109: {  	s24 =	sadd.s32 $0x514, s6  }
0x10a: {  	[tilespmem:s4], [sflag:$0x1] =	stream.linear.gather [hbm4b:s24+s4], $0x190, $0x38;
	[tilespmem:$0x16E40] =	vst v63  }
0x10b: {  	s6 =	sadd.s32 $0x5302, s6  }
0x10c: {  	[tilespmem:s15], [sflag:$0x4] =	stream.linear.gather [hbm4b:s6+s4], $0x190, $0x38;
	[tilespmem:$0x16E40] =	vst v63  }
0x10d: {  	_ =	swait.ge [sflag:s17], $0x6400  }
.Ltmp5:
0x10e: {  	[sflag:s17] =	ssyncset.done $0x0;
	(pc) =	sbr.rel @p1 .LBB2_6-.Ltmp5, $4  }
0x10f: {  	[sflag:s17] =	ssyncadd.s32 $0xFFFF9C00  }
0x110: {  	_ =	swait.ge [sflag:s18], $0x190  }
0x111: {  	[sflag:s18] =	ssyncset.done $0x0  }
0x112: {  	[sflag:s18] =	ssyncadd.s32 $0xFFFFFE70  }
.Ltmp6:
0x113: {  	_ = 	snop;
	(pc) =	sbr.rel .LBB2_7-.Ltmp6, $1  }
0x114: {  	_ =	sdelay $0x3  }
.LBB2_9:
0x115: {  	_ =	sfence.sel $0x180000  }
0x116: {  	[bflag:$0x0] =	sbarrier.arrive $0xFFFF  }
0x117: {  	_ =	strace $0x9000004A  }
0x118: {  	s0 =	stileid.u32;
	[bflag:$0x2] =	sbarrier.arrive $0xFFFF  }
0x119: {  	p0 =	sne.s32 s0, $0x0;
	s0 =	rddreg [dreg:$0x3]  }
0x11a: {  	s0 =	sadd.s32 @!p0 $0x100000, s0  }
0x11b: {  	[sflag:s0] =	ssyncadd.tile.s32 @!p0 $0x1;
	_ =	shalt  }
.Lfunc_end2:
_tile_overlayer_lowered:
.L_overlay_start_2:
0x11c: {  	(tag) =	ssettag $0x2  }
0x11d: {  	s0 =	rddreg [dreg:$0x0];
	s2 =	stileid.u32  }
0x11e: {  	s1 =	rddreg [dreg:$0x1];
	p0 =	sne.s32 s2, $0x0  }
0x11f: {  	s3 =	rddreg [dreg:$0x2];
	[bflag:$0x3] =	sbarrier.arrive $0xFFFF;
	s2 =	simm.s32 @!p0 $0x1C09  }
0x120: {  	[timem:s3], [sflag:s2] =	dma.local @!p0 [hbm:s0], s1  }
0x121: {  	s0 =	simm.s32 @!p0 $0x9  }
0x122: {  	_ =	swait.ge @!p0 [sflag:s0], s1  }
0x123: {  	s1 =	ssub.s32 @!p0 $0x0, s1;
	[sflag:s0] =	ssyncset.done @!p0 $0x0  }
0x124: {  	[sflag:s0] =	ssyncadd.s32 @!p0 s1  }
0x125: {  	[bflag:$0x3] =	sbarrier.arrive $0xFFFF  }
0x126: {  	_ =	shalt  }

// kernel: kernel.7.cloned.1.call-start
scs
__scs_entry_jumppad:
0x0: {  	(pc) =	sbr.rel $0x88, $3  }
0x1: {  	(tag) =	ssettag $0x0;
	lr =	simm.s32 $0x1  }
0x2: {  	[smem:$0x3F96] =	sst lr;
	_ =	strace $0xD0000000  }
0x3: {  	_ = 	snop  }
0x4: {  	_ = 	snop  }
0x5: {  	_ = 	snop  }
0x6: {  	_ = 	snop  }
0x7: {  	_ = 	snop  }
__scs_overlays_trampoline_lowered:
0x8: {  	[smem:$0x3FA5] =	sst s0  }
0x9: {  	[smem:$0x3FA6] =	sst s1  }
0xa: {  	[smem:$0x3FA7] =	sst s2  }
0xb: {  	[smem:$0x3FA8] =	sst s3  }
0xc: {  	[smem:$0x3FA9] =	sst s4  }
0xd: {  	[smem:$0x3FAA] =	sst s5  }
0xe: {  	[smem:$0x3FAB] =	sst s6  }
0xf: {  	[smem:$0x3FAC] =	sst s7  }
0x10: {  	[smem:$0x3FAD] =	sst s8  }
0x11: {  	[smem:$0x3FAE] =	sst s9;
	s0 =	simm.s32 @!p0 $0x0  }
0x12: {  	s1 =	sld [smem:$0x3F94];
	s0 =	simm.s32 @p0 $0x1  }
0x13: {  	[smem:$0x3FAF] =	sst s0;
	s0 =	simm.s32 @!p1 $0x0  }
0x14: {  	s2 =	sld [smem:$0x3F93];
	s0 =	simm.s32 @p1 $0x1  }
0x15: {  	[smem:$0x3FB0] =	sst s0;
	s0 =	simm.s32 @!p2 $0x0  }
0x16: {  	s3 =	sld [smem:$0x3FDB];
	s0 =	simm.s32 @p2 $0x1  }
0x17: {  	s4 =	simm.s32 $0x1BF5;
	[smem:$0x3FB2] =	sst s0  }
0x18: {  	s0 =	sld [smem:$0x3F95];
	_ =	swait.ge [sflag:s4], $0x0  }
0x19: {  	s7 =	sld [smem:$0x3F96]  }
0x1a: {  	s8 =	sadd.s32 $0xFFFFE003, lr  }
0x1b: {  	s9 =	sadd.s32 $0xFFFFFEF7, lr;
	s5 =	simm.s32 $0xFFFFFFFF;
	p2 =	slt.u32 s8, $0xFFFFF086  }
0x1c: {  	p1 =	slt.u32 s9, $0xF7A;
	s5 =	simm.s32 @!p2 $0x0  }
0x1d: {  	s5 =	simm.s32 @p1 $0x1;
	p0 =	seq.s32 s7, s2  }
0x1e: {  	s7 =	smul.u32 @!p0 $0xF7A, s2;
	p2 =	seq.s32 @!p0 s5, $0x0  }
0x1f: {  	s9 =	smul.u32 $0xF7A, s1;
	s8 =	simm.s32 @!p0 $0x1BF5;
	p2 =	por !p2, p0  }
0x20: {  	[sflag:s8] =	ssyncset.s32 @!p0 $0xFFFFF086;
	s6 =	sadd.s32 @!p0 s3, s7;
	s7 =	simm.s32 @!p0 $0x108  }
0x21: {  	s3 =	sadd.s32 s3, s9;
	s6 =	sadd.s32 @!p0 $0x88, s6;
	s7 =	simm.s32 @p2 $0x1082  }
0x22: {  	[simem:s7], [sflag:s8] =	dma.local @!p0 [hbm:s6], $0xF7A  }
0x23: {  	s9 =	sor.u32 $0xD0000000, s2;
	s6 =	simm.s32 $0x108;
	_ =	swait.ge @!p0 [sflag:s8], $0x0  }
0x24: {  	s3 =	sadd.s32 $0x88, s3;
	s6 =	simm.s32 @!p1 $0x1082;
	[sflag:s4] =	ssyncset.s32 $0xFFFFF086  }
0x25: {  	[simem:s6], [sflag:s4] =	dma.local [hbm:s3], $0xF7A  }
0x26: {  	[smem:$0x3F96] =	sst s1;
	(tag) =	ssettag s2;
	_ =	strace s9  }
0x27: {  	s1 =	sld [smem:$0x3FA6]  }
0x28: {  	s2 =	sld [smem:$0x3FA7]  }
0x29: {  	s4 =	sld [smem:$0x3FA9]  }
0x2a: {  	p0 =	seq.s32 s5, $0x0;
	s5 =	sld [smem:$0x3FAA]  }
0x2b: {  	s6 =	sld [smem:$0x3FAB]  }
0x2c: {  	s7 =	sld [smem:$0x3FAC]  }
0x2d: {  	s3 =	simm.s32 $0x108;
	s8 =	sld [smem:$0x3FAD]  }
0x2e: {  	s3 =	simm.s32 @!p0 $0x1082;
	s9 =	sld [smem:$0x3FAE]  }
0x2f: {  	lr =	sadd.s32 s0, s3;
	s0 =	sld [smem:$0x3FA5]  }
0x30: {  	s3 =	sld [smem:$0x3FA8]  }
0x31: {  	[smem:$0x3FB1] =	sst s10  }
0x32: {  	s10 =	sld [smem:$0x3FAF];
	_ =	sdelay $0x3  }
0x33: {  	p0 =	seq.s32 s10, $0x1;
	s10 =	sld [smem:$0x3FB1];
	_ =	sdelay $0x3  }
0x34: {  	[smem:$0x3FB1] =	sst s10  }
0x35: {  	s10 =	sld [smem:$0x3FB0];
	_ =	sdelay $0x3  }
0x36: {  	p1 =	seq.s32 s10, $0x1;
	s10 =	sld [smem:$0x3FB1];
	_ =	sdelay $0x3  }
0x37: {  	[smem:$0x3FB1] =	sst s10  }
0x38: {  	s10 =	sld [smem:$0x3FB2]  }
0x39: {  	_ = 	snop;
	(pc) =	sbr.ind lr, $3  }
0x3a: {  	_ = 	snop  }
0x3b: {  	_ = 	snop  }
0x3c: {  	p2 =	seq.s32 s10, $0x1;
	s10 =	sld [smem:$0x3FB1]  }
0x3d: {  	_ =	shalt  }
0x3e: {  	_ =	shalt  }
0x3f: {  	_ =	shalt  }
0x40: {  	_ =	shalt  }
0x41: {  	_ =	shalt  }
0x42: {  	_ =	shalt  }
0x43: {  	_ =	shalt  }
0x44: {  	_ =	shalt  }
0x45: {  	_ =	shalt  }
0x46: {  	_ =	shalt  }
0x47: {  	_ =	shalt  }
0x48: {  	_ =	shalt  }
0x49: {  	_ =	shalt  }
0x4a: {  	_ =	shalt  }
0x4b: {  	_ =	shalt  }
0x4c: {  	_ =	shalt  }
0x4d: {  	_ =	shalt  }
0x4e: {  	_ =	shalt  }
0x4f: {  	_ =	shalt  }
0x50: {  	_ =	shalt  }
0x51: {  	_ =	shalt  }
0x52: {  	_ =	shalt  }
0x53: {  	_ =	shalt  }
0x54: {  	_ =	shalt  }
0x55: {  	_ =	shalt  }
0x56: {  	_ =	shalt  }
0x57: {  	_ =	shalt  }
0x58: {  	_ =	shalt  }
0x59: {  	_ =	shalt  }
0x5a: {  	_ =	shalt  }
0x5b: {  	_ =	shalt  }
0x5c: {  	_ =	shalt  }
0x5d: {  	_ =	shalt  }
0x5e: {  	_ =	shalt  }
0x5f: {  	_ =	shalt  }
0x60: {  	_ =	shalt  }
0x61: {  	_ =	shalt  }
0x62: {  	_ =	shalt  }
0x63: {  	_ =	shalt  }
0x64: {  	_ =	shalt  }
0x65: {  	_ =	shalt  }
0x66: {  	_ =	shalt  }
0x67: {  	_ =	shalt  }
0x68: {  	_ =	shalt  }
0x69: {  	_ =	shalt  }
0x6a: {  	_ =	shalt  }
0x6b: {  	_ =	shalt  }
0x6c: {  	_ =	shalt  }
0x6d: {  	_ =	shalt  }
0x6e: {  	_ =	shalt  }
0x6f: {  	_ =	shalt  }
0x70: {  	_ =	shalt  }
0x71: {  	_ =	shalt  }
0x72: {  	_ =	shalt  }
0x73: {  	_ =	shalt  }
0x74: {  	_ =	shalt  }
0x75: {  	_ =	shalt  }
0x76: {  	_ =	shalt  }
0x77: {  	_ =	shalt  }
0x78: {  	_ =	shalt  }
0x79: {  	_ =	shalt  }
0x7a: {  	_ =	shalt  }
0x7b: {  	_ =	shalt  }
0x7c: {  	_ =	shalt  }
0x7d: {  	_ =	shalt  }
0x7e: {  	_ =	shalt  }
0x7f: {  	_ =	shalt  }
0x80: {  	_ =	shalt  }
0x81: {  	_ =	shalt  }
0x82: {  	_ =	shalt  }
0x83: {  	_ =	shalt  }
0x84: {  	_ =	shalt  }
0x85: {  	_ =	shalt  }
0x86: {  	_ =	shalt  }
0x87: {  	_ =	shalt  }
.Lfunc_end0:
.L_simem_size_0:
called_computation_lowered:
.L_overlay_start_0:
0x88: {  	s2 =	sld [smem:$0x3FD9]  }
0x89: {  	s3 =	sld [smem:$0x3FFE];
	_ =	sdelay $0x1  }
0x8a: {  	s1 =	srdreg.scid  }
0x8b: {  	s0 =	sand.u32 $0x1, s1  }
0x8c: {  	s17 =	sshll.u32 s0, $0xA;
	s2 =	sadd.s32 s3, s2  }
0x8d: {  	s2 =	sadd.s32 s2, s17  }
0x8e: {  	[smem:$0x3FBD] =	sst s2  }
0x8f: {  	_ = 	snop  }
0x90: {  	s2 =	sld [smem:$0x3FD0];
	(tm) =	ssettm $0x1  }
0x91: {  	s18 =	sld [smem:$0x3FFB];
	_ =	sdelay $0x3  }
0x92: {  	_ =	strace s18  }
0x93: {  	s3 =	sld [smem:$0x3FFC];
	_ =	sdelay $0x3  }
0x94: {  	_ =	strace s3  }
0x95: {  	s3 =	sld [smem:$0x3FFD];
	_ =	sdelay $0x3  }
0x96: {  	_ =	strace s3  }
0x97: {  	_ =	strace $0x8FFFFFFF  }
0x98: {  	s19 =	sld [smem:$0x3FDB];
	_ =	sdelay $0x1  }
0x99: {  	s4 =	simm.s32 $_scs_section_size  }
0x9a: {  	s5 =	simm.s32 $_size__tile_overlayer_lowered;
	s6 =	simm.s32 $_tile_overlayer_lowered  }
0x9b: {  	s22 =	simm.s32 $0x1BFF;
	s21 =	sshll.u32 s6, $0x1;
	s3 =	sadd.s32 s4, s19  }
0x9c: {  	s7 =	simm.s32 $0x0;
	s20 =	sshll.u32 s5, $0x1;
	s5 =	sadd.s32 s21, s3  }
0x9d: {  	[timem:s7], [sflag:s22] =	dma.local [hbm:s5], s20  }
0x9e: {  	_ =	swait.ge [sflag:s22], s20  }
0x9f: {  	s4 =	ssub.s32 $0x0, s20;
	[sflag:s22] =	ssyncset.done $0x0  }
0xa0: {  	[sflag:s22] =	ssyncadd.s32 s4;
	_ =	sdelay $0x1  }
0xa1: {  	s23 =	simm.s32 $0x1B8B  }
0xa2: {  	_ =	swait.ge [sflag:s23], $0x1  }
0xa3: {  	[sflag:s23] =	ssyncset.done $0x0  }
0xa4: {  	s25 =	simm.s32 $0x1B8E;
	s24 =	sld [smem:$0x3FFE];
	[sflag:s23] =	ssyncadd.s32 $0xFFFFFFFF  }
0xa5: {  	s26 =	simm.s32 $execute0_lowered;
	[smem:$0x3FD2] =	sst s25  }
0xa6: {  	s5 =	sshll.u32 s26, $0x1;
	_ =	strace $0x80000046;
	[dreg:$0x1] =	wrdreg $0xFFFFFFFF  }
0xa7: {  	s28 =	simm.s32 $_size_execute0_lowered;
	s3 =	sadd.s32 s3, s5;
	[dreg:$0x0] =	wrdreg $0x0  }
0xa8: {  	s5 =	sshll.u32 s28, $0x1;
	[dreg:$0x2] =	wrdreg s3  }
0xa9: {  	[dreg:$0x3] =	wrdreg s5  }
0xaa: {  	[dreg:$0x4] =	wrdreg $0xC0  }
0xab: {  	_ =	task [dreg:s7], $0x5FFFF  }
0xac: {  	[dreg:$0x1] =	wrdreg $0xFFFFFFFF  }
0xad: {  	[dreg:$0x0] =	wrdreg $0x60  }
0xae: {  	[dreg:$0x2] =	wrdreg s24  }
0xaf: {  	[dreg:$0x3] =	wrdreg s2  }
0xb0: {  	[dreg:$0x4] =	wrdreg $0x10D880  }
0xb1: {  	[dreg:$0x5] =	wrdreg $0x15D880  }
0xb2: {  	[dreg:$0x6] =	wrdreg $0x9  }
0xb3: {  	_ =	task.clear_ibuf [dreg:s7], $0x7FFFF;
	_ =	strace $0x90000046  }
0xb4: {  	s29 =	simm.s32 $0x9;
	_ =	strace $0x80000048  }
0xb5: {  	_ =	swait.ge [sflag:s29], $0x1  }
0xb6: {  	[sflag:s29] =	ssyncadd.s32 $0xFFFFFFFF  }
0xb7: {  	_ =	strace $0x90000048  }
0xb8: {  	_ =	sfence  }
0xb9: {  	s30 =	sld [smem:$0x0];
	_ =	sdelay $0x2  }
0xba: {  	s31 =	sshll.u32 s1, $0xD;
	s1 =	sshrl.u32 s1, $0x2  }
0xbb: {  	s3 =	sand.u32 $0x4000, s31;
	s1 =	sadd.s32 s1, s30  }
0xbc: {  	s0 =	sor.u32 s3, s0;
	s1 =	sshll.u32 s1, $0x11  }
0xbd: {  	s0 =	sor.u32 s1, s0  }
0xbe: {  	s0 =	sadd.s32 $0x8F2B, s0  }
0xbf: {  	[sflag:s0] =	ssyncadd.remote.s32 $0x1  }
0xc0: {  	_ =	sfence.sel $0xFFFF  }
0xc1: {  	[dreg:$0x0] =	wrdreg $0xFFFFFFFF;
	(pc) =	sbr.abs _section_cstart, $3  }
0xc2: {  	[dreg:$0x1] =	wrdreg $0xFFFFFFFF  }
0xc3: {  	_ =	task.clear_ibuf [dreg:s7], $0x2FFFF;
	_ =	strace $0x9FFFFFFF  }
0xc4: {  	(tm) =	ssettm $0x7FFFFFFF  }
0xc5: {  	_ =	shalt  }
tec
execute0_lowered:
.L_overlay_start_1:
0x0: {  	(tag) =	ssettag $0x1  }
0x1: {  	s0 =	rddreg [dreg:$0x0]  }
0x2: {  	s1 =	rddreg [dreg:$0x1]  }
0x3: {  	s2 =	rddreg [dreg:$0x2]  }
0x4: {  	s3 =	rddreg [dreg:$0x3];
	s4 =	simm.s32 $0x0;
	s15 =	stileid.u32  }
0x5: {  	s24 =	srdreg.scid;
	s28 =	simm.s32 $0x3E8;
	s29 =	simm.s32 $0xFA0  }
0x6: {  	s30 =	simm.s32 $0x7D0;
	s31 =	simm.s32 $0x5;
	[smem:$0x7FF] =	sst s4  }
0x7: {  	s7 =	smul.u32 $0x280, s15;
	s5 =	sadd.s32 $0xD400, s0;
	s6 =	sadd.s32 $0x3600, s0  }
0x8: {  	s9 =	sadd.s32 $0x2B400, s0;
	s10 =	sadd.s32 $0x21000, s0;
	s11 =	sadd.s32 $0x17200, s0  }
0x9: {  	s12 =	sadd.s32 $0x36200, s0;
	_ =	strace $0x80000047;
	[dreg:$0x6] =	wrdreg s9  }
0xa: {  	s13 =	smul.u32 $0x5000, s15;
	s14 =	sadd.s32 $0x2C200, s0;
	[dreg:$0x7] =	wrdreg s12  }
0xb: {  	s26 =	sadd.s32 $0x2B600, s0;
	s20 =	sshll.u32 s15, $0x6;
	[dreg:$0x8] =	wrdreg s14  }
0xc: {  	s21 =	smul.u32 $0x2710, s15;
	s9 =	sand.u32 $0x1, s24;
	[dreg:$0x9] =	wrdreg s26  }
0xd: {  	s12 =	simm.s32 $0x4;
	s8 =	sshrl.u32 s7, $0x3;
	s25 =	ssub.s32 $0x2, s9  }
0xe: {  	s18 =	sadd.s32 s13, s2;
	s19 =	sshrl.u32 s13, $0x3;
	s22 =	sadd.s32 s7, s3  }
0xf: {  	s24 =	sshrl.u32 s21, $0x3;
	p0 =	sne.s32 s9, $0x0;
	[dreg:$0x5] =	wrdreg s8  }
0x10: {  	s9 =	simm.s32 $0x8CA0;
	s13 =	simm.s32 $0xA;
	[dreg:$0xb] =	wrdreg s18  }
0x11: {  	s7 =	simm.s32 $0x0;
	s8 =	sadd.s32 s8, s0;
	[dreg:$0xc] =	wrdreg s19  }
0x12: {  	s16 =	sshrl.u32 s25, $0x1;
	s0 =	sadd.s32 $0x2BC00, s0;
	[dreg:$0xe] =	wrdreg s22  }
0x13: {  	s1 =	sadd.s32 s1, s19;
	s26 =	sadd.s32 s11, s24;
	[dreg:$0xa] =	wrdreg s0  }
0x14: {  	s17 =	ssub.s32 s25, s16;
	[dreg:$0xd] =	wrdreg s1;
	s16 =	sor.u32 $0x1C0B, s20  }
0x15: {  	s23 =	sadd.s32 $0x2AE00, s8;
	s25 =	smul.u32 $0x4E2, s15;
	[dreg:$0x10] =	wrdreg s26  }
.Ltmp0:
0x16: {  	s1 =	sadd.s32 s10, s24;
	[dreg:$0xf] =	wrdreg s23;
	(pc) =	sbr.rel .LBB2_1-.Ltmp0, $4  }
0x17: {  	s24 =	simm.s32 $0xB;
	[dreg:$0x11] =	wrdreg s1;
	s0 =	smax.u32 s17, $0x1  }
0x18: {  	s26 =	simm.s32 $0x1;
	s1 =	simm.s32 $0x2;
	[dreg:$0x12] =	wrdreg s0  }
0x19: {  	s22 =	sadd.s32 s25, s11;
	s23 =	sadd.s32 s25, s10;
	s25 =	simm.s32 $0x109A0  }
0x1a: {  	s0 =	simm.s32 $0x3;
	s10 =	simm.s32 $0xBB8;
	s11 =	simm.s32 $0x6  }
.LBB2_7:
0x1b: {  	[spmem:s2] =	stream.indirect.scatter.add.f32 [tilespmem:s9], [sflag:$0x8], $0x20, s10, s28, $0xb8;
	[tilespmem:$0x16008] =	vst v63  }
0x1c: {  	s8 =	simm.s32 @!p1 $0x7  }
0x1d: {  	[spmem:s3] =	stream.indirect.scatter.add.f32 [tilespmem:s25], [sflag:$0xA], $0x1, s10, s28, $0xb8;
	[tilespmem:$0x16008] =	vst v63  }
0x1e: {  	_ =	swait.ge @!p1 [sflag:s8], $0x7D00  }
0x1f: {  	[sflag:s8] =	ssyncset.done @!p1 $0x0  }
0x20: {  	s14 =	simm.s32 @!p1 $0x9;
	[sflag:s8] =	ssyncadd.s32 @!p1 $0xFFFF8300  }
0x21: {  	_ =	swait.ge @!p1 [sflag:s14], $0x3E8  }
0x22: {  	[sflag:s14] =	ssyncset.done @!p1 $0x0  }
0x23: {  	[sflag:s14] =	ssyncadd.s32 @!p1 $0xFFFFFC18  }
0x24: {  	_ =	swait.ge [sflag:s26], $0x3E8  }
0x25: {  	[sflag:s26] =	ssyncset.done $0x0  }
0x26: {  	s8 =	sadd.s32 s18, s22;
	[sflag:s26] =	ssyncadd.s32 $0xFFFFFC18  }
0x27: {  	[tilespmem:s29], [sflag:$0x5] =	stream.indirect.gather [hbm4b:s6+s28], $0x20, s4, s28, $0xb8;
	[tilespmem:$0x16008] =	vst v63  }
0x28: {  	s20 =	sadd.s32 $0x7D, s8  }
0x29: {  	[tilespmem:s28], [sflag:$0x2] =	stream.linear.gather [hbm4b:s20+s4], $0x3E8, $0x38;
	[tilespmem:$0x16008] =	vst v63  }
0x2a: {  	s21 =	sadd.s32 $0x4E20, s8  }
0x2b: {  	[tilespmem:s30], [sflag:$0x3] =	stream.linear.gather [hbm4b:s21+s4], $0x3E8, $0x38;
	[tilespmem:$0x16008] =	vst v63  }
0x2c: {  	_ =	swait.ge [sflag:s31], $0x7D00  }
0x2d: {  	[sflag:s31] =	ssyncset.done $0x0  }
0x2e: {  	[sflag:s31] =	ssyncadd.s32 $0xFFFF8300  }
0x2f: {  	_ =	swait.ge [sflag:s0], $0x3E8  }
0x30: {  	[sflag:s0] =	ssyncset.done $0x0  }
0x31: {  	[sflag:s0] =	ssyncadd.s32 $0xFFFFFC18  }
0x32: {  	[spmem:s2] =	stream.indirect.scatter.add.f32 [tilespmem:s29], [sflag:$0x7], $0x20, s30, s28, $0xb8;
	[tilespmem:$0x16008] =	vst v63  }
0x33: {  	s14 =	simm.s32 @!p1 $0x8  }
0x34: {  	[spmem:s3] =	stream.indirect.scatter.add.f32 [tilespmem:s25], [sflag:$0x9], $0x1, s30, s28, $0xb8;
	[tilespmem:$0x16008] =	vst v63  }
0x35: {  	_ =	swait.ge @!p1 [sflag:s14], $0x7D00  }
0x36: {  	[sflag:s14] =	ssyncset.done @!p1 $0x0  }
0x37: {  	s19 =	simm.s32 @!p1 $0xA;
	[sflag:s14] =	ssyncadd.s32 @!p1 $0xFFFF8300  }
0x38: {  	_ =	swait.ge @!p1 [sflag:s19], $0x3E8  }
0x39: {  	[sflag:s19] =	ssyncset.done @!p1 $0x0  }
0x3a: {  	[sflag:s19] =	ssyncadd.s32 @!p1 $0xFFFFFC18  }
0x3b: {  	_ =	swait.ge [sflag:s1], $0x3E8  }
0x3c: {  	p1 =	seq.s32 s18, $0x3E8;
	[sflag:s1] =	ssyncset.done $0x0  }
0x3d: {  	s14 =	sadd.s32 @!p1 s18, s22;
	[sflag:s1] =	ssyncadd.s32 $0xFFFFFC18  }
0x3e: {  	[tilespmem:s9], [sflag:$0x6] =	stream.indirect.gather [hbm4b:s6+s28], $0x20, s28, s28, $0xb8;
	[tilespmem:$0x16008] =	vst v63  }
0x3f: {  	s18 =	simm.s32 @!p1 $0x0;
	s14 =	sadd.s32 @!p1 $0xFA, s14  }
0x40: {  	[tilespmem:s18], [sflag:$0x1] =	stream.linear.gather @!p1 [hbm4b:s14+s18], $0x3E8, $0x38;
	[tilespmem:$0x16008] =	vst v63  }
0x41: {  	s8 =	sadd.s32 $0x4E9D, s8  }
0x42: {  	[tilespmem:s10], [sflag:$0x4] =	stream.linear.gather [hbm4b:s8+s4], $0x3E8, $0x38;
	[tilespmem:$0x16008] =	vst v63  }
0x43: {  	_ =	swait.ge [sflag:s11], $0x7D00  }
0x44: {  	[sflag:s11] =	ssyncset.done $0x0  }
0x45: {  	[sflag:s11] =	ssyncadd.s32 $0xFFFF8300  }
0x46: {  	_ =	swait.ge [sflag:s12], $0x3E8  }
0x47: {  	[sflag:s12] =	ssyncset.done $0x0  }
0x48: {  	s18 =	rddreg [dreg:$0x8];
	[sflag:s12] =	ssyncadd.s32 $0xFFFFFC18  }
0x49: {  	[spmem:s2] =	stream.indirect.scatter.add.f32 [tilespmem:s9], [sflag:$0x8], $0x20, s10, s28, $0xb8;
	[tilespmem:$0x16008] =	vst v63  }
0x4a: {  	s14 =	rddreg [dreg:$0xa]  }
0x4b: {  	[spmem:s3] =	stream.indirect.scatter.add.f32 [tilespmem:s25], [sflag:$0xA], $0x1, s10, s28, $0xb8;
	[tilespmem:$0x16008] =	vst v63  }
.LBB2_8:
0x4c: {  	s8 =	simm.s32 $0x7  }
0x4d: {  	_ =	swait.ge [sflag:s8], $0x7D00  }
0x4e: {  	[sflag:s8] =	ssyncset.done $0x0  }
0x4f: {  	s20 =	simm.s32 $0x9;
	[sflag:s8] =	ssyncadd.s32 $0xFFFF8300  }
0x50: {  	_ =	swait.ge [sflag:s20], $0x3E8  }
0x51: {  	[sflag:s20] =	ssyncset.done $0x0  }
0x52: {  	s21 =	simm.s32 $0x8;
	[sflag:s20] =	ssyncadd.s32 $0xFFFFFC18  }
0x53: {  	_ =	swait.ge [sflag:s21], $0x7D00  }
0x54: {  	[sflag:s21] =	ssyncset.done $0x0  }
0x55: {  	[sflag:s21] =	ssyncadd.s32 $0xFFFF8300  }
0x56: {  	_ =	swait.ge [sflag:s13], $0x3E8  }
0x57: {  	[sflag:s13] =	ssyncset.done $0x0  }
0x58: {  	s19 =	rddreg [dreg:$0xc];
	[sflag:s13] =	ssyncadd.s32 $0xFFFFFC18  }
0x59: {  	s8 =	sadd.s32 s18, s19;
	[bflag:$0x0] =	sbarrier.arrive $0xFFFF  }
0x5a: {  	[hbm:s8], [sflag:s16] =	dma.local [spmem:s15], $0xA00  }
0x5b: {  	_ =	swait.ge [sflag:s24], $0xA00  }
0x5c: {  	[sflag:s24] =	ssyncset.done $0x0;
	s20 =	rddreg [dreg:$0x5]  }
0x5d: {  	s8 =	sadd.s32 s14, s20;
	[sflag:s24] =	ssyncadd.s32 $0xFFFFF600  }
0x5e: {  	[hbm:s8], [sflag:s16] =	dma.local [spmem:s17], $0x50  }
0x5f: {  	_ =	swait.ge [sflag:s24], $0x50  }
0x60: {  	s7 =	sadd.s32 $0x1, s7;
	s21 =	rddreg [dreg:$0x12]  }
0x61: {  	p1 =	sne.s32 s7, s21  }
.Ltmp1:
0x62: {  	_ = 	snop;
	(pc) =	sbr.rel @!p1 .LBB2_9-.Ltmp1, $3  }
0x63: {  	_ =	sdelay $0x1  }
0x64: {  	[sflag:s24] =	ssyncset.done $0x0  }
0x65: {  	[sflag:s24] =	ssyncadd.s32 $0xFFFFFFB0  }
.LBB2_1:
0x66: {  	s8 =	rddreg [dreg:$0xb]  }
0x67: {  	s18 =	rddreg [dreg:$0xd];
	s15 =	sshrl.u32 s8, $0x3  }
0x68: {  	[spmem:s15], [sflag:s16] =	dma.local [hbm:s18], $0xA00  }
0x69: {  	_ =	swait.ge [sflag:s24], $0xA00  }
0x6a: {  	[sflag:s24] =	ssyncset.done $0x0;
	s19 =	rddreg [dreg:$0xe]  }
0x6b: {  	s20 =	rddreg [dreg:$0xf];
	[sflag:s24] =	ssyncadd.s32 $0xFFFFF600;
	s17 =	sshrl.u32 s19, $0x3  }
0x6c: {  	[spmem:s17], [sflag:s16] =	dma.local [hbm:s20], $0x50  }
0x6d: {  	_ =	swait.ge [sflag:s24], $0x50  }
0x6e: {  	[sflag:s24] =	ssyncset.done $0x0  }
0x6f: {  	s21 =	rddreg [dreg:$0x6];
	[sflag:s24] =	ssyncadd.s32 $0xFFFFFFB0  }
0x70: {  	[tilespmem:s25], [sflag:$0xB] =	stream.linear.gather [hbm4b:s21+s4], $0x3E8, $0x38;
	[tilespmem:$0x16008] =	vst v63  }
.Ltmp2:
0x71: {  	_ =	swait.ge [sflag:s24], $0x3E8;
	(pc) =	sbr.rel @p0 .LBB2_5-.Ltmp2, $3  }
0x72: {  	[sflag:s24] =	ssyncset.done $0x0  }
0x73: {  	[sflag:s24] =	ssyncadd.s32 $0xFFFFFC18  }
0x74: {  	[bflag:$0x0] =	sbarrier.arrive $0xFFFF;
	_ =	sdelay $0x1  }
0x75: {  	s14 =	simm.s32 $0x0;
	s8 =	rddreg [dreg:$0x11];
	p1 =	por $0x1, $0x1  }
0x76: {  	[tilespmem:s14], [sflag:$0x1] =	stream.linear.gather [hbm4b:s8+s14], $0x3E8, $0x38;
	[tilespmem:$0x16008] =	vst v63  }
0x77: {  	s14 =	simm.s32 @!p1 $0x7  }
0x78: {  	_ =	swait.ge @!p1 [sflag:s14], $0x7D00  }
0x79: {  	[sflag:s14] =	ssyncset.done @!p1 $0x0  }
0x7a: {  	s18 =	simm.s32 @!p1 $0x9;
	[sflag:s14] =	ssyncadd.s32 @!p1 $0xFFFF8300  }
0x7b: {  	_ =	swait.ge @!p1 [sflag:s18], $0x3E8  }
0x7c: {  	[sflag:s18] =	ssyncset.done @!p1 $0x0  }
0x7d: {  	[sflag:s18] =	ssyncadd.s32 @!p1 $0xFFFFFC18  }
0x7e: {  	_ =	swait.ge [sflag:s26], $0x3E8  }
0x7f: {  	[sflag:s26] =	ssyncset.done $0x0  }
0x80: {  	s19 =	sadd.s32 $0x0, s23;
	[sflag:s26] =	ssyncadd.s32 $0xFFFFFC18  }
0x81: {  	[tilespmem:s29], [sflag:$0x5] =	stream.indirect.gather [hbm4b:s5+s28], $0x20, s4, s28, $0xb8;
	[tilespmem:$0x16008] =	vst v63  }
0x82: {  	s20 =	sadd.s32 $0x7D, s19  }
0x83: {  	[tilespmem:s28], [sflag:$0x2] =	stream.linear.gather [hbm4b:s20+s4], $0x3E8, $0x38;
	[tilespmem:$0x16008] =	vst v63  }
0x84: {  	s21 =	sadd.s32 $0x4E20, s19  }
0x85: {  	[tilespmem:s30], [sflag:$0x3] =	stream.linear.gather [hbm4b:s21+s4], $0x3E8, $0x38;
	[tilespmem:$0x16008] =	vst v63  }
0x86: {  	_ =	swait.ge [sflag:s31], $0x7D00  }
0x87: {  	[sflag:s31] =	ssyncset.done $0x0  }
0x88: {  	[sflag:s31] =	ssyncadd.s32 $0xFFFF8300  }
0x89: {  	_ =	swait.ge [sflag:s0], $0x3E8  }
0x8a: {  	[sflag:s0] =	ssyncset.done $0x0  }
0x8b: {  	[sflag:s0] =	ssyncadd.s32 $0xFFFFFC18  }
0x8c: {  	[spmem:s2] =	stream.indirect.scatter.add.f32 [tilespmem:s29], [sflag:$0x7], $0x20, s30, s28, $0xb8;
	[tilespmem:$0x16008] =	vst v63  }
0x8d: {  	s18 =	simm.s32 @!p1 $0x8  }
0x8e: {  	[spmem:s3] =	stream.indirect.scatter.add.f32 [tilespmem:s25], [sflag:$0x9], $0x1, s30, s28, $0xb8;
	[tilespmem:$0x16008] =	vst v63  }
0x8f: {  	_ =	swait.ge @!p1 [sflag:s18], $0x7D00  }
0x90: {  	[sflag:s18] =	ssyncset.done @!p1 $0x0  }
0x91: {  	s21 =	simm.s32 @!p1 $0xA;
	[sflag:s18] =	ssyncadd.s32 @!p1 $0xFFFF8300  }
0x92: {  	_ =	swait.ge @!p1 [sflag:s21], $0x3E8  }
0x93: {  	[sflag:s21] =	ssyncset.done @!p1 $0x0  }
0x94: {  	[sflag:s21] =	ssyncadd.s32 @!p1 $0xFFFFFC18  }
0x95: {  	_ =	swait.ge [sflag:s1], $0x3E8  }
0x96: {  	p1 =	por $0x0, $0x0;
	[sflag:s1] =	ssyncset.done $0x0  }
0x97: {  	s18 =	sadd.s32 @!p1 $0x0, s23;
	[sflag:s1] =	ssyncadd.s32 $0xFFFFFC18  }
0x98: {  	[tilespmem:s9], [sflag:$0x6] =	stream.indirect.gather [hbm4b:s5+s28], $0x20, s28, s28, $0xb8;
	[tilespmem:$0x16008] =	vst v63  }
0x99: {  	s21 =	simm.s32 @!p1 $0x0;
	s18 =	sadd.s32 @!p1 $0xFA, s18  }
0x9a: {  	[tilespmem:s21], [sflag:$0x1] =	stream.linear.gather @!p1 [hbm4b:s18+s21], $0x3E8, $0x38;
	[tilespmem:$0x16008] =	vst v63  }
0x9b: {  	s14 =	sadd.s32 $0x4E9D, s19  }
0x9c: {  	[tilespmem:s10], [sflag:$0x4] =	stream.linear.gather [hbm4b:s14+s4], $0x3E8, $0x38;
	[tilespmem:$0x16008] =	vst v63  }
0x9d: {  	_ =	swait.ge [sflag:s11], $0x7D00  }
0x9e: {  	[sflag:s11] =	ssyncset.done $0x0  }
0x9f: {  	[sflag:s11] =	ssyncadd.s32 $0xFFFF8300  }
0xa0: {  	_ =	swait.ge [sflag:s12], $0x3E8  }
0xa1: {  	s18 =	simm.s32 $0xFA;
	[sflag:s12] =	ssyncset.done $0x0  }
0xa2: {  	s21 =	simm.s32 $0x1F4;
	p1 =	por $0x0, $0x0;
	[sflag:s12] =	ssyncadd.s32 $0xFFFFFC18  }
.LBB2_3:
0xa3: {  	[spmem:s2] =	stream.indirect.scatter.add.f32 [tilespmem:s9], [sflag:$0x8], $0x20, s10, s28, $0xb8;
	[tilespmem:$0x16008] =	vst v63  }
0xa4: {  	s19 =	simm.s32 @!p1 $0x7;
	s14 =	smov.u32 s21;
	s21 =	sadd.s32 $0xFA, s21  }
0xa5: {  	[spmem:s3] =	stream.indirect.scatter.add.f32 [tilespmem:s25], [sflag:$0xA], $0x1, s10, s28, $0xb8;
	[tilespmem:$0x16008] =	vst v63  }
0xa6: {  	p2 =	seq.s32 s21, $0x4E2;
	_ =	swait.ge @!p1 [sflag:s19], $0x7D00  }
0xa7: {  	s20 =	simm.s32 @!p1 $0x9;
	[sflag:s19] =	ssyncset.done @!p1 $0x0  }
0xa8: {  	[sflag:s19] =	ssyncadd.s32 @!p1 $0xFFFF8300  }
0xa9: {  	_ =	swait.ge @!p1 [sflag:s20], $0x3E8  }
0xaa: {  	[sflag:s20] =	ssyncset.done @!p1 $0x0  }
0xab: {  	[sflag:s20] =	ssyncadd.s32 @!p1 $0xFFFFFC18  }
0xac: {  	_ =	swait.ge [sflag:s26], $0x3E8  }
0xad: {  	s19 =	sadd.s32 s18, s23;
	[sflag:s26] =	ssyncset.done $0x0  }
0xae: {  	[sflag:s26] =	ssyncadd.s32 $0xFFFFFC18  }
0xaf: {  	[tilespmem:s29], [sflag:$0x5] =	stream.indirect.gather [hbm4b:s5+s28], $0x20, s4, s28, $0xb8;
	[tilespmem:$0x16008] =	vst v63  }
0xb0: {  	s20 =	sadd.s32 $0x7D, s19  }
0xb1: {  	[tilespmem:s28], [sflag:$0x2] =	stream.linear.gather [hbm4b:s20+s4], $0x3E8, $0x38;
	[tilespmem:$0x16008] =	vst v63  }
0xb2: {  	s20 =	sadd.s32 $0x4E20, s19  }
0xb3: {  	[tilespmem:s30], [sflag:$0x3] =	stream.linear.gather [hbm4b:s20+s4], $0x3E8, $0x38;
	[tilespmem:$0x16008] =	vst v63  }
0xb4: {  	_ =	swait.ge [sflag:s31], $0x7D00  }
0xb5: {  	[sflag:s31] =	ssyncset.done $0x0  }
0xb6: {  	[sflag:s31] =	ssyncadd.s32 $0xFFFF8300  }
0xb7: {  	_ =	swait.ge [sflag:s0], $0x3E8  }
0xb8: {  	[sflag:s0] =	ssyncset.done $0x0  }
0xb9: {  	[sflag:s0] =	ssyncadd.s32 $0xFFFFFC18  }
0xba: {  	[spmem:s2] =	stream.indirect.scatter.add.f32 [tilespmem:s29], [sflag:$0x7], $0x20, s30, s28, $0xb8;
	[tilespmem:$0x16008] =	vst v63  }
0xbb: {  	s20 =	simm.s32 @!p1 $0x8  }
0xbc: {  	[spmem:s3] =	stream.indirect.scatter.add.f32 [tilespmem:s25], [sflag:$0x9], $0x1, s30, s28, $0xb8;
	[tilespmem:$0x16008] =	vst v63  }
0xbd: {  	_ =	swait.ge @!p1 [sflag:s20], $0x7D00  }
0xbe: {  	s8 =	simm.s32 @!p1 $0xA;
	[sflag:s20] =	ssyncset.done @!p1 $0x0  }
0xbf: {  	[sflag:s20] =	ssyncadd.s32 @!p1 $0xFFFF8300  }
0xc0: {  	_ =	swait.ge @!p1 [sflag:s8], $0x3E8  }
0xc1: {  	[sflag:s8] =	ssyncset.done @!p1 $0x0  }
0xc2: {  	[sflag:s8] =	ssyncadd.s32 @!p1 $0xFFFFFC18  }
0xc3: {  	_ =	swait.ge [sflag:s1], $0x3E8  }
0xc4: {  	p1 =	seq.s32 s18, $0x3E8;
	[sflag:s1] =	ssyncset.done $0x0  }
0xc5: {  	s8 =	sadd.s32 @!p1 s18, s23;
	s20 =	simm.s32 @!p1 $0x0;
	[sflag:s1] =	ssyncadd.s32 $0xFFFFFC18  }
0xc6: {  	[tilespmem:s9], [sflag:$0x6] =	stream.indirect.gather [hbm4b:s5+s28], $0x20, s28, s28, $0xb8;
	[tilespmem:$0x16008] =	vst v63  }
0xc7: {  	s18 =	smov.u32 s14;
	s8 =	sadd.s32 @!p1 $0xFA, s8  }
0xc8: {  	[tilespmem:s20], [sflag:$0x1] =	stream.linear.gather @!p1 [hbm4b:s8+s20], $0x3E8, $0x38;
	[tilespmem:$0x16008] =	vst v63  }
0xc9: {  	s8 =	sadd.s32 $0x4E9D, s19  }
0xca: {  	[tilespmem:s10], [sflag:$0x4] =	stream.linear.gather [hbm4b:s8+s4], $0x3E8, $0x38;
	[tilespmem:$0x16008] =	vst v63  }
0xcb: {  	_ =	swait.ge [sflag:s11], $0x7D00  }
.Ltmp3:
0xcc: {  	[sflag:s11] =	ssyncset.done $0x0;
	(pc) =	sbr.rel @!p2 .LBB2_3-.Ltmp3, $4  }
0xcd: {  	[sflag:s11] =	ssyncadd.s32 $0xFFFF8300  }
0xce: {  	_ =	swait.ge [sflag:s12], $0x3E8  }
0xcf: {  	p1 =	seq.s32 s18, $0x0;
	[sflag:s12] =	ssyncset.done $0x0  }
0xd0: {  	[sflag:s12] =	ssyncadd.s32 $0xFFFFFC18  }
0xd1: {  	[spmem:s2] =	stream.indirect.scatter.add.f32 [tilespmem:s9], [sflag:$0x8], $0x20, s10, s28, $0xb8;
	[tilespmem:$0x16008] =	vst v63  }
0xd2: {  	s8 =	simm.s32 @!p1 $0x7  }
0xd3: {  	[spmem:s3] =	stream.indirect.scatter.add.f32 [tilespmem:s25], [sflag:$0xA], $0x1, s10, s28, $0xb8;
	[tilespmem:$0x16008] =	vst v63  }
0xd4: {  	_ =	swait.ge @!p1 [sflag:s8], $0x7D00  }
0xd5: {  	[sflag:s8] =	ssyncset.done @!p1 $0x0  }
0xd6: {  	s14 =	simm.s32 @!p1 $0x9;
	[sflag:s8] =	ssyncadd.s32 @!p1 $0xFFFF8300  }
0xd7: {  	_ =	swait.ge @!p1 [sflag:s14], $0x3E8  }
0xd8: {  	[sflag:s14] =	ssyncset.done @!p1 $0x0  }
0xd9: {  	[sflag:s14] =	ssyncadd.s32 @!p1 $0xFFFFFC18  }
0xda: {  	_ =	swait.ge [sflag:s26], $0x3E8  }
0xdb: {  	[sflag:s26] =	ssyncset.done $0x0  }
0xdc: {  	s8 =	sadd.s32 s18, s23;
	[sflag:s26] =	ssyncadd.s32 $0xFFFFFC18  }
0xdd: {  	[tilespmem:s29], [sflag:$0x5] =	stream.indirect.gather [hbm4b:s5+s28], $0x20, s4, s28, $0xb8;
	[tilespmem:$0x16008] =	vst v63  }
0xde: {  	s20 =	sadd.s32 $0x7D, s8  }
0xdf: {  	[tilespmem:s28], [sflag:$0x2] =	stream.linear.gather [hbm4b:s20+s4], $0x3E8, $0x38;
	[tilespmem:$0x16008] =	vst v63  }
0xe0: {  	s21 =	sadd.s32 $0x4E20, s8  }
0xe1: {  	[tilespmem:s30], [sflag:$0x3] =	stream.linear.gather [hbm4b:s21+s4], $0x3E8, $0x38;
	[tilespmem:$0x16008] =	vst v63  }
0xe2: {  	_ =	swait.ge [sflag:s31], $0x7D00  }
0xe3: {  	[sflag:s31] =	ssyncset.done $0x0  }
0xe4: {  	[sflag:s31] =	ssyncadd.s32 $0xFFFF8300  }
0xe5: {  	_ =	swait.ge [sflag:s0], $0x3E8  }
0xe6: {  	[sflag:s0] =	ssyncset.done $0x0  }
0xe7: {  	[sflag:s0] =	ssyncadd.s32 $0xFFFFFC18  }
0xe8: {  	[spmem:s2] =	stream.indirect.scatter.add.f32 [tilespmem:s29], [sflag:$0x7], $0x20, s30, s28, $0xb8;
	[tilespmem:$0x16008] =	vst v63  }
0xe9: {  	s14 =	simm.s32 @!p1 $0x8  }
0xea: {  	[spmem:s3] =	stream.indirect.scatter.add.f32 [tilespmem:s25], [sflag:$0x9], $0x1, s30, s28, $0xb8;
	[tilespmem:$0x16008] =	vst v63  }
0xeb: {  	_ =	swait.ge @!p1 [sflag:s14], $0x7D00  }
0xec: {  	[sflag:s14] =	ssyncset.done @!p1 $0x0  }
0xed: {  	s19 =	simm.s32 @!p1 $0xA;
	[sflag:s14] =	ssyncadd.s32 @!p1 $0xFFFF8300  }
0xee: {  	_ =	swait.ge @!p1 [sflag:s19], $0x3E8  }
0xef: {  	[sflag:s19] =	ssyncset.done @!p1 $0x0  }
0xf0: {  	[sflag:s19] =	ssyncadd.s32 @!p1 $0xFFFFFC18  }
0xf1: {  	_ =	swait.ge [sflag:s1], $0x3E8  }
0xf2: {  	p1 =	seq.s32 s18, $0x3E8;
	[sflag:s1] =	ssyncset.done $0x0  }
0xf3: {  	s14 =	sadd.s32 @!p1 s18, s23;
	[sflag:s1] =	ssyncadd.s32 $0xFFFFFC18  }
0xf4: {  	[tilespmem:s9], [sflag:$0x6] =	stream.indirect.gather [hbm4b:s5+s28], $0x20, s28, s28, $0xb8;
	[tilespmem:$0x16008] =	vst v63  }
0xf5: {  	s18 =	simm.s32 @!p1 $0x0;
	s14 =	sadd.s32 @!p1 $0xFA, s14  }
0xf6: {  	[tilespmem:s18], [sflag:$0x1] =	stream.linear.gather @!p1 [hbm4b:s14+s18], $0x3E8, $0x38;
	[tilespmem:$0x16008] =	vst v63  }
0xf7: {  	s8 =	sadd.s32 $0x4E9D, s8  }
0xf8: {  	[tilespmem:s10], [sflag:$0x4] =	stream.linear.gather [hbm4b:s8+s4], $0x3E8, $0x38;
	[tilespmem:$0x16008] =	vst v63  }
0xf9: {  	_ =	swait.ge [sflag:s11], $0x7D00  }
0xfa: {  	[sflag:s11] =	ssyncset.done $0x0  }
0xfb: {  	[sflag:s11] =	ssyncadd.s32 $0xFFFF8300  }
0xfc: {  	_ =	swait.ge [sflag:s12], $0x3E8  }
.Ltmp4:
0xfd: {  	[sflag:s12] =	ssyncset.done $0x0;
	(pc) =	sbr.rel .LBB2_8-.Ltmp4, $4  }
0xfe: {  	s18 =	rddreg [dreg:$0x7];
	[sflag:s12] =	ssyncadd.s32 $0xFFFFFC18  }
0xff: {  	[spmem:s2] =	stream.indirect.scatter.add.f32 [tilespmem:s9], [sflag:$0x8], $0x20, s10, s28, $0xb8;
	[tilespmem:$0x16008] =	vst v63  }
0x100: {  	s14 =	rddreg [dreg:$0x9]  }
0x101: {  	[spmem:s3] =	stream.indirect.scatter.add.f32 [tilespmem:s25], [sflag:$0xA], $0x1, s10, s28, $0xb8;
	[tilespmem:$0x16008] =	vst v63  }
.LBB2_5:
0x102: {  	s8 =	simm.s32 $0x0;
	s14 =	rddreg [dreg:$0x10];
	p1 =	por $0x1, $0x1  }
0x103: {  	[tilespmem:s8], [sflag:$0x1] =	stream.linear.gather [hbm4b:s14+s8], $0x3E8, $0x38;
	[tilespmem:$0x16008] =	vst v63  }
0x104: {  	s8 =	simm.s32 @!p1 $0x7  }
0x105: {  	_ =	swait.ge @!p1 [sflag:s8], $0x7D00  }
0x106: {  	[sflag:s8] =	ssyncset.done @!p1 $0x0  }
0x107: {  	s14 =	simm.s32 @!p1 $0x9;
	[sflag:s8] =	ssyncadd.s32 @!p1 $0xFFFF8300  }
0x108: {  	_ =	swait.ge @!p1 [sflag:s14], $0x3E8  }
0x109: {  	[sflag:s14] =	ssyncset.done @!p1 $0x0  }
0x10a: {  	[sflag:s14] =	ssyncadd.s32 @!p1 $0xFFFFFC18  }
0x10b: {  	_ =	swait.ge [sflag:s26], $0x3E8  }
0x10c: {  	[sflag:s26] =	ssyncset.done $0x0  }
0x10d: {  	s19 =	sadd.s32 $0x0, s22;
	[sflag:s26] =	ssyncadd.s32 $0xFFFFFC18  }
0x10e: {  	[tilespmem:s29], [sflag:$0x5] =	stream.indirect.gather [hbm4b:s6+s28], $0x20, s4, s28, $0xb8;
	[tilespmem:$0x16008] =	vst v63  }
0x10f: {  	s20 =	sadd.s32 $0x7D, s19  }
0x110: {  	[tilespmem:s28], [sflag:$0x2] =	stream.linear.gather [hbm4b:s20+s4], $0x3E8, $0x38;
	[tilespmem:$0x16008] =	vst v63  }
0x111: {  	s21 =	sadd.s32 $0x4E20, s19  }
0x112: {  	[tilespmem:s30], [sflag:$0x3] =	stream.linear.gather [hbm4b:s21+s4], $0x3E8, $0x38;
	[tilespmem:$0x16008] =	vst v63  }
0x113: {  	_ =	swait.ge [sflag:s31], $0x7D00  }
0x114: {  	[sflag:s31] =	ssyncset.done $0x0  }
0x115: {  	[sflag:s31] =	ssyncadd.s32 $0xFFFF8300  }
0x116: {  	_ =	swait.ge [sflag:s0], $0x3E8  }
0x117: {  	[sflag:s0] =	ssyncset.done $0x0  }
0x118: {  	[sflag:s0] =	ssyncadd.s32 $0xFFFFFC18  }
0x119: {  	[spmem:s2] =	stream.indirect.scatter.add.f32 [tilespmem:s29], [sflag:$0x7], $0x20, s30, s28, $0xb8;
	[tilespmem:$0x16008] =	vst v63  }
0x11a: {  	s14 =	simm.s32 @!p1 $0x8  }
0x11b: {  	[spmem:s3] =	stream.indirect.scatter.add.f32 [tilespmem:s25], [sflag:$0x9], $0x1, s30, s28, $0xb8;
	[tilespmem:$0x16008] =	vst v63  }
0x11c: {  	_ =	swait.ge @!p1 [sflag:s14], $0x7D00  }
0x11d: {  	[sflag:s14] =	ssyncset.done @!p1 $0x0  }
0x11e: {  	s18 =	simm.s32 @!p1 $0xA;
	[sflag:s14] =	ssyncadd.s32 @!p1 $0xFFFF8300  }
0x11f: {  	_ =	swait.ge @!p1 [sflag:s18], $0x3E8  }
0x120: {  	[sflag:s18] =	ssyncset.done @!p1 $0x0  }
0x121: {  	[sflag:s18] =	ssyncadd.s32 @!p1 $0xFFFFFC18  }
0x122: {  	_ =	swait.ge [sflag:s1], $0x3E8  }
0x123: {  	p1 =	por $0x0, $0x0;
	[sflag:s1] =	ssyncset.done $0x0  }
0x124: {  	s14 =	sadd.s32 @!p1 $0x0, s22;
	[sflag:s1] =	ssyncadd.s32 $0xFFFFFC18  }
0x125: {  	[tilespmem:s9], [sflag:$0x6] =	stream.indirect.gather [hbm4b:s6+s28], $0x20, s28, s28, $0xb8;
	[tilespmem:$0x16008] =	vst v63  }
0x126: {  	s18 =	simm.s32 @!p1 $0x0;
	s14 =	sadd.s32 @!p1 $0xFA, s14  }
0x127: {  	[tilespmem:s18], [sflag:$0x1] =	stream.linear.gather @!p1 [hbm4b:s14+s18], $0x3E8, $0x38;
	[tilespmem:$0x16008] =	vst v63  }
0x128: {  	s8 =	sadd.s32 $0x4E9D, s19  }
0x129: {  	[tilespmem:s10], [sflag:$0x4] =	stream.linear.gather [hbm4b:s8+s4], $0x3E8, $0x38;
	[tilespmem:$0x16008] =	vst v63  }
0x12a: {  	_ =	swait.ge [sflag:s11], $0x7D00  }
0x12b: {  	[sflag:s11] =	ssyncset.done $0x0  }
0x12c: {  	[sflag:s11] =	ssyncadd.s32 $0xFFFF8300  }
0x12d: {  	_ =	swait.ge [sflag:s12], $0x3E8  }
0x12e: {  	s21 =	simm.s32 $0x1F4;
	[sflag:s12] =	ssyncset.done $0x0  }
0x12f: {  	s18 =	simm.s32 $0xFA;
	p1 =	por $0x0, $0x0;
	[sflag:s12] =	ssyncadd.s32 $0xFFFFFC18  }
.LBB2_6:
0x130: {  	[spmem:s2] =	stream.indirect.scatter.add.f32 [tilespmem:s9], [sflag:$0x8], $0x20, s10, s28, $0xb8;
	[tilespmem:$0x16008] =	vst v63  }
0x131: {  	s8 =	simm.s32 @!p1 $0x7;
	s14 =	smov.u32 s21;
	s21 =	sadd.s32 $0xFA, s21  }
0x132: {  	[spmem:s3] =	stream.indirect.scatter.add.f32 [tilespmem:s25], [sflag:$0xA], $0x1, s10, s28, $0xb8;
	[tilespmem:$0x16008] =	vst v63  }
0x133: {  	p2 =	sne.s32 s21, $0x4E2;
	_ =	swait.ge @!p1 [sflag:s8], $0x7D00  }
0x134: {  	s19 =	simm.s32 @!p1 $0x9;
	[sflag:s8] =	ssyncset.done @!p1 $0x0  }
0x135: {  	[sflag:s8] =	ssyncadd.s32 @!p1 $0xFFFF8300  }
0x136: {  	_ =	swait.ge @!p1 [sflag:s19], $0x3E8  }
0x137: {  	[sflag:s19] =	ssyncset.done @!p1 $0x0  }
0x138: {  	[sflag:s19] =	ssyncadd.s32 @!p1 $0xFFFFFC18  }
0x139: {  	_ =	swait.ge [sflag:s26], $0x3E8  }
0x13a: {  	s8 =	sadd.s32 s18, s22;
	[sflag:s26] =	ssyncset.done $0x0  }
0x13b: {  	[sflag:s26] =	ssyncadd.s32 $0xFFFFFC18  }
0x13c: {  	[tilespmem:s29], [sflag:$0x5] =	stream.indirect.gather [hbm4b:s6+s28], $0x20, s4, s28, $0xb8;
	[tilespmem:$0x16008] =	vst v63  }
0x13d: {  	s19 =	sadd.s32 $0x7D, s8  }
0x13e: {  	[tilespmem:s28], [sflag:$0x2] =	stream.linear.gather [hbm4b:s19+s4], $0x3E8, $0x38;
	[tilespmem:$0x16008] =	vst v63  }
0x13f: {  	s19 =	sadd.s32 $0x4E20, s8  }
0x140: {  	[tilespmem:s30], [sflag:$0x3] =	stream.linear.gather [hbm4b:s19+s4], $0x3E8, $0x38;
	[tilespmem:$0x16008] =	vst v63  }
0x141: {  	_ =	swait.ge [sflag:s31], $0x7D00  }
0x142: {  	[sflag:s31] =	ssyncset.done $0x0  }
0x143: {  	[sflag:s31] =	ssyncadd.s32 $0xFFFF8300  }
0x144: {  	_ =	swait.ge [sflag:s0], $0x3E8  }
0x145: {  	[sflag:s0] =	ssyncset.done $0x0  }
0x146: {  	[sflag:s0] =	ssyncadd.s32 $0xFFFFFC18  }
0x147: {  	[spmem:s2] =	stream.indirect.scatter.add.f32 [tilespmem:s29], [sflag:$0x7], $0x20, s30, s28, $0xb8;
	[tilespmem:$0x16008] =	vst v63  }
0x148: {  	s19 =	simm.s32 @!p1 $0x8  }
0x149: {  	[spmem:s3] =	stream.indirect.scatter.add.f32 [tilespmem:s25], [sflag:$0x9], $0x1, s30, s28, $0xb8;
	[tilespmem:$0x16008] =	vst v63  }
0x14a: {  	_ =	swait.ge @!p1 [sflag:s19], $0x7D00  }
0x14b: {  	s20 =	simm.s32 @!p1 $0xA;
	[sflag:s19] =	ssyncset.done @!p1 $0x0  }
0x14c: {  	[sflag:s19] =	ssyncadd.s32 @!p1 $0xFFFF8300  }
0x14d: {  	_ =	swait.ge @!p1 [sflag:s20], $0x3E8  }
0x14e: {  	[sflag:s20] =	ssyncset.done @!p1 $0x0  }
0x14f: {  	[sflag:s20] =	ssyncadd.s32 @!p1 $0xFFFFFC18  }
0x150: {  	_ =	swait.ge [sflag:s1], $0x3E8  }
0x151: {  	p1 =	seq.s32 s18, $0x3E8;
	[sflag:s1] =	ssyncset.done $0x0  }
0x152: {  	s18 =	sadd.s32 @!p1 s18, s22;
	s19 =	simm.s32 @!p1 $0x0;
	[sflag:s1] =	ssyncadd.s32 $0xFFFFFC18  }
0x153: {  	[tilespmem:s9], [sflag:$0x6] =	stream.indirect.gather [hbm4b:s6+s28], $0x20, s28, s28, $0xb8;
	[tilespmem:$0x16008] =	vst v63  }
0x154: {  	s20 =	sadd.s32 @!p1 $0xFA, s18;
	s18 =	smov.u32 s14  }
0x155: {  	[tilespmem:s19], [sflag:$0x1] =	stream.linear.gather @!p1 [hbm4b:s20+s19], $0x3E8, $0x38;
	[tilespmem:$0x16008] =	vst v63  }
0x156: {  	s8 =	sadd.s32 $0x4E9D, s8  }
0x157: {  	[tilespmem:s10], [sflag:$0x4] =	stream.linear.gather [hbm4b:s8+s4], $0x3E8, $0x38;
	[tilespmem:$0x16008] =	vst v63  }
0x158: {  	_ =	swait.ge [sflag:s11], $0x7D00  }
.Ltmp5:
0x159: {  	[sflag:s11] =	ssyncset.done $0x0;
	(pc) =	sbr.rel @p2 .LBB2_6-.Ltmp5, $4  }
0x15a: {  	[sflag:s11] =	ssyncadd.s32 $0xFFFF8300  }
0x15b: {  	_ =	swait.ge [sflag:s12], $0x3E8  }
0x15c: {  	p1 =	seq.s32 s18, $0x0;
	[sflag:s12] =	ssyncset.done $0x0  }
0x15d: {  	[sflag:s12] =	ssyncadd.s32 $0xFFFFFC18  }
.Ltmp6:
0x15e: {  	_ = 	snop;
	(pc) =	sbr.rel .LBB2_7-.Ltmp6, $1  }
0x15f: {  	_ =	sdelay $0x3  }
.LBB2_9:
0x160: {  	_ =	sfence.sel $0x180000  }
0x161: {  	[bflag:$0x0] =	sbarrier.arrive $0xFFFF  }
0x162: {  	_ =	strace $0x90000047  }
0x163: {  	s0 =	stileid.u32;
	[bflag:$0x2] =	sbarrier.arrive $0xFFFF  }
0x164: {  	p0 =	sne.s32 s0, $0x0;
	s0 =	rddreg [dreg:$0x4]  }
0x165: {  	s0 =	sadd.s32 @!p0 $0x100000, s0  }
0x166: {  	[sflag:s0] =	ssyncadd.tile.s32 @!p0 $0x1;
	_ =	shalt  }
.Lfunc_end2:
_tile_overlayer_lowered:
.L_overlay_start_2:
0x167: {  	(tag) =	ssettag $0x2  }
0x168: {  	s0 =	rddreg [dreg:$0x0];
	s2 =	stileid.u32  }
0x169: {  	s1 =	rddreg [dreg:$0x1];
	p0 =	sne.s32 s2, $0x0  }
0x16a: {  	s3 =	rddreg [dreg:$0x2];
	[bflag:$0x3] =	sbarrier.arrive $0xFFFF;
	s2 =	simm.s32 @!p0 $0x1C0B  }
0x16b: {  	[timem:s3], [sflag:s2] =	dma.local @!p0 [hbm:s0], s1  }
0x16c: {  	s0 =	simm.s32 @!p0 $0xB  }
0x16d: {  	_ =	swait.ge @!p0 [sflag:s0], s1  }
0x16e: {  	s1 =	ssub.s32 @!p0 $0x0, s1;
	[sflag:s0] =	ssyncset.done @!p0 $0x0  }
0x16f: {  	[sflag:s0] =	ssyncadd.s32 @!p0 s1  }
0x170: {  	[bflag:$0x3] =	sbarrier.arrive $0xFFFF  }
0x171: {  	_ =	shalt  }

</sc_bundles>
